<compile_context>
chip_gen: v7x
topology: tpu7x:2x2x1
jax: 0.10.2.dev20260603
libtpu: 0.0.44.dev20260713+nightly
codegen_flags: <defaults>
</compile_context>

<pallas_src>
import functools

import jax
import jax.numpy as jnp
from jax import lax
from jax.experimental import pallas as pl
from jax.experimental.pallas import tpu as pltpu
from jax.experimental.pallas import tpu_sc as plsc

N_EDGE = 10000
N_NODE = 320000
DIM = 128
NCORES = 2
NSUB = 16
NTILES = NCORES * NSUB
RPT = N_NODE // NTILES
CHUNK = 80
NCH = RPT // CHUNK
NEP = 10240
EPT = NEP // NSUB

_MESH = plsc.VectorSubcoreMesh(core_axis_name="c", subcore_axis_name="s")


def _seg_body(src, idx3d, zeros_e, out, idx_v, b0, b1, acc, s0, s1):
    cid = lax.axis_index("c")
    sid = lax.axis_index("s")
    wid = sid * NCORES + cid
    pltpu.sync_copy(zeros_e.at[pl.ds(sid * EPT, EPT)], acc.at[pl.ds(sid * EPT, EPT)])
    pltpu.sync_copy(idx3d.at[wid], idx_v)
    plsc.subcore_barrier()
    base = wid * RPT
    bufs = (b0, b1)
    sems = (s0, s1)

    def chunk2(i, carry):
        c = 2 * i
        cps = [pltpu.async_copy(
            src.at[pl.ds(base + (c + k) * CHUNK, CHUNK)], bufs[k], sems[k])
            for k in range(2)]
        for k in range(2):
            cps[k].wait()
            pltpu.sync_copy(bufs[k], acc.at[idx_v.at[c + k]], add=True)
        return carry

    lax.fori_loop(0, NCH // 2, chunk2, 0)
    last = NCH - 1
    pltpu.async_copy(src.at[pl.ds(base + last * CHUNK, CHUNK)], bufs[0], sems[0]).wait()
    pltpu.sync_copy(bufs[0], acc.at[idx_v.at[last]], add=True)
    plsc.subcore_barrier()
    pltpu.sync_copy(acc.at[pl.ds(sid * EPT, EPT)], out.at[cid, pl.ds(sid * EPT, EPT)])


def _make_seg():
    return pl.kernel(
        _seg_body,
        out_type=jax.ShapeDtypeStruct((NCORES, NEP, DIM), jnp.float32),
        mesh=_MESH,
        scratch_types=[
            pltpu.VMEM((NCH, CHUNK), jnp.int32),
            pltpu.VMEM((CHUNK, DIM), jnp.float32),
            pltpu.VMEM((CHUNK, DIM), jnp.float32),
            pltpu.VMEM_SHARED((NEP, DIM), jnp.float32),
            pltpu.SemaphoreType.DMA,
            pltpu.SemaphoreType.DMA,
        ],
    )


_seg_sum = _make_seg()


def _cnt_body(ones_h, idx3d, zeros_e, out, idx_v, ones_v, acc):
    cid = lax.axis_index("c")
    sid = lax.axis_index("s")
    wid = sid * NCORES + cid
    pltpu.sync_copy(zeros_e.at[pl.ds(sid * EPT, EPT)], acc.at[pl.ds(sid * EPT, EPT)])
    pltpu.sync_copy(idx3d.at[wid], idx_v)
    pltpu.sync_copy(ones_h, ones_v)
    plsc.subcore_barrier()

    def chunk(c, carry):
        pltpu.sync_copy(ones_v, acc.at[idx_v.at[c]], add=True)
        return carry

    lax.fori_loop(0, NCH, chunk, 0)
    plsc.subcore_barrier()
    pltpu.sync_copy(acc.at[pl.ds(sid * EPT, EPT)], out.at[cid, pl.ds(sid * EPT, EPT)])


_cnt_sum = pl.kernel(
    _cnt_body,
    out_type=jax.ShapeDtypeStruct((NCORES, NEP, DIM), jnp.float32),
    mesh=_MESH,
    scratch_types=[
        pltpu.VMEM((NCH, CHUNK), jnp.int32),
        pltpu.VMEM((CHUNK, DIM), jnp.float32),
        pltpu.VMEM_SHARED((NEP, DIM), jnp.float32),
    ],
)


def _gather_body(g, idx3d, out, idx_v, b0, b1, b2, b3, s0, s1, s2, s3):
    cid = lax.axis_index("c")
    sid = lax.axis_index("s")
    wid = sid * NCORES + cid
    pltpu.sync_copy(idx3d.at[wid], idx_v)
    base = wid * RPT
    bufs = (b0, b1, b2, b3)
    sems = (s0, s1, s2, s3)

    def chunk4(i, carry):
        c = 4 * i
        cps = [pltpu.async_copy(g.at[idx_v.at[c + k]], bufs[k], sems[k])
               for k in range(4)]
        for k in range(4):
            cps[k].wait()
            pltpu.sync_copy(bufs[k], out.at[pl.ds(base + (c + k) * CHUNK, CHUNK)])
        return carry

    lax.fori_loop(0, NCH // 4, chunk4, 0)
    last = NCH - 1
    pltpu.async_copy(g.at[idx_v.at[last]], bufs[0], sems[0]).wait()
    pltpu.sync_copy(bufs[0], out.at[pl.ds(base + last * CHUNK, CHUNK)])


_gather = pl.kernel(
    _gather_body,
    out_type=jax.ShapeDtypeStruct((N_NODE, DIM), jnp.float32),
    mesh=_MESH,
    scratch_types=[
        pltpu.VMEM((NCH, CHUNK), jnp.int32),
        pltpu.VMEM((CHUNK, DIM), jnp.float32),
        pltpu.VMEM((CHUNK, DIM), jnp.float32),
        pltpu.VMEM((CHUNK, DIM), jnp.float32),
        pltpu.VMEM((CHUNK, DIM), jnp.float32),
        pltpu.SemaphoreType.DMA,
        pltpu.SemaphoreType.DMA,
        pltpu.SemaphoreType.DMA,
        pltpu.SemaphoreType.DMA,
    ],
)


def _edge_block(he_ref, s0_ref, s1_ref, c0_ref, c1_ref, vwt_ref, vwb_ref,
                vb_ref, ewt_ref, heo_ref, g_ref):
    cnt = jnp.maximum(c0_ref[...] + c1_ref[...], 1.0)
    agg = (s0_ref[...] + s1_ref[...]) / cnt
    he = jnp.maximum(
        jnp.dot(he_ref[...], vwt_ref[...], preferred_element_type=jnp.float32)
        + jnp.dot(agg, vwb_ref[...], preferred_element_type=jnp.float32)
        + vb_ref[...], 0.0)
    heo_ref[...] = he
    g_ref[...] = jnp.dot(he, ewt_ref[...], preferred_element_type=jnp.float32)


def _edge_update(he, sp, cp, vwt, vwb, vb, ewt):
    blk = 2000
    grid = N_EDGE // blk
    return pl.pallas_call(
        _edge_block,
        grid=(grid,),
        in_specs=[
            pl.BlockSpec((blk, DIM), lambda i: (i, 0)),
            pl.BlockSpec((blk, DIM), lambda i: (i, 0)),
            pl.BlockSpec((blk, DIM), lambda i: (i, 0)),
            pl.BlockSpec((blk, DIM), lambda i: (i, 0)),
            pl.BlockSpec((blk, DIM), lambda i: (i, 0)),
            pl.BlockSpec((DIM, DIM), lambda i: (0, 0)),
            pl.BlockSpec((DIM, DIM), lambda i: (0, 0)),
            pl.BlockSpec((1, DIM), lambda i: (0, 0)),
            pl.BlockSpec((DIM, DIM), lambda i: (0, 0)),
        ],
        out_specs=[
            pl.BlockSpec((blk, DIM), lambda i: (i, 0)),
            pl.BlockSpec((blk, DIM), lambda i: (i, 0)),
        ],
        out_shape=[
            jax.ShapeDtypeStruct((N_EDGE, DIM), jnp.float32),
            jax.ShapeDtypeStruct((N_EDGE, DIM), jnp.float32),
        ],
    )(he, sp[0], sp[1], cp[0], cp[1], vwt, vwb, vb, ewt)


def _node_block(ow, hn_ref, gg_ref, ewb_ref, eb_ref, sel_ref, out_ref):
    gg = gg_ref[...]
    if ow != DIM:
        gg = jnp.dot(gg, sel_ref[...], preferred_element_type=jnp.float32)
    out_ref[...] = jnp.maximum(
        jnp.dot(hn_ref[...], ewb_ref[...], preferred_element_type=jnp.float32)
        + gg + eb_ref[...], 0.0)


def _node_update(hn, gg, ewb, eb, sel, ow):
    blk = 8000
    grid = N_NODE // blk
    return pl.pallas_call(
        functools.partial(_node_block, ow),
        grid=(grid,),
        in_specs=[
            pl.BlockSpec((blk, DIM), lambda i: (i, 0)),
            pl.BlockSpec((blk, DIM), lambda i: (i, 0)),
            pl.BlockSpec((DIM, ow), lambda i: (0, 0)),
            pl.BlockSpec((1, ow), lambda i: (0, 0)),
            pl.BlockSpec((DIM, ow), lambda i: (0, 0)),
        ],
        out_specs=pl.BlockSpec((blk, ow), lambda i: (i, 0)),
        out_shape=jax.ShapeDtypeStruct((N_NODE, ow), jnp.float32),
    )(hn, gg, ewb, eb, sel)


def kernel(hyperedge, hyper_node, ve_affiliation,
           v2e_W0, v2e_b0, v2e_W1, v2e_b1, v2e_W2, v2e_b2,
           e2v_W0, e2v_b0, e2v_W1, e2v_b1, e2v_W2, e2v_b2):
    idx = ve_affiliation[0]
    idx3d = idx.reshape(NTILES, NCH, CHUNK)
    zeros_e = jnp.zeros((NEP, DIM), jnp.float32)
    ones_r = jnp.ones((CHUNK, DIM), jnp.float32)

    vW = ((v2e_W0[:DIM], v2e_W0[DIM:], v2e_b0.reshape(1, DIM)),
          (v2e_W1[:DIM], v2e_W1[DIM:], v2e_b1.reshape(1, DIM)),
          (v2e_W2[:DIM], v2e_W2[DIM:], v2e_b2.reshape(1, DIM)))
    eW = ((e2v_W0[:DIM], e2v_W0[DIM:], e2v_b0.reshape(1, DIM)),
          (e2v_W1[:DIM], e2v_W1[DIM:], e2v_b1.reshape(1, DIM)))
    e2t_pad = jnp.pad(e2v_W2[:DIM], ((0, 0), (0, DIM - 1)))
    e2b = e2v_W2[DIM:]
    sel128 = jnp.eye(DIM, dtype=jnp.float32)
    sel1 = jnp.eye(DIM, 1, dtype=jnp.float32)

    he, hn = hyperedge, hyper_node
    cp = _cnt_sum(ones_r, idx3d, zeros_e)[:, :N_EDGE]
    for l in range(3):
        sp = _seg_sum(hn, idx3d, zeros_e)[:, :N_EDGE]
        if l < 2:
            he, g = _edge_update(he, sp, cp, vW[l][0], vW[l][1], vW[l][2],
                                 eW[l][0])
            gg = _gather(g, idx3d)
            hn = _node_update(hn, gg, eW[l][1], eW[l][2], sel128, DIM)
        else:
            he, g = _edge_update(he, sp, cp, vW[l][0], vW[l][1], vW[l][2],
                                 e2t_pad)
            gg = _gather(g, idx3d)
            hn = _node_update(hn, gg, e2b, e2v_b2.reshape(1, 1), sel1, 1)
    return (he, hn)

# --- scband reference (transcript-rebuilt; emitter-appended) ---
"""Pipeline reference for scband-gen-imp-47390669144623 (READ-ONLY COPY).

The authoritative reference and input builder live on the scoring server;
editing this copy changes nothing except your own understanding.
"""

import jax, jax.numpy as jnp
import numpy as np

N_E = 10000
M = 320000
D = 128
H = 128
L = 3


def _glorot(key, shape):
    fan_in = shape[0]
    return jax.random.normal(key, shape, dtype=jnp.float32) * (1.0 / np.sqrt(fan_in))


def setup_inputs(seed: int = 0) -> dict:
    key = jax.random.key(seed)
    ks = jax.random.split(key, 12)
    inp = {
        "hyperedge": jax.random.normal(ks[0], (N_E, D), dtype=jnp.float32),
        "hyper_node": jax.random.normal(ks[1], (M, D), dtype=jnp.float32),
        "ve_affiliation": jax.random.randint(ks[2], (2, M), 0, N_E, dtype=jnp.int32),
        "v2e_W0": _glorot(ks[3], (D + D, H)), "v2e_b0": jnp.zeros((H,), jnp.float32),
        "v2e_W1": _glorot(ks[4], (H + H, H)), "v2e_b1": jnp.zeros((H,), jnp.float32),
        "v2e_W2": _glorot(ks[5], (H + H, H)), "v2e_b2": jnp.zeros((H,), jnp.float32),
        "e2v_W0": _glorot(ks[6], (H + D, H)), "e2v_b0": jnp.zeros((H,), jnp.float32),
        "e2v_W1": _glorot(ks[7], (H + H, H)), "e2v_b1": jnp.zeros((H,), jnp.float32),
        "e2v_W2": _glorot(ks[8], (H + H, 1)), "e2v_b2": jnp.zeros((1,), jnp.float32),
    }
    return inp


def reference(hyperedge, hyper_node, ve_affiliation,
              v2e_W0, v2e_b0, v2e_W1, v2e_b1, v2e_W2, v2e_b2,
              e2v_W0, e2v_b0, e2v_W1, e2v_b1, e2v_W2, e2v_b2):
    idx = ve_affiliation[0]
    vW = (v2e_W0, v2e_W1, v2e_W2)
    vb = (v2e_b0, v2e_b1, v2e_b2)
    eW = (e2v_W0, e2v_W1, e2v_W2)
    eb = (e2v_b0, e2v_b1, e2v_b2)
    he, hn = hyperedge, hyper_node
    ones = jnp.ones((hn.shape[0], 1), jnp.float32)
    cnt = jnp.maximum(jax.ops.segment_sum(ones, idx, num_segments=he.shape[0]), 1.0)
    for l in range(L):
        # V2E: mean-aggregate hyper_node incidences into hyperedges, concat, linear, relu
        agg = jax.ops.segment_sum(hn, idx, num_segments=he.shape[0]) / cnt
        he = jax.nn.relu(jnp.concatenate([he, agg], axis=1) @ vW[l] + vb[l])
        # E2V: gather hyperedge features per incidence, concat with hyper_node, linear, relu
        hn = jax.nn.relu(jnp.concatenate([he[idx], hn], axis=1) @ eW[l] + eb[l])
    return (he, hn)

if __name__ == "__main__":
    import jax
    _d = setup_inputs()
    print(jax.jit(kernel)(*tuple(_d.values())))

</pallas_src>

<mosaic_0001>
#map = affine_map<(d0, d1) -> (0, 0)>
#map1 = affine_map<(d0, d1) -> (0, 0, 0)>
module attributes {stable_mosaic.version = 14 : i64} {
  func.func @_gather_body(%arg0: i32, %arg1: i32, %arg2: memref<10000x128xf32, #tpu.memory_space<hbm>>, %arg3: memref<32x125x80xi32, #tpu.memory_space<hbm>>, %arg4: memref<320000x128xf32, #tpu.memory_space<hbm>>, %arg5: memref<125x80xi32, #tpu.memory_space<vmem>>, %arg6: memref<80x128xf32, #tpu.memory_space<vmem>>, %arg7: memref<80x128xf32, #tpu.memory_space<vmem>>, %arg8: memref<80x128xf32, #tpu.memory_space<vmem>>, %arg9: memref<80x128xf32, #tpu.memory_space<vmem>>, %arg10: memref<!tpu.dma_semaphore, #tpu.memory_space<semaphore_mem>>, %arg11: memref<!tpu.dma_semaphore, #tpu.memory_space<semaphore_mem>>, %arg12: memref<!tpu.dma_semaphore, #tpu.memory_space<semaphore_mem>>, %arg13: memref<!tpu.dma_semaphore, #tpu.memory_space<semaphore_mem>>) attributes {dimension_semantics = [#tpu.dimension_semantics<core_parallel>, #tpu.dimension_semantics<subcore_parallel>], iteration_bounds = array<i64: 2, 16>, scalar_prefetch = 0 : i64, scratch_operands = 9 : i64, tpu.core_type = #tpu.core_type<sc_vector_subcore>, window_params = [{transform_indices = #map}, {transform_indices = #map1}, {transform_indices = #map}]} {
    %mul3A = arith.constant 2 : i32
    %mul3A_0 = arith.muli %arg1, %mul3A : i32
    %add3A = arith.addi %mul3A_0, %arg0 : i32
    "tpu.region"() ({
      %run_scoped3A = tpu.sem_alloc : memref<!tpu.dma_semaphore, #tpu.memory_space<semaphore_mem>>
      %dma_start3A_22 = arith.constant 0 : i32
      %dma_start3A_23 = arith.constant 0 : i32
      %dma_start3A_24 = tpu.memref_slice %arg3[%add3A, %dma_start3A_22, %dma_start3A_23] : memref<32x125x80xi32, #tpu.memory_space<hbm>> -> memref<1x125x80xi32, #tpu.memory_space<hbm>>
      %dma_start3A_25 = tpu.memref_squeeze %dma_start3A_24 : memref<1x125x80xi32, #tpu.memory_space<hbm>> -> memref<125x80xi32, #tpu.memory_space<hbm>>
      %dma_start3A_26 = arith.constant 0 : i32
      %dma_start3A_27 = arith.constant 0 : i32
      %dma_start3A_28 = tpu.memref_slice %arg3[%add3A, %dma_start3A_26, %dma_start3A_27] : memref<32x125x80xi32, #tpu.memory_space<hbm>> -> memref<1x125x80xi32, #tpu.memory_space<hbm>>
      %dma_start3A_29 = tpu.memref_squeeze %dma_start3A_28 : memref<1x125x80xi32, #tpu.memory_space<hbm>> -> memref<125x80xi32, #tpu.memory_space<hbm>>
      tpu.enqueue_dma source(%dma_start3A_29 : memref<125x80xi32, #tpu.memory_space<hbm>>) target(%arg5 : memref<125x80xi32, #tpu.memory_space<vmem>>) target_semaphore(%run_scoped3A : memref<!tpu.dma_semaphore, #tpu.memory_space<semaphore_mem>>)
      %dma_wait3A_30 = arith.constant 0 : i32
      %dma_wait3A_31 = arith.constant 0 : i32
      %dma_wait3A_32 = tpu.memref_slice %arg3[%add3A, %dma_wait3A_30, %dma_wait3A_31] : memref<32x125x80xi32, #tpu.memory_space<hbm>> -> memref<1x125x80xi32, #tpu.memory_space<hbm>>
      %dma_wait3A_33 = tpu.memref_squeeze %dma_wait3A_32 : memref<1x125x80xi32, #tpu.memory_space<hbm>> -> memref<125x80xi32, #tpu.memory_space<hbm>>
      %dma_wait3A_34 = arith.constant 0 : i32
      %dma_wait3A_35 = arith.constant 0 : i32
      %dma_wait3A_36 = tpu.memref_slice %arg3[%add3A, %dma_wait3A_34, %dma_wait3A_35] : memref<32x125x80xi32, #tpu.memory_space<hbm>> -> memref<1x125x80xi32, #tpu.memory_space<hbm>>
      %dma_wait3A_37 = tpu.memref_squeeze %dma_wait3A_36 : memref<1x125x80xi32, #tpu.memory_space<hbm>> -> memref<125x80xi32, #tpu.memory_space<hbm>>
      tpu.wait_dma2 semaphore(%run_scoped3A : memref<!tpu.dma_semaphore, #tpu.memory_space<semaphore_mem>>) src(%dma_wait3A_37 : memref<125x80xi32, #tpu.memory_space<hbm>>) dst(%arg5 : memref<125x80xi32, #tpu.memory_space<vmem>>)
      tpu.yield
    }) : () -> ()
    %mul3A_1 = arith.constant 10000 : i32
    %mul3A_2 = arith.muli %add3A, %mul3A_1 : i32
    %scan3A = arith.constant 0 : i32
    %scan3A_3 = arith.constant 0 : i32
    %scan3A_4 = arith.constant 31 : i32
    %scan3A_5 = arith.addi %scan3A_3, %scan3A_4 : i32
    %scan3A_6 = arith.constant 1 : i32
    scf.for %scan3A_22 = %scan3A_3 to %scan3A_5 step %scan3A_6  : i32 {
      %mul3A_23 = arith.constant 4 : i32
      %mul3A_24 = arith.muli %mul3A_23, %scan3A_22 : i32
      %add3A_25 = arith.constant 0 : i32
      %add3A_26 = arith.addi %mul3A_24, %add3A_25 : i32
      %dma_start3A_27 = arith.constant 0 : i32
      %dma_start3A_28 = tpu.memref_slice %arg5[%add3A_26, %dma_start3A_27] : memref<125x80xi32, #tpu.memory_space<vmem>> -> memref<1x80xi32, #tpu.memory_space<vmem>>
      %dma_start3A_29 = tpu.memref_squeeze %dma_start3A_28 : memref<1x80xi32, #tpu.memory_space<vmem>> -> memref<80xi32, #tpu.memory_space<vmem>>
      %dma_start3A_30 = arith.constant 0 : i32
      %dma_start3A_31 = arith.constant 0 : i32
      %dma_start3A_32 = tpu.memref_slice %arg2[%dma_start3A_30, %dma_start3A_31] : memref<10000x128xf32, #tpu.memory_space<hbm>> -> memref<10000x128xf32, #tpu.memory_space<hbm>>
      tpu.enqueue_indirect_dma source(%dma_start3A_32 : memref<10000x128xf32, #tpu.memory_space<hbm>>) target(%arg6 : memref<80x128xf32, #tpu.memory_space<vmem>>) offsets(%dma_start3A_29 : memref<80xi32, #tpu.memory_space<vmem>>) semaphore(%arg10 : memref<!tpu.dma_semaphore, #tpu.memory_space<semaphore_mem>>)
      %add3A_33 = arith.constant 1 : i32
      %add3A_34 = arith.addi %mul3A_24, %add3A_33 : i32
      %dma_start3A_35 = arith.constant 0 : i32
      %dma_start3A_36 = tpu.memref_slice %arg5[%add3A_34, %dma_start3A_35] : memref<125x80xi32, #tpu.memory_space<vmem>> -> memref<1x80xi32, #tpu.memory_space<vmem>>
      %dma_start3A_37 = tpu.memref_squeeze %dma_start3A_36 : memref<1x80xi32, #tpu.memory_space<vmem>> -> memref<80xi32, #tpu.memory_space<vmem>>
      %dma_start3A_38 = arith.constant 0 : i32
      %dma_start3A_39 = arith.constant 0 : i32
      %dma_start3A_40 = tpu.memref_slice %arg2[%dma_start3A_38, %dma_start3A_39] : memref<10000x128xf32, #tpu.memory_space<hbm>> -> memref<10000x128xf32, #tpu.memory_space<hbm>>
      tpu.enqueue_indirect_dma source(%dma_start3A_40 : memref<10000x128xf32, #tpu.memory_space<hbm>>) target(%arg7 : memref<80x128xf32, #tpu.memory_space<vmem>>) offsets(%dma_start3A_37 : memref<80xi32, #tpu.memory_space<vmem>>) semaphore(%arg11 : memref<!tpu.dma_semaphore, #tpu.memory_space<semaphore_mem>>)
      %add3A_41 = arith.constant 2 : i32
      %add3A_42 = arith.addi %mul3A_24, %add3A_41 : i32
      %dma_start3A_43 = arith.constant 0 : i32
      %dma_start3A_44 = tpu.memref_slice %arg5[%add3A_42, %dma_start3A_43] : memref<125x80xi32, #tpu.memory_space<vmem>> -> memref<1x80xi32, #tpu.memory_space<vmem>>
      %dma_start3A_45 = tpu.memref_squeeze %dma_start3A_44 : memref<1x80xi32, #tpu.memory_space<vmem>> -> memref<80xi32, #tpu.memory_space<vmem>>
      %dma_start3A_46 = arith.constant 0 : i32
      %dma_start3A_47 = arith.constant 0 : i32
      %dma_start3A_48 = tpu.memref_slice %arg2[%dma_start3A_46, %dma_start3A_47] : memref<10000x128xf32, #tpu.memory_space<hbm>> -> memref<10000x128xf32, #tpu.memory_space<hbm>>
      tpu.enqueue_indirect_dma source(%dma_start3A_48 : memref<10000x128xf32, #tpu.memory_space<hbm>>) target(%arg8 : memref<80x128xf32, #tpu.memory_space<vmem>>) offsets(%dma_start3A_45 : memref<80xi32, #tpu.memory_space<vmem>>) semaphore(%arg12 : memref<!tpu.dma_semaphore, #tpu.memory_space<semaphore_mem>>)
      %add3A_49 = arith.constant 3 : i32
      %add3A_50 = arith.addi %mul3A_24, %add3A_49 : i32
      %dma_start3A_51 = arith.constant 0 : i32
      %dma_start3A_52 = tpu.memref_slice %arg5[%add3A_50, %dma_start3A_51] : memref<125x80xi32, #tpu.memory_space<vmem>> -> memref<1x80xi32, #tpu.memory_space<vmem>>
      %dma_start3A_53 = tpu.memref_squeeze %dma_start3A_52 : memref<1x80xi32, #tpu.memory_space<vmem>> -> memref<80xi32, #tpu.memory_space<vmem>>
      %dma_start3A_54 = arith.constant 0 : i32
      %dma_start3A_55 = arith.constant 0 : i32
      %dma_start3A_56 = tpu.memref_slice %arg2[%dma_start3A_54, %dma_start3A_55] : memref<10000x128xf32, #tpu.memory_space<hbm>> -> memref<10000x128xf32, #tpu.memory_space<hbm>>
      tpu.enqueue_indirect_dma source(%dma_start3A_56 : memref<10000x128xf32, #tpu.memory_space<hbm>>) target(%arg9 : memref<80x128xf32, #tpu.memory_space<vmem>>) offsets(%dma_start3A_53 : memref<80xi32, #tpu.memory_space<vmem>>) semaphore(%arg13 : memref<!tpu.dma_semaphore, #tpu.memory_space<semaphore_mem>>)
      %dma_wait3A_57 = arith.constant 0 : i32
      %dma_wait3A_58 = tpu.memref_slice %arg5[%add3A_26, %dma_wait3A_57] : memref<125x80xi32, #tpu.memory_space<vmem>> -> memref<1x80xi32, #tpu.memory_space<vmem>>
      %dma_wait3A_59 = tpu.memref_squeeze %dma_wait3A_58 : memref<1x80xi32, #tpu.memory_space<vmem>> -> memref<80xi32, #tpu.memory_space<vmem>>
      %dma_wait3A_60 = arith.constant 0 : i32
      %dma_wait3A_61 = arith.constant 0 : i32
      %dma_wait3A_62 = tpu.memref_slice %arg2[%dma_wait3A_60, %dma_wait3A_61] : memref<10000x128xf32, #tpu.memory_space<hbm>> -> memref<10000x128xf32, #tpu.memory_space<hbm>>
      tpu.wait_indirect_dma semaphore(%arg10 : memref<!tpu.dma_semaphore, #tpu.memory_space<semaphore_mem>>) src(%dma_wait3A_62 : memref<10000x128xf32, #tpu.memory_space<hbm>>) dst(%arg6 : memref<80x128xf32, #tpu.memory_space<vmem>>)
      %add3A_63 = arith.constant 0 : i32
      %add3A_64 = arith.addi %mul3A_24, %add3A_63 : i32
      %mul3A_65 = arith.constant 80 : i32
      %mul3A_66 = arith.muli %add3A_64, %mul3A_65 : i32
      %add3A_67 = arith.addi %mul3A_2, %mul3A_66 : i32
      "tpu.region"() ({
        %run_scoped3A = tpu.sem_alloc : memref<!tpu.dma_semaphore, #tpu.memory_space<semaphore_mem>>
        %dma_start3A_101 = arith.constant 0 : i32
        %dma_start3A_102 = tpu.memref_slice %arg4[%add3A_67, %dma_start3A_101] : memref<320000x128xf32, #tpu.memory_space<hbm>> -> memref<80x128xf32, #tpu.memory_space<hbm>>
        %dma_start3A_103 = arith.constant 0 : i32
        %dma_start3A_104 = tpu.memref_slice %arg4[%add3A_67, %dma_start3A_103] : memref<320000x128xf32, #tpu.memory_space<hbm>> -> memref<80x128xf32, #tpu.memory_space<hbm>>
        tpu.enqueue_dma source(%arg6 : memref<80x128xf32, #tpu.memory_space<vmem>>) target(%dma_start3A_104 : memref<80x128xf32, #tpu.memory_space<hbm>>) target_semaphore(%run_scoped3A : memref<!tpu.dma_semaphore, #tpu.memory_space<semaphore_mem>>)
        %dma_wait3A_105 = arith.constant 0 : i32
        %dma_wait3A_106 = tpu.memref_slice %arg4[%add3A_67, %dma_wait3A_105] : memref<320000x128xf32, #tpu.memory_space<hbm>> -> memref<80x128xf32, #tpu.memory_space<hbm>>
        %dma_wait3A_107 = arith.constant 0 : i32
        %dma_wait3A_108 = tpu.memref_slice %arg4[%add3A_67, %dma_wait3A_107] : memref<320000x128xf32, #tpu.memory_space<hbm>> -> memref<80x128xf32, #tpu.memory_space<hbm>>
        tpu.wait_dma2 semaphore(%run_scoped3A : memref<!tpu.dma_semaphore, #tpu.memory_space<semaphore_mem>>) src(%arg6 : memref<80x128xf32, #tpu.memory_space<vmem>>) dst(%dma_wait3A_108 : memref<80x128xf32, #tpu.memory_space<hbm>>)
        tpu.yield
      }) : () -> ()
      %dma_wait3A_68 = arith.constant 0 : i32
      %dma_wait3A_69 = tpu.memref_slice %arg5[%add3A_34, %dma_wait3A_68] : memref<125x80xi32, #tpu.memory_space<vmem>> -> memref<1x80xi32, #tpu.memory_space<vmem>>
      %dma_wait3A_70 = tpu.memref_squeeze %dma_wait3A_69 : memref<1x80xi32, #tpu.memory_space<vmem>> -> memref<80xi32, #tpu.memory_space<vmem>>
      %dma_wait3A_71 = arith.constant 0 : i32
      %dma_wait3A_72 = arith.constant 0 : i32
      %dma_wait3A_73 = tpu.memref_slice %arg2[%dma_wait3A_71, %dma_wait3A_72] : memref<10000x128xf32, #tpu.memory_space<hbm>> -> memref<10000x128xf32, #tpu.memory_space<hbm>>
      tpu.wait_indirect_dma semaphore(%arg11 : memref<!tpu.dma_semaphore, #tpu.memory_space<semaphore_mem>>) src(%dma_wait3A_73 : memref<10000x128xf32, #tpu.memory_space<hbm>>) dst(%arg7 : memref<80x128xf32, #tpu.memory_space<vmem>>)
      %add3A_74 = arith.constant 1 : i32
      %add3A_75 = arith.addi %mul3A_24, %add3A_74 : i32
      %mul3A_76 = arith.constant 80 : i32
      %mul3A_77 = arith.muli %add3A_75, %mul3A_76 : i32
      %add3A_78 = arith.addi %mul3A_2, %mul3A_77 : i32
      "tpu.region"() ({
        %run_scoped3A = tpu.sem_alloc : memref<!tpu.dma_semaphore, #tpu.memory_space<semaphore_mem>>
        %dma_start3A_101 = arith.constant 0 : i32
        %dma_start3A_102 = tpu.memref_slice %arg4[%add3A_78, %dma_start3A_101] : memref<320000x128xf32, #tpu.memory_space<hbm>> -> memref<80x128xf32, #tpu.memory_space<hbm>>
        %dma_start3A_103 = arith.constant 0 : i32
        %dma_start3A_104 = tpu.memref_slice %arg4[%add3A_78, %dma_start3A_103] : memref<320000x128xf32, #tpu.memory_space<hbm>> -> memref<80x128xf32, #tpu.memory_space<hbm>>
        tpu.enqueue_dma source(%arg7 : memref<80x128xf32, #tpu.memory_space<vmem>>) target(%dma_start3A_104 : memref<80x128xf32, #tpu.memory_space<hbm>>) target_semaphore(%run_scoped3A : memref<!tpu.dma_semaphore, #tpu.memory_space<semaphore_mem>>)
        %dma_wait3A_105 = arith.constant 0 : i32
        %dma_wait3A_106 = tpu.memref_slice %arg4[%add3A_78, %dma_wait3A_105] : memref<320000x128xf32, #tpu.memory_space<hbm>> -> memref<80x128xf32, #tpu.memory_space<hbm>>
        %dma_wait3A_107 = arith.constant 0 : i32
        %dma_wait3A_108 = tpu.memref_slice %arg4[%add3A_78, %dma_wait3A_107] : memref<320000x128xf32, #tpu.memory_space<hbm>> -> memref<80x128xf32, #tpu.memory_space<hbm>>
        tpu.wait_dma2 semaphore(%run_scoped3A : memref<!tpu.dma_semaphore, #tpu.memory_space<semaphore_mem>>) src(%arg7 : memref<80x128xf32, #tpu.memory_space<vmem>>) dst(%dma_wait3A_108 : memref<80x128xf32, #tpu.memory_space<hbm>>)
        tpu.yield
      }) : () -> ()
      %dma_wait3A_79 = arith.constant 0 : i32
      %dma_wait3A_80 = tpu.memref_slice %arg5[%add3A_42, %dma_wait3A_79] : memref<125x80xi32, #tpu.memory_space<vmem>> -> memref<1x80xi32, #tpu.memory_space<vmem>>
      %dma_wait3A_81 = tpu.memref_squeeze %dma_wait3A_80 : memref<1x80xi32, #tpu.memory_space<vmem>> -> memref<80xi32, #tpu.memory_space<vmem>>
      %dma_wait3A_82 = arith.constant 0 : i32
      %dma_wait3A_83 = arith.constant 0 : i32
      %dma_wait3A_84 = tpu.memref_slice %arg2[%dma_wait3A_82, %dma_wait3A_83] : memref<10000x128xf32, #tpu.memory_space<hbm>> -> memref<10000x128xf32, #tpu.memory_space<hbm>>
      tpu.wait_indirect_dma semaphore(%arg12 : memref<!tpu.dma_semaphore, #tpu.memory_space<semaphore_mem>>) src(%dma_wait3A_84 : memref<10000x128xf32, #tpu.memory_space<hbm>>) dst(%arg8 : memref<80x128xf32, #tpu.memory_space<vmem>>)
      %add3A_85 = arith.constant 2 : i32
      %add3A_86 = arith.addi %mul3A_24, %add3A_85 : i32
      %mul3A_87 = arith.constant 80 : i32
      %mul3A_88 = arith.muli %add3A_86, %mul3A_87 : i32
      %add3A_89 = arith.addi %mul3A_2, %mul3A_88 : i32
      "tpu.region"() ({
        %run_scoped3A = tpu.sem_alloc : memref<!tpu.dma_semaphore, #tpu.memory_space<semaphore_mem>>
        %dma_start3A_101 = arith.constant 0 : i32
        %dma_start3A_102 = tpu.memref_slice %arg4[%add3A_89, %dma_start3A_101] : memref<320000x128xf32, #tpu.memory_space<hbm>> -> memref<80x128xf32, #tpu.memory_space<hbm>>
        %dma_start3A_103 = arith.constant 0 : i32
        %dma_start3A_104 = tpu.memref_slice %arg4[%add3A_89, %dma_start3A_103] : memref<320000x128xf32, #tpu.memory_space<hbm>> -> memref<80x128xf32, #tpu.memory_space<hbm>>
        tpu.enqueue_dma source(%arg8 : memref<80x128xf32, #tpu.memory_space<vmem>>) target(%dma_start3A_104 : memref<80x128xf32, #tpu.memory_space<hbm>>) target_semaphore(%run_scoped3A : memref<!tpu.dma_semaphore, #tpu.memory_space<semaphore_mem>>)
        %dma_wait3A_105 = arith.constant 0 : i32
        %dma_wait3A_106 = tpu.memref_slice %arg4[%add3A_89, %dma_wait3A_105] : memref<320000x128xf32, #tpu.memory_space<hbm>> -> memref<80x128xf32, #tpu.memory_space<hbm>>
        %dma_wait3A_107 = arith.constant 0 : i32
        %dma_wait3A_108 = tpu.memref_slice %arg4[%add3A_89, %dma_wait3A_107] : memref<320000x128xf32, #tpu.memory_space<hbm>> -> memref<80x128xf32, #tpu.memory_space<hbm>>
        tpu.wait_dma2 semaphore(%run_scoped3A : memref<!tpu.dma_semaphore, #tpu.memory_space<semaphore_mem>>) src(%arg8 : memref<80x128xf32, #tpu.memory_space<vmem>>) dst(%dma_wait3A_108 : memref<80x128xf32, #tpu.memory_space<hbm>>)
        tpu.yield
      }) : () -> ()
      %dma_wait3A_90 = arith.constant 0 : i32
      %dma_wait3A_91 = tpu.memref_slice %arg5[%add3A_50, %dma_wait3A_90] : memref<125x80xi32, #tpu.memory_space<vmem>> -> memref<1x80xi32, #tpu.memory_space<vmem>>
      %dma_wait3A_92 = tpu.memref_squeeze %dma_wait3A_91 : memref<1x80xi32, #tpu.memory_space<vmem>> -> memref<80xi32, #tpu.memory_space<vmem>>
      %dma_wait3A_93 = arith.constant 0 : i32
      %dma_wait3A_94 = arith.constant 0 : i32
      %dma_wait3A_95 = tpu.memref_slice %arg2[%dma_wait3A_93, %dma_wait3A_94] : memref<10000x128xf32, #tpu.memory_space<hbm>> -> memref<10000x128xf32, #tpu.memory_space<hbm>>
      tpu.wait_indirect_dma semaphore(%arg13 : memref<!tpu.dma_semaphore, #tpu.memory_space<semaphore_mem>>) src(%dma_wait3A_95 : memref<10000x128xf32, #tpu.memory_space<hbm>>) dst(%arg9 : memref<80x128xf32, #tpu.memory_space<vmem>>)
      %add3A_96 = arith.constant 3 : i32
      %add3A_97 = arith.addi %mul3A_24, %add3A_96 : i32
      %mul3A_98 = arith.constant 80 : i32
      %mul3A_99 = arith.muli %add3A_97, %mul3A_98 : i32
      %add3A_100 = arith.addi %mul3A_2, %mul3A_99 : i32
      "tpu.region"() ({
        %run_scoped3A = tpu.sem_alloc : memref<!tpu.dma_semaphore, #tpu.memory_space<semaphore_mem>>
        %dma_start3A_101 = arith.constant 0 : i32
        %dma_start3A_102 = tpu.memref_slice %arg4[%add3A_100, %dma_start3A_101] : memref<320000x128xf32, #tpu.memory_space<hbm>> -> memref<80x128xf32, #tpu.memory_space<hbm>>
        %dma_start3A_103 = arith.constant 0 : i32
        %dma_start3A_104 = tpu.memref_slice %arg4[%add3A_100, %dma_start3A_103] : memref<320000x128xf32, #tpu.memory_space<hbm>> -> memref<80x128xf32, #tpu.memory_space<hbm>>
        tpu.enqueue_dma source(%arg9 : memref<80x128xf32, #tpu.memory_space<vmem>>) target(%dma_start3A_104 : memref<80x128xf32, #tpu.memory_space<hbm>>) target_semaphore(%run_scoped3A : memref<!tpu.dma_semaphore, #tpu.memory_space<semaphore_mem>>)
        %dma_wait3A_105 = arith.constant 0 : i32
        %dma_wait3A_106 = tpu.memref_slice %arg4[%add3A_100, %dma_wait3A_105] : memref<320000x128xf32, #tpu.memory_space<hbm>> -> memref<80x128xf32, #tpu.memory_space<hbm>>
        %dma_wait3A_107 = arith.constant 0 : i32
        %dma_wait3A_108 = tpu.memref_slice %arg4[%add3A_100, %dma_wait3A_107] : memref<320000x128xf32, #tpu.memory_space<hbm>> -> memref<80x128xf32, #tpu.memory_space<hbm>>
        tpu.wait_dma2 semaphore(%run_scoped3A : memref<!tpu.dma_semaphore, #tpu.memory_space<semaphore_mem>>) src(%arg9 : memref<80x128xf32, #tpu.memory_space<vmem>>) dst(%dma_wait3A_108 : memref<80x128xf32, #tpu.memory_space<hbm>>)
        tpu.yield
      }) : () -> ()
    }
    %scan3A_7 = arith.constant 31 : i32
    %dma_start3A = arith.constant 124 : i32
    %dma_start3A_8 = arith.constant 0 : i32
    %dma_start3A_9 = tpu.memref_slice %arg5[%dma_start3A, %dma_start3A_8] : memref<125x80xi32, #tpu.memory_space<vmem>> -> memref<1x80xi32, #tpu.memory_space<vmem>>
    %dma_start3A_10 = tpu.memref_squeeze %dma_start3A_9 : memref<1x80xi32, #tpu.memory_space<vmem>> -> memref<80xi32, #tpu.memory_space<vmem>>
    %dma_start3A_11 = arith.constant 0 : i32
    %dma_start3A_12 = arith.constant 0 : i32
    %dma_start3A_13 = tpu.memref_slice %arg2[%dma_start3A_11, %dma_start3A_12] : memref<10000x128xf32, #tpu.memory_space<hbm>> -> memref<10000x128xf32, #tpu.memory_space<hbm>>
    tpu.enqueue_indirect_dma source(%dma_start3A_13 : memref<10000x128xf32, #tpu.memory_space<hbm>>) target(%arg6 : memref<80x128xf32, #tpu.memory_space<vmem>>) offsets(%dma_start3A_10 : memref<80xi32, #tpu.memory_space<vmem>>) semaphore(%arg10 : memref<!tpu.dma_semaphore, #tpu.memory_space<semaphore_mem>>)
    %dma_wait3A = arith.constant 124 : i32
    %dma_wait3A_14 = arith.constant 0 : i32
    %dma_wait3A_15 = tpu.memref_slice %arg5[%dma_wait3A, %dma_wait3A_14] : memref<125x80xi32, #tpu.memory_space<vmem>> -> memref<1x80xi32, #tpu.memory_space<vmem>>
    %dma_wait3A_16 = tpu.memref_squeeze %dma_wait3A_15 : memref<1x80xi32, #tpu.memory_space<vmem>> -> memref<80xi32, #tpu.memory_space<vmem>>
    %dma_wait3A_17 = arith.constant 0 : i32
    %dma_wait3A_18 = arith.constant 0 : i32
    %dma_wait3A_19 = tpu.memref_slice %arg2[%dma_wait3A_17, %dma_wait3A_18] : memref<10000x128xf32, #tpu.memory_space<hbm>> -> memref<10000x128xf32, #tpu.memory_space<hbm>>
    tpu.wait_indirect_dma semaphore(%arg10 : memref<!tpu.dma_semaphore, #tpu.memory_space<semaphore_mem>>) src(%dma_wait3A_19 : memref<10000x128xf32, #tpu.memory_space<hbm>>) dst(%arg6 : memref<80x128xf32, #tpu.memory_space<vmem>>)
    %add3A_20 = arith.constant 9920 : i32
    %add3A_21 = arith.addi %mul3A_2, %add3A_20 : i32
    "tpu.region"() ({
      %run_scoped3A = tpu.sem_alloc : memref<!tpu.dma_semaphore, #tpu.memory_space<semaphore_mem>>
      %dma_start3A_22 = arith.constant 0 : i32
      %dma_start3A_23 = tpu.memref_slice %arg4[%add3A_21, %dma_start3A_22] : memref<320000x128xf32, #tpu.memory_space<hbm>> -> memref<80x128xf32, #tpu.memory_space<hbm>>
      %dma_start3A_24 = arith.constant 0 : i32
      %dma_start3A_25 = tpu.memref_slice %arg4[%add3A_21, %dma_start3A_24] : memref<320000x128xf32, #tpu.memory_space<hbm>> -> memref<80x128xf32, #tpu.memory_space<hbm>>
      tpu.enqueue_dma source(%arg6 : memref<80x128xf32, #tpu.memory_space<vmem>>) target(%dma_start3A_25 : memref<80x128xf32, #tpu.memory_space<hbm>>) target_semaphore(%run_scoped3A : memref<!tpu.dma_semaphore, #tpu.memory_space<semaphore_mem>>)
      %dma_wait3A_26 = arith.constant 0 : i32
      %dma_wait3A_27 = tpu.memref_slice %arg4[%add3A_21, %dma_wait3A_26] : memref<320000x128xf32, #tpu.memory_space<hbm>> -> memref<80x128xf32, #tpu.memory_space<hbm>>
      %dma_wait3A_28 = arith.constant 0 : i32
      %dma_wait3A_29 = tpu.memref_slice %arg4[%add3A_21, %dma_wait3A_28] : memref<320000x128xf32, #tpu.memory_space<hbm>> -> memref<80x128xf32, #tpu.memory_space<hbm>>
      tpu.wait_dma2 semaphore(%run_scoped3A : memref<!tpu.dma_semaphore, #tpu.memory_space<semaphore_mem>>) src(%arg6 : memref<80x128xf32, #tpu.memory_space<vmem>>) dst(%dma_wait3A_29 : memref<80x128xf32, #tpu.memory_space<hbm>>)
      tpu.yield
    }) : () -> ()
    return
  }
}

#map = affine_map<(d0, d1) -> (0, 0)>
#map1 = affine_map<(d0, d1) -> (0, 0, 0)>
module attributes {stable_mosaic.version = 14 : i64} {
  func.func @_seg_body(%arg0: i32, %arg1: i32, %arg2: memref<320000x128xf32, #tpu.memory_space<hbm>>, %arg3: memref<32x125x80xi32, #tpu.memory_space<hbm>>, %arg4: memref<10240x128xf32, #tpu.memory_space<hbm>>, %arg5: memref<2x10240x128xf32, #tpu.memory_space<hbm>>, %arg6: memref<125x80xi32, #tpu.memory_space<vmem>>, %arg7: memref<80x128xf32, #tpu.memory_space<vmem>>, %arg8: memref<80x128xf32, #tpu.memory_space<vmem>>, %arg9: memref<10240x128xf32, #tpu.memory_space<vmem_shared>>, %arg10: memref<!tpu.dma_semaphore, #tpu.memory_space<semaphore_mem>>, %arg11: memref<!tpu.dma_semaphore, #tpu.memory_space<semaphore_mem>>) attributes {dimension_semantics = [#tpu.dimension_semantics<core_parallel>, #tpu.dimension_semantics<subcore_parallel>], iteration_bounds = array<i64: 2, 16>, scalar_prefetch = 0 : i64, scratch_operands = 6 : i64, tpu.core_type = #tpu.core_type<sc_vector_subcore>, window_params = [{transform_indices = #map}, {transform_indices = #map1}, {transform_indices = #map}, {transform_indices = #map1}]} {
    %mul3A = arith.constant 2 : i32
    %mul3A_0 = arith.muli %arg1, %mul3A : i32
    %add3A = arith.addi %mul3A_0, %arg0 : i32
    %mul3A_1 = arith.constant 640 : i32
    %mul3A_2 = arith.muli %arg1, %mul3A_1 : i32
    %mul3A_3 = arith.constant 640 : i32
    %mul3A_4 = arith.muli %arg1, %mul3A_3 : i32
    "tpu.region"() ({
      %run_scoped3A_25 = tpu.sem_alloc : memref<!tpu.dma_semaphore, #tpu.memory_space<semaphore_mem>>
      %dma_start3A_26 = arith.constant 0 : i32
      %dma_start3A_27 = tpu.memref_slice %arg9[%mul3A_4, %dma_start3A_26] : memref<10240x128xf32, #tpu.memory_space<vmem_shared>> -> memref<640x128xf32, #tpu.memory_space<vmem_shared>>
      %dma_start3A_28 = arith.constant 0 : i32
      %dma_start3A_29 = tpu.memref_slice %arg4[%mul3A_2, %dma_start3A_28] : memref<10240x128xf32, #tpu.memory_space<hbm>> -> memref<640x128xf32, #tpu.memory_space<hbm>>
      tpu.enqueue_dma source(%dma_start3A_29 : memref<640x128xf32, #tpu.memory_space<hbm>>) target(%dma_start3A_27 : memref<640x128xf32, #tpu.memory_space<vmem_shared>>) target_semaphore(%run_scoped3A_25 : memref<!tpu.dma_semaphore, #tpu.memory_space<semaphore_mem>>)
      %dma_wait3A_30 = arith.constant 0 : i32
      %dma_wait3A_31 = tpu.memref_slice %arg9[%mul3A_4, %dma_wait3A_30] : memref<10240x128xf32, #tpu.memory_space<vmem_shared>> -> memref<640x128xf32, #tpu.memory_space<vmem_shared>>
      %dma_wait3A_32 = arith.constant 0 : i32
      %dma_wait3A_33 = tpu.memref_slice %arg4[%mul3A_2, %dma_wait3A_32] : memref<10240x128xf32, #tpu.memory_space<hbm>> -> memref<640x128xf32, #tpu.memory_space<hbm>>
      tpu.wait_dma2 semaphore(%run_scoped3A_25 : memref<!tpu.dma_semaphore, #tpu.memory_space<semaphore_mem>>) src(%dma_wait3A_33 : memref<640x128xf32, #tpu.memory_space<hbm>>) dst(%dma_wait3A_31 : memref<640x128xf32, #tpu.memory_space<vmem_shared>>)
      tpu.yield
    }) : () -> ()
    "tpu.region"() ({
      %run_scoped3A_25 = tpu.sem_alloc : memref<!tpu.dma_semaphore, #tpu.memory_space<semaphore_mem>>
      %dma_start3A_26 = arith.constant 0 : i32
      %dma_start3A_27 = arith.constant 0 : i32
      %dma_start3A_28 = tpu.memref_slice %arg3[%add3A, %dma_start3A_26, %dma_start3A_27] : memref<32x125x80xi32, #tpu.memory_space<hbm>> -> memref<1x125x80xi32, #tpu.memory_space<hbm>>
      %dma_start3A_29 = tpu.memref_squeeze %dma_start3A_28 : memref<1x125x80xi32, #tpu.memory_space<hbm>> -> memref<125x80xi32, #tpu.memory_space<hbm>>
      %dma_start3A_30 = arith.constant 0 : i32
      %dma_start3A_31 = arith.constant 0 : i32
      %dma_start3A_32 = tpu.memref_slice %arg3[%add3A, %dma_start3A_30, %dma_start3A_31] : memref<32x125x80xi32, #tpu.memory_space<hbm>> -> memref<1x125x80xi32, #tpu.memory_space<hbm>>
      %dma_start3A_33 = tpu.memref_squeeze %dma_start3A_32 : memref<1x125x80xi32, #tpu.memory_space<hbm>> -> memref<125x80xi32, #tpu.memory_space<hbm>>
      tpu.enqueue_dma source(%dma_start3A_33 : memref<125x80xi32, #tpu.memory_space<hbm>>) target(%arg6 : memref<125x80xi32, #tpu.memory_space<vmem>>) target_semaphore(%run_scoped3A_25 : memref<!tpu.dma_semaphore, #tpu.memory_space<semaphore_mem>>)
      %dma_wait3A_34 = arith.constant 0 : i32
      %dma_wait3A_35 = arith.constant 0 : i32
      %dma_wait3A_36 = tpu.memref_slice %arg3[%add3A, %dma_wait3A_34, %dma_wait3A_35] : memref<32x125x80xi32, #tpu.memory_space<hbm>> -> memref<1x125x80xi32, #tpu.memory_space<hbm>>
      %dma_wait3A_37 = tpu.memref_squeeze %dma_wait3A_36 : memref<1x125x80xi32, #tpu.memory_space<hbm>> -> memref<125x80xi32, #tpu.memory_space<hbm>>
      %dma_wait3A_38 = arith.constant 0 : i32
      %dma_wait3A_39 = arith.constant 0 : i32
      %dma_wait3A_40 = tpu.memref_slice %arg3[%add3A, %dma_wait3A_38, %dma_wait3A_39] : memref<32x125x80xi32, #tpu.memory_space<hbm>> -> memref<1x125x80xi32, #tpu.memory_space<hbm>>
      %dma_wait3A_41 = tpu.memref_squeeze %dma_wait3A_40 : memref<1x125x80xi32, #tpu.memory_space<hbm>> -> memref<125x80xi32, #tpu.memory_space<hbm>>
      tpu.wait_dma2 semaphore(%run_scoped3A_25 : memref<!tpu.dma_semaphore, #tpu.memory_space<semaphore_mem>>) src(%dma_wait3A_41 : memref<125x80xi32, #tpu.memory_space<hbm>>) dst(%arg6 : memref<125x80xi32, #tpu.memory_space<vmem>>)
      tpu.yield
    }) : () -> ()
    %barrier3A = arith.constant 0 : index
    tpu.barrier barrier_id(%barrier3A)
    %mul3A_5 = arith.constant 10000 : i32
    %mul3A_6 = arith.muli %add3A, %mul3A_5 : i32
    %scan3A = arith.constant 0 : i32
    %scan3A_7 = arith.constant 0 : i32
    %scan3A_8 = arith.constant 62 : i32
    %scan3A_9 = arith.addi %scan3A_7, %scan3A_8 : i32
    %scan3A_10 = arith.constant 1 : i32
    scf.for %scan3A_25 = %scan3A_7 to %scan3A_9 step %scan3A_10  : i32 {
      %mul3A_26 = arith.constant 2 : i32
      %mul3A_27 = arith.muli %mul3A_26, %scan3A_25 : i32
      %add3A_28 = arith.constant 0 : i32
      %add3A_29 = arith.addi %mul3A_27, %add3A_28 : i32
      %mul3A_30 = arith.constant 80 : i32
      %mul3A_31 = arith.muli %add3A_29, %mul3A_30 : i32
      %add3A_32 = arith.addi %mul3A_6, %mul3A_31 : i32
      %dma_start3A_33 = arith.constant 0 : i32
      %dma_start3A_34 = tpu.memref_slice %arg2[%add3A_32, %dma_start3A_33] : memref<320000x128xf32, #tpu.memory_space<hbm>> -> memref<80x128xf32, #tpu.memory_space<hbm>>
      %dma_start3A_35 = arith.constant 0 : i32
      %dma_start3A_36 = tpu.memref_slice %arg2[%add3A_32, %dma_start3A_35] : memref<320000x128xf32, #tpu.memory_space<hbm>> -> memref<80x128xf32, #tpu.memory_space<hbm>>
      tpu.enqueue_dma source(%dma_start3A_36 : memref<80x128xf32, #tpu.memory_space<hbm>>) target(%arg7 : memref<80x128xf32, #tpu.memory_space<vmem>>) target_semaphore(%arg10 : memref<!tpu.dma_semaphore, #tpu.memory_space<semaphore_mem>>)
      %add3A_37 = arith.constant 1 : i32
      %add3A_38 = arith.addi %mul3A_27, %add3A_37 : i32
      %mul3A_39 = arith.constant 80 : i32
      %mul3A_40 = arith.muli %add3A_38, %mul3A_39 : i32
      %add3A_41 = arith.addi %mul3A_6, %mul3A_40 : i32
      %dma_start3A_42 = arith.constant 0 : i32
      %dma_start3A_43 = tpu.memref_slice %arg2[%add3A_41, %dma_start3A_42] : memref<320000x128xf32, #tpu.memory_space<hbm>> -> memref<80x128xf32, #tpu.memory_space<hbm>>
      %dma_start3A_44 = arith.constant 0 : i32
      %dma_start3A_45 = tpu.memref_slice %arg2[%add3A_41, %dma_start3A_44] : memref<320000x128xf32, #tpu.memory_space<hbm>> -> memref<80x128xf32, #tpu.memory_space<hbm>>
      tpu.enqueue_dma source(%dma_start3A_45 : memref<80x128xf32, #tpu.memory_space<hbm>>) target(%arg8 : memref<80x128xf32, #tpu.memory_space<vmem>>) target_semaphore(%arg11 : memref<!tpu.dma_semaphore, #tpu.memory_space<semaphore_mem>>)
      %dma_wait3A_46 = arith.constant 0 : i32
      %dma_wait3A_47 = tpu.memref_slice %arg2[%add3A_32, %dma_wait3A_46] : memref<320000x128xf32, #tpu.memory_space<hbm>> -> memref<80x128xf32, #tpu.memory_space<hbm>>
      %dma_wait3A_48 = arith.constant 0 : i32
      %dma_wait3A_49 = tpu.memref_slice %arg2[%add3A_32, %dma_wait3A_48] : memref<320000x128xf32, #tpu.memory_space<hbm>> -> memref<80x128xf32, #tpu.memory_space<hbm>>
      tpu.wait_dma2 semaphore(%arg10 : memref<!tpu.dma_semaphore, #tpu.memory_space<semaphore_mem>>) src(%dma_wait3A_49 : memref<80x128xf32, #tpu.memory_space<hbm>>) dst(%arg7 : memref<80x128xf32, #tpu.memory_space<vmem>>)
      %add3A_50 = arith.constant 0 : i32
      %add3A_51 = arith.addi %mul3A_27, %add3A_50 : i32
      "tpu.region"() ({
        %run_scoped3A_58 = tpu.sem_alloc : memref<!tpu.dma_semaphore, #tpu.memory_space<semaphore_mem>>
        %dma_start3A_59 = arith.constant 0 : i32
        %dma_start3A_60 = tpu.memref_slice %arg6[%add3A_51, %dma_start3A_59] : memref<125x80xi32, #tpu.memory_space<vmem>> -> memref<1x80xi32, #tpu.memory_space<vmem>>
        %dma_start3A_61 = tpu.memref_squeeze %dma_start3A_60 : memref<1x80xi32, #tpu.memory_space<vmem>> -> memref<80xi32, #tpu.memory_space<vmem>>
        %dma_start3A_62 = arith.constant 0 : i32
        %dma_start3A_63 = arith.constant 0 : i32
        %dma_start3A_64 = tpu.memref_slice %arg9[%dma_start3A_62, %dma_start3A_63] : memref<10240x128xf32, #tpu.memory_space<vmem_shared>> -> memref<10240x128xf32, #tpu.memory_space<vmem_shared>>
        tpu.enqueue_indirect_dma source(%arg7 : memref<80x128xf32, #tpu.memory_space<vmem>>) target(%dma_start3A_64 : memref<10240x128xf32, #tpu.memory_space<vmem_shared>>) offsets(%dma_start3A_61 : memref<80xi32, #tpu.memory_space<vmem>>) semaphore(%run_scoped3A_58 : memref<!tpu.dma_semaphore, #tpu.memory_space<semaphore_mem>>) {add = true}
        %dma_wait3A_65 = arith.constant 0 : i32
        %dma_wait3A_66 = tpu.memref_slice %arg6[%add3A_51, %dma_wait3A_65] : memref<125x80xi32, #tpu.memory_space<vmem>> -> memref<1x80xi32, #tpu.memory_space<vmem>>
        %dma_wait3A_67 = tpu.memref_squeeze %dma_wait3A_66 : memref<1x80xi32, #tpu.memory_space<vmem>> -> memref<80xi32, #tpu.memory_space<vmem>>
        %dma_wait3A_68 = arith.constant 0 : i32
        %dma_wait3A_69 = arith.constant 0 : i32
        %dma_wait3A_70 = tpu.memref_slice %arg9[%dma_wait3A_68, %dma_wait3A_69] : memref<10240x128xf32, #tpu.memory_space<vmem_shared>> -> memref<10240x128xf32, #tpu.memory_space<vmem_shared>>
        tpu.wait_indirect_dma semaphore(%run_scoped3A_58 : memref<!tpu.dma_semaphore, #tpu.memory_space<semaphore_mem>>) src(%arg7 : memref<80x128xf32, #tpu.memory_space<vmem>>) dst(%dma_wait3A_70 : memref<10240x128xf32, #tpu.memory_space<vmem_shared>>)
        tpu.yield
      }) : () -> ()
      %dma_wait3A_52 = arith.constant 0 : i32
      %dma_wait3A_53 = tpu.memref_slice %arg2[%add3A_41, %dma_wait3A_52] : memref<320000x128xf32, #tpu.memory_space<hbm>> -> memref<80x128xf32, #tpu.memory_space<hbm>>
      %dma_wait3A_54 = arith.constant 0 : i32
      %dma_wait3A_55 = tpu.memref_slice %arg2[%add3A_41, %dma_wait3A_54] : memref<320000x128xf32, #tpu.memory_space<hbm>> -> memref<80x128xf32, #tpu.memory_space<hbm>>
      tpu.wait_dma2 semaphore(%arg11 : memref<!tpu.dma_semaphore, #tpu.memory_space<semaphore_mem>>) src(%dma_wait3A_55 : memref<80x128xf32, #tpu.memory_space<hbm>>) dst(%arg8 : memref<80x128xf32, #tpu.memory_space<vmem>>)
      %add3A_56 = arith.constant 1 : i32
      %add3A_57 = arith.addi %mul3A_27, %add3A_56 : i32
      "tpu.region"() ({
        %run_scoped3A_58 = tpu.sem_alloc : memref<!tpu.dma_semaphore, #tpu.memory_space<semaphore_mem>>
        %dma_start3A_59 = arith.constant 0 : i32
        %dma_start3A_60 = tpu.memref_slice %arg6[%add3A_57, %dma_start3A_59] : memref<125x80xi32, #tpu.memory_space<vmem>> -> memref<1x80xi32, #tpu.memory_space<vmem>>
        %dma_start3A_61 = tpu.memref_squeeze %dma_start3A_60 : memref<1x80xi32, #tpu.memory_space<vmem>> -> memref<80xi32, #tpu.memory_space<vmem>>
        %dma_start3A_62 = arith.constant 0 : i32
        %dma_start3A_63 = arith.constant 0 : i32
        %dma_start3A_64 = tpu.memref_slice %arg9[%dma_start3A_62, %dma_start3A_63] : memref<10240x128xf32, #tpu.memory_space<vmem_shared>> -> memref<10240x128xf32, #tpu.memory_space<vmem_shared>>
        tpu.enqueue_indirect_dma source(%arg8 : memref<80x128xf32, #tpu.memory_space<vmem>>) target(%dma_start3A_64 : memref<10240x128xf32, #tpu.memory_space<vmem_shared>>) offsets(%dma_start3A_61 : memref<80xi32, #tpu.memory_space<vmem>>) semaphore(%run_scoped3A_58 : memref<!tpu.dma_semaphore, #tpu.memory_space<semaphore_mem>>) {add = true}
        %dma_wait3A_65 = arith.constant 0 : i32
        %dma_wait3A_66 = tpu.memref_slice %arg6[%add3A_57, %dma_wait3A_65] : memref<125x80xi32, #tpu.memory_space<vmem>> -> memref<1x80xi32, #tpu.memory_space<vmem>>
        %dma_wait3A_67 = tpu.memref_squeeze %dma_wait3A_66 : memref<1x80xi32, #tpu.memory_space<vmem>> -> memref<80xi32, #tpu.memory_space<vmem>>
        %dma_wait3A_68 = arith.constant 0 : i32
        %dma_wait3A_69 = arith.constant 0 : i32
        %dma_wait3A_70 = tpu.memref_slice %arg9[%dma_wait3A_68, %dma_wait3A_69] : memref<10240x128xf32, #tpu.memory_space<vmem_shared>> -> memref<10240x128xf32, #tpu.memory_space<vmem_shared>>
        tpu.wait_indirect_dma semaphore(%run_scoped3A_58 : memref<!tpu.dma_semaphore, #tpu.memory_space<semaphore_mem>>) src(%arg8 : memref<80x128xf32, #tpu.memory_space<vmem>>) dst(%dma_wait3A_70 : memref<10240x128xf32, #tpu.memory_space<vmem_shared>>)
        tpu.yield
      }) : () -> ()
    }
    %scan3A_11 = arith.constant 62 : i32
    %add3A_12 = arith.constant 9920 : i32
    %add3A_13 = arith.addi %mul3A_6, %add3A_12 : i32
    %dma_start3A = arith.constant 0 : i32
    %dma_start3A_14 = tpu.memref_slice %arg2[%add3A_13, %dma_start3A] : memref<320000x128xf32, #tpu.memory_space<hbm>> -> memref<80x128xf32, #tpu.memory_space<hbm>>
    %dma_start3A_15 = arith.constant 0 : i32
    %dma_start3A_16 = tpu.memref_slice %arg2[%add3A_13, %dma_start3A_15] : memref<320000x128xf32, #tpu.memory_space<hbm>> -> memref<80x128xf32, #tpu.memory_space<hbm>>
    tpu.enqueue_dma source(%dma_start3A_16 : memref<80x128xf32, #tpu.memory_space<hbm>>) target(%arg7 : memref<80x128xf32, #tpu.memory_space<vmem>>) target_semaphore(%arg10 : memref<!tpu.dma_semaphore, #tpu.memory_space<semaphore_mem>>)
    %dma_wait3A = arith.constant 0 : i32
    %dma_wait3A_17 = tpu.memref_slice %arg2[%add3A_13, %dma_wait3A] : memref<320000x128xf32, #tpu.memory_space<hbm>> -> memref<80x128xf32, #tpu.memory_space<hbm>>
    %dma_wait3A_18 = arith.constant 0 : i32
    %dma_wait3A_19 = tpu.memref_slice %arg2[%add3A_13, %dma_wait3A_18] : memref<320000x128xf32, #tpu.memory_space<hbm>> -> memref<80x128xf32, #tpu.memory_space<hbm>>
    tpu.wait_dma2 semaphore(%arg10 : memref<!tpu.dma_semaphore, #tpu.memory_space<semaphore_mem>>) src(%dma_wait3A_19 : memref<80x128xf32, #tpu.memory_space<hbm>>) dst(%arg7 : memref<80x128xf32, #tpu.memory_space<vmem>>)
    %run_scoped3A = arith.constant 124 : i32
    "tpu.region"() ({
      %run_scoped3A_25 = tpu.sem_alloc : memref<!tpu.dma_semaphore, #tpu.memory_space<semaphore_mem>>
      %dma_start3A_26 = arith.constant 0 : i32
      %dma_start3A_27 = tpu.memref_slice %arg6[%run_scoped3A, %dma_start3A_26] : memref<125x80xi32, #tpu.memory_space<vmem>> -> memref<1x80xi32, #tpu.memory_space<vmem>>
      %dma_start3A_28 = tpu.memref_squeeze %dma_start3A_27 : memref<1x80xi32, #tpu.memory_space<vmem>> -> memref<80xi32, #tpu.memory_space<vmem>>
      %dma_start3A_29 = arith.constant 0 : i32
      %dma_start3A_30 = arith.constant 0 : i32
      %dma_start3A_31 = tpu.memref_slice %arg9[%dma_start3A_29, %dma_start3A_30] : memref<10240x128xf32, #tpu.memory_space<vmem_shared>> -> memref<10240x128xf32, #tpu.memory_space<vmem_shared>>
      tpu.enqueue_indirect_dma source(%arg7 : memref<80x128xf32, #tpu.memory_space<vmem>>) target(%dma_start3A_31 : memref<10240x128xf32, #tpu.memory_space<vmem_shared>>) offsets(%dma_start3A_28 : memref<80xi32, #tpu.memory_space<vmem>>) semaphore(%run_scoped3A_25 : memref<!tpu.dma_semaphore, #tpu.memory_space<semaphore_mem>>) {add = true}
      %dma_wait3A_32 = arith.constant 0 : i32
      %dma_wait3A_33 = tpu.memref_slice %arg6[%run_scoped3A, %dma_wait3A_32] : memref<125x80xi32, #tpu.memory_space<vmem>> -> memref<1x80xi32, #tpu.memory_space<vmem>>
      %dma_wait3A_34 = tpu.memref_squeeze %dma_wait3A_33 : memref<1x80xi32, #tpu.memory_space<vmem>> -> memref<80xi32, #tpu.memory_space<vmem>>
      %dma_wait3A_35 = arith.constant 0 : i32
      %dma_wait3A_36 = arith.constant 0 : i32
      %dma_wait3A_37 = tpu.memref_slice %arg9[%dma_wait3A_35, %dma_wait3A_36] : memref<10240x128xf32, #tpu.memory_space<vmem_shared>> -> memref<10240x128xf32, #tpu.memory_space<vmem_shared>>
      tpu.wait_indirect_dma semaphore(%run_scoped3A_25 : memref<!tpu.dma_semaphore, #tpu.memory_space<semaphore_mem>>) src(%arg7 : memref<80x128xf32, #tpu.memory_space<vmem>>) dst(%dma_wait3A_37 : memref<10240x128xf32, #tpu.memory_space<vmem_shared>>)
      tpu.yield
    }) : () -> ()
    %barrier3A_20 = arith.constant 0 : index
    tpu.barrier barrier_id(%barrier3A_20)
    %mul3A_21 = arith.constant 640 : i32
    %mul3A_22 = arith.muli %arg1, %mul3A_21 : i32
    %mul3A_23 = arith.constant 640 : i32
    %mul3A_24 = arith.muli %arg1, %mul3A_23 : i32
    "tpu.region"() ({
      %run_scoped3A_25 = tpu.sem_alloc : memref<!tpu.dma_semaphore, #tpu.memory_space<semaphore_mem>>
      %dma_start3A_26 = arith.constant 0 : i32
      %dma_start3A_27 = tpu.memref_slice %arg5[%arg0, %mul3A_24, %dma_start3A_26] : memref<2x10240x128xf32, #tpu.memory_space<hbm>> -> memref<1x640x128xf32, #tpu.memory_space<hbm>>
      %dma_start3A_28 = tpu.memref_squeeze %dma_start3A_27 : memref<1x640x128xf32, #tpu.memory_space<hbm>> -> memref<640x128xf32, #tpu.memory_space<hbm>>
      %dma_start3A_29 = arith.constant 0 : i32
      %dma_start3A_30 = tpu.memref_slice %arg9[%mul3A_22, %dma_start3A_29] : memref<10240x128xf32, #tpu.memory_space<vmem_shared>> -> memref<640x128xf32, #tpu.memory_space<vmem_shared>>
      tpu.enqueue_dma source(%dma_start3A_30 : memref<640x128xf32, #tpu.memory_space<vmem_shared>>) target(%dma_start3A_28 : memref<640x128xf32, #tpu.memory_space<hbm>>) target_semaphore(%run_scoped3A_25 : memref<!tpu.dma_semaphore, #tpu.memory_space<semaphore_mem>>)
      %dma_wait3A_31 = arith.constant 0 : i32
      %dma_wait3A_32 = tpu.memref_slice %arg5[%arg0, %mul3A_24, %dma_wait3A_31] : memref<2x10240x128xf32, #tpu.memory_space<hbm>> -> memref<1x640x128xf32, #tpu.memory_space<hbm>>
      %dma_wait3A_33 = tpu.memref_squeeze %dma_wait3A_32 : memref<1x640x128xf32, #tpu.memory_space<hbm>> -> memref<640x128xf32, #tpu.memory_space<hbm>>
      %dma_wait3A_34 = arith.constant 0 : i32
      %dma_wait3A_35 = tpu.memref_slice %arg9[%mul3A_22, %dma_wait3A_34] : memref<10240x128xf32, #tpu.memory_space<vmem_shared>> -> memref<640x128xf32, #tpu.memory_space<vmem_shared>>
      tpu.wait_dma2 semaphore(%run_scoped3A_25 : memref<!tpu.dma_semaphore, #tpu.memory_space<semaphore_mem>>) src(%dma_wait3A_35 : memref<640x128xf32, #tpu.memory_space<vmem_shared>>) dst(%dma_wait3A_33 : memref<640x128xf32, #tpu.memory_space<hbm>>)
      tpu.yield
    }) : () -> ()
    return
  }
}

#map = affine_map<(d0, d1) -> (0, 0)>
#map1 = affine_map<(d0, d1) -> (0, 0, 0)>
module attributes {stable_mosaic.version = 14 : i64} {
  func.func @_seg_body(%arg0: i32, %arg1: i32, %arg2: memref<320000x128xf32, #tpu.memory_space<hbm>>, %arg3: memref<32x125x80xi32, #tpu.memory_space<hbm>>, %arg4: memref<10240x128xf32, #tpu.memory_space<hbm>>, %arg5: memref<2x10240x128xf32, #tpu.memory_space<hbm>>, %arg6: memref<125x80xi32, #tpu.memory_space<vmem>>, %arg7: memref<80x128xf32, #tpu.memory_space<vmem>>, %arg8: memref<80x128xf32, #tpu.memory_space<vmem>>, %arg9: memref<10240x128xf32, #tpu.memory_space<vmem_shared>>, %arg10: memref<!tpu.dma_semaphore, #tpu.memory_space<semaphore_mem>>, %arg11: memref<!tpu.dma_semaphore, #tpu.memory_space<semaphore_mem>>) attributes {dimension_semantics = [#tpu.dimension_semantics<core_parallel>, #tpu.dimension_semantics<subcore_parallel>], iteration_bounds = array<i64: 2, 16>, scalar_prefetch = 0 : i64, scratch_operands = 6 : i64, tpu.core_type = #tpu.core_type<sc_vector_subcore>, window_params = [{transform_indices = #map}, {transform_indices = #map1}, {transform_indices = #map}, {transform_indices = #map1}]} {
    %mul3A = arith.constant 2 : i32
    %mul3A_0 = arith.muli %arg1, %mul3A : i32
    %add3A = arith.addi %mul3A_0, %arg0 : i32
    %mul3A_1 = arith.constant 640 : i32
    %mul3A_2 = arith.muli %arg1, %mul3A_1 : i32
    %mul3A_3 = arith.constant 640 : i32
    %mul3A_4 = arith.muli %arg1, %mul3A_3 : i32
    "tpu.region"() ({
      %run_scoped3A_25 = tpu.sem_alloc : memref<!tpu.dma_semaphore, #tpu.memory_space<semaphore_mem>>
      %dma_start3A_26 = arith.constant 0 : i32
      %dma_start3A_27 = tpu.memref_slice %arg9[%mul3A_4, %dma_start3A_26] : memref<10240x128xf32, #tpu.memory_space<vmem_shared>> -> memref<640x128xf32, #tpu.memory_space<vmem_shared>>
      %dma_start3A_28 = arith.constant 0 : i32
      %dma_start3A_29 = tpu.memref_slice %arg4[%mul3A_2, %dma_start3A_28] : memref<10240x128xf32, #tpu.memory_space<hbm>> -> memref<640x128xf32, #tpu.memory_space<hbm>>
      tpu.enqueue_dma source(%dma_start3A_29 : memref<640x128xf32, #tpu.memory_space<hbm>>) target(%dma_start3A_27 : memref<640x128xf32, #tpu.memory_space<vmem_shared>>) target_semaphore(%run_scoped3A_25 : memref<!tpu.dma_semaphore, #tpu.memory_space<semaphore_mem>>)
      %dma_wait3A_30 = arith.constant 0 : i32
      %dma_wait3A_31 = tpu.memref_slice %arg9[%mul3A_4, %dma_wait3A_30] : memref<10240x128xf32, #tpu.memory_space<vmem_shared>> -> memref<640x128xf32, #tpu.memory_space<vmem_shared>>
      %dma_wait3A_32 = arith.constant 0 : i32
      %dma_wait3A_33 = tpu.memref_slice %arg4[%mul3A_2, %dma_wait3A_32] : memref<10240x128xf32, #tpu.memory_space<hbm>> -> memref<640x128xf32, #tpu.memory_space<hbm>>
      tpu.wait_dma2 semaphore(%run_scoped3A_25 : memref<!tpu.dma_semaphore, #tpu.memory_space<semaphore_mem>>) src(%dma_wait3A_33 : memref<640x128xf32, #tpu.memory_space<hbm>>) dst(%dma_wait3A_31 : memref<640x128xf32, #tpu.memory_space<vmem_shared>>)
      tpu.yield
    }) : () -> ()
    "tpu.region"() ({
      %run_scoped3A_25 = tpu.sem_alloc : memref<!tpu.dma_semaphore, #tpu.memory_space<semaphore_mem>>
      %dma_start3A_26 = arith.constant 0 : i32
      %dma_start3A_27 = arith.constant 0 : i32
      %dma_start3A_28 = tpu.memref_slice %arg3[%add3A, %dma_start3A_26, %dma_start3A_27] : memref<32x125x80xi32, #tpu.memory_space<hbm>> -> memref<1x125x80xi32, #tpu.memory_space<hbm>>
      %dma_start3A_29 = tpu.memref_squeeze %dma_start3A_28 : memref<1x125x80xi32, #tpu.memory_space<hbm>> -> memref<125x80xi32, #tpu.memory_space<hbm>>
      %dma_start3A_30 = arith.constant 0 : i32
      %dma_start3A_31 = arith.constant 0 : i32
      %dma_start3A_32 = tpu.memref_slice %arg3[%add3A, %dma_start3A_30, %dma_start3A_31] : memref<32x125x80xi32, #tpu.memory_space<hbm>> -> memref<1x125x80xi32, #tpu.memory_space<hbm>>
      %dma_start3A_33 = tpu.memref_squeeze %dma_start3A_32 : memref<1x125x80xi32, #tpu.memory_space<hbm>> -> memref<125x80xi32, #tpu.memory_space<hbm>>
      tpu.enqueue_dma source(%dma_start3A_33 : memref<125x80xi32, #tpu.memory_space<hbm>>) target(%arg6 : memref<125x80xi32, #tpu.memory_space<vmem>>) target_semaphore(%run_scoped3A_25 : memref<!tpu.dma_semaphore, #tpu.memory_space<semaphore_mem>>)
      %dma_wait3A_34 = arith.constant 0 : i32
      %dma_wait3A_35 = arith.constant 0 : i32
      %dma_wait3A_36 = tpu.memref_slice %arg3[%add3A, %dma_wait3A_34, %dma_wait3A_35] : memref<32x125x80xi32, #tpu.memory_space<hbm>> -> memref<1x125x80xi32, #tpu.memory_space<hbm>>
      %dma_wait3A_37 = tpu.memref_squeeze %dma_wait3A_36 : memref<1x125x80xi32, #tpu.memory_space<hbm>> -> memref<125x80xi32, #tpu.memory_space<hbm>>
      %dma_wait3A_38 = arith.constant 0 : i32
      %dma_wait3A_39 = arith.constant 0 : i32
      %dma_wait3A_40 = tpu.memref_slice %arg3[%add3A, %dma_wait3A_38, %dma_wait3A_39] : memref<32x125x80xi32, #tpu.memory_space<hbm>> -> memref<1x125x80xi32, #tpu.memory_space<hbm>>
      %dma_wait3A_41 = tpu.memref_squeeze %dma_wait3A_40 : memref<1x125x80xi32, #tpu.memory_space<hbm>> -> memref<125x80xi32, #tpu.memory_space<hbm>>
      tpu.wait_dma2 semaphore(%run_scoped3A_25 : memref<!tpu.dma_semaphore, #tpu.memory_space<semaphore_mem>>) src(%dma_wait3A_41 : memref<125x80xi32, #tpu.memory_space<hbm>>) dst(%arg6 : memref<125x80xi32, #tpu.memory_space<vmem>>)
      tpu.yield
    }) : () -> ()
    %barrier3A = arith.constant 0 : index
    tpu.barrier barrier_id(%barrier3A)
    %mul3A_5 = arith.constant 10000 : i32
    %mul3A_6 = arith.muli %add3A, %mul3A_5 : i32
    %scan3A = arith.constant 0 : i32
    %scan3A_7 = arith.constant 0 : i32
    %scan3A_8 = arith.constant 62 : i32
    %scan3A_9 = arith.addi %scan3A_7, %scan3A_8 : i32
    %scan3A_10 = arith.constant 1 : i32
    scf.for %scan3A_25 = %scan3A_7 to %scan3A_9 step %scan3A_10  : i32 {
      %mul3A_26 = arith.constant 2 : i32
      %mul3A_27 = arith.muli %mul3A_26, %scan3A_25 : i32
      %add3A_28 = arith.constant 0 : i32
      %add3A_29 = arith.addi %mul3A_27, %add3A_28 : i32
      %mul3A_30 = arith.constant 80 : i32
      %mul3A_31 = arith.muli %add3A_29, %mul3A_30 : i32
      %add3A_32 = arith.addi %mul3A_6, %mul3A_31 : i32
      %dma_start3A_33 = arith.constant 0 : i32
      %dma_start3A_34 = tpu.memref_slice %arg2[%add3A_32, %dma_start3A_33] : memref<320000x128xf32, #tpu.memory_space<hbm>> -> memref<80x128xf32, #tpu.memory_space<hbm>>
      %dma_start3A_35 = arith.constant 0 : i32
      %dma_start3A_36 = tpu.memref_slice %arg2[%add3A_32, %dma_start3A_35] : memref<320000x128xf32, #tpu.memory_space<hbm>> -> memref<80x128xf32, #tpu.memory_space<hbm>>
      tpu.enqueue_dma source(%dma_start3A_36 : memref<80x128xf32, #tpu.memory_space<hbm>>) target(%arg7 : memref<80x128xf32, #tpu.memory_space<vmem>>) target_semaphore(%arg10 : memref<!tpu.dma_semaphore, #tpu.memory_space<semaphore_mem>>)
      %add3A_37 = arith.constant 1 : i32
      %add3A_38 = arith.addi %mul3A_27, %add3A_37 : i32
      %mul3A_39 = arith.constant 80 : i32
      %mul3A_40 = arith.muli %add3A_38, %mul3A_39 : i32
      %add3A_41 = arith.addi %mul3A_6, %mul3A_40 : i32
      %dma_start3A_42 = arith.constant 0 : i32
      %dma_start3A_43 = tpu.memref_slice %arg2[%add3A_41, %dma_start3A_42] : memref<320000x128xf32, #tpu.memory_space<hbm>> -> memref<80x128xf32, #tpu.memory_space<hbm>>
      %dma_start3A_44 = arith.constant 0 : i32
      %dma_start3A_45 = tpu.memref_slice %arg2[%add3A_41, %dma_start3A_44] : memref<320000x128xf32, #tpu.memory_space<hbm>> -> memref<80x128xf32, #tpu.memory_space<hbm>>
      tpu.enqueue_dma source(%dma_start3A_45 : memref<80x128xf32, #tpu.memory_space<hbm>>) target(%arg8 : memref<80x128xf32, #tpu.memory_space<vmem>>) target_semaphore(%arg11 : memref<!tpu.dma_semaphore, #tpu.memory_space<semaphore_mem>>)
      %dma_wait3A_46 = arith.constant 0 : i32
      %dma_wait3A_47 = tpu.memref_slice %arg2[%add3A_32, %dma_wait3A_46] : memref<320000x128xf32, #tpu.memory_space<hbm>> -> memref<80x128xf32, #tpu.memory_space<hbm>>
      %dma_wait3A_48 = arith.constant 0 : i32
      %dma_wait3A_49 = tpu.memref_slice %arg2[%add3A_32, %dma_wait3A_48] : memref<320000x128xf32, #tpu.memory_space<hbm>> -> memref<80x128xf32, #tpu.memory_space<hbm>>
      tpu.wait_dma2 semaphore(%arg10 : memref<!tpu.dma_semaphore, #tpu.memory_space<semaphore_mem>>) src(%dma_wait3A_49 : memref<80x128xf32, #tpu.memory_space<hbm>>) dst(%arg7 : memref<80x128xf32, #tpu.memory_space<vmem>>)
      %add3A_50 = arith.constant 0 : i32
      %add3A_51 = arith.addi %mul3A_27, %add3A_50 : i32
      "tpu.region"() ({
        %run_scoped3A_58 = tpu.sem_alloc : memref<!tpu.dma_semaphore, #tpu.memory_space<semaphore_mem>>
        %dma_start3A_59 = arith.constant 0 : i32
        %dma_start3A_60 = tpu.memref_slice %arg6[%add3A_51, %dma_start3A_59] : memref<125x80xi32, #tpu.memory_space<vmem>> -> memref<1x80xi32, #tpu.memory_space<vmem>>
        %dma_start3A_61 = tpu.memref_squeeze %dma_start3A_60 : memref<1x80xi32, #tpu.memory_space<vmem>> -> memref<80xi32, #tpu.memory_space<vmem>>
        %dma_start3A_62 = arith.constant 0 : i32
        %dma_start3A_63 = arith.constant 0 : i32
        %dma_start3A_64 = tpu.memref_slice %arg9[%dma_start3A_62, %dma_start3A_63] : memref<10240x128xf32, #tpu.memory_space<vmem_shared>> -> memref<10240x128xf32, #tpu.memory_space<vmem_shared>>
        tpu.enqueue_indirect_dma source(%arg7 : memref<80x128xf32, #tpu.memory_space<vmem>>) target(%dma_start3A_64 : memref<10240x128xf32, #tpu.memory_space<vmem_shared>>) offsets(%dma_start3A_61 : memref<80xi32, #tpu.memory_space<vmem>>) semaphore(%run_scoped3A_58 : memref<!tpu.dma_semaphore, #tpu.memory_space<semaphore_mem>>) {add = true}
        %dma_wait3A_65 = arith.constant 0 : i32
        %dma_wait3A_66 = tpu.memref_slice %arg6[%add3A_51, %dma_wait3A_65] : memref<125x80xi32, #tpu.memory_space<vmem>> -> memref<1x80xi32, #tpu.memory_space<vmem>>
        %dma_wait3A_67 = tpu.memref_squeeze %dma_wait3A_66 : memref<1x80xi32, #tpu.memory_space<vmem>> -> memref<80xi32, #tpu.memory_space<vmem>>
        %dma_wait3A_68 = arith.constant 0 : i32
        %dma_wait3A_69 = arith.constant 0 : i32
        %dma_wait3A_70 = tpu.memref_slice %arg9[%dma_wait3A_68, %dma_wait3A_69] : memref<10240x128xf32, #tpu.memory_space<vmem_shared>> -> memref<10240x128xf32, #tpu.memory_space<vmem_shared>>
        tpu.wait_indirect_dma semaphore(%run_scoped3A_58 : memref<!tpu.dma_semaphore, #tpu.memory_space<semaphore_mem>>) src(%arg7 : memref<80x128xf32, #tpu.memory_space<vmem>>) dst(%dma_wait3A_70 : memref<10240x128xf32, #tpu.memory_space<vmem_shared>>)
        tpu.yield
      }) : () -> ()
      %dma_wait3A_52 = arith.constant 0 : i32
      %dma_wait3A_53 = tpu.memref_slice %arg2[%add3A_41, %dma_wait3A_52] : memref<320000x128xf32, #tpu.memory_space<hbm>> -> memref<80x128xf32, #tpu.memory_space<hbm>>
      %dma_wait3A_54 = arith.constant 0 : i32
      %dma_wait3A_55 = tpu.memref_slice %arg2[%add3A_41, %dma_wait3A_54] : memref<320000x128xf32, #tpu.memory_space<hbm>> -> memref<80x128xf32, #tpu.memory_space<hbm>>
      tpu.wait_dma2 semaphore(%arg11 : memref<!tpu.dma_semaphore, #tpu.memory_space<semaphore_mem>>) src(%dma_wait3A_55 : memref<80x128xf32, #tpu.memory_space<hbm>>) dst(%arg8 : memref<80x128xf32, #tpu.memory_space<vmem>>)
      %add3A_56 = arith.constant 1 : i32
      %add3A_57 = arith.addi %mul3A_27, %add3A_56 : i32
      "tpu.region"() ({
        %run_scoped3A_58 = tpu.sem_alloc : memref<!tpu.dma_semaphore, #tpu.memory_space<semaphore_mem>>
        %dma_start3A_59 = arith.constant 0 : i32
        %dma_start3A_60 = tpu.memref_slice %arg6[%add3A_57, %dma_start3A_59] : memref<125x80xi32, #tpu.memory_space<vmem>> -> memref<1x80xi32, #tpu.memory_space<vmem>>
        %dma_start3A_61 = tpu.memref_squeeze %dma_start3A_60 : memref<1x80xi32, #tpu.memory_space<vmem>> -> memref<80xi32, #tpu.memory_space<vmem>>
        %dma_start3A_62 = arith.constant 0 : i32
        %dma_start3A_63 = arith.constant 0 : i32
        %dma_start3A_64 = tpu.memref_slice %arg9[%dma_start3A_62, %dma_start3A_63] : memref<10240x128xf32, #tpu.memory_space<vmem_shared>> -> memref<10240x128xf32, #tpu.memory_space<vmem_shared>>
        tpu.enqueue_indirect_dma source(%arg8 : memref<80x128xf32, #tpu.memory_space<vmem>>) target(%dma_start3A_64 : memref<10240x128xf32, #tpu.memory_space<vmem_shared>>) offsets(%dma_start3A_61 : memref<80xi32, #tpu.memory_space<vmem>>) semaphore(%run_scoped3A_58 : memref<!tpu.dma_semaphore, #tpu.memory_space<semaphore_mem>>) {add = true}
        %dma_wait3A_65 = arith.constant 0 : i32
        %dma_wait3A_66 = tpu.memref_slice %arg6[%add3A_57, %dma_wait3A_65] : memref<125x80xi32, #tpu.memory_space<vmem>> -> memref<1x80xi32, #tpu.memory_space<vmem>>
        %dma_wait3A_67 = tpu.memref_squeeze %dma_wait3A_66 : memref<1x80xi32, #tpu.memory_space<vmem>> -> memref<80xi32, #tpu.memory_space<vmem>>
        %dma_wait3A_68 = arith.constant 0 : i32
        %dma_wait3A_69 = arith.constant 0 : i32
        %dma_wait3A_70 = tpu.memref_slice %arg9[%dma_wait3A_68, %dma_wait3A_69] : memref<10240x128xf32, #tpu.memory_space<vmem_shared>> -> memref<10240x128xf32, #tpu.memory_space<vmem_shared>>
        tpu.wait_indirect_dma semaphore(%run_scoped3A_58 : memref<!tpu.dma_semaphore, #tpu.memory_space<semaphore_mem>>) src(%arg8 : memref<80x128xf32, #tpu.memory_space<vmem>>) dst(%dma_wait3A_70 : memref<10240x128xf32, #tpu.memory_space<vmem_shared>>)
        tpu.yield
      }) : () -> ()
    }
    %scan3A_11 = arith.constant 62 : i32
    %add3A_12 = arith.constant 9920 : i32
    %add3A_13 = arith.addi %mul3A_6, %add3A_12 : i32
    %dma_start3A = arith.constant 0 : i32
    %dma_start3A_14 = tpu.memref_slice %arg2[%add3A_13, %dma_start3A] : memref<320000x128xf32, #tpu.memory_space<hbm>> -> memref<80x128xf32, #tpu.memory_space<hbm>>
    %dma_start3A_15 = arith.constant 0 : i32
    %dma_start3A_16 = tpu.memref_slice %arg2[%add3A_13, %dma_start3A_15] : memref<320000x128xf32, #tpu.memory_space<hbm>> -> memref<80x128xf32, #tpu.memory_space<hbm>>
    tpu.enqueue_dma source(%dma_start3A_16 : memref<80x128xf32, #tpu.memory_space<hbm>>) target(%arg7 : memref<80x128xf32, #tpu.memory_space<vmem>>) target_semaphore(%arg10 : memref<!tpu.dma_semaphore, #tpu.memory_space<semaphore_mem>>)
    %dma_wait3A = arith.constant 0 : i32
    %dma_wait3A_17 = tpu.memref_slice %arg2[%add3A_13, %dma_wait3A] : memref<320000x128xf32, #tpu.memory_space<hbm>> -> memref<80x128xf32, #tpu.memory_space<hbm>>
    %dma_wait3A_18 = arith.constant 0 : i32
    %dma_wait3A_19 = tpu.memref_slice %arg2[%add3A_13, %dma_wait3A_18] : memref<320000x128xf32, #tpu.memory_space<hbm>> -> memref<80x128xf32, #tpu.memory_space<hbm>>
    tpu.wait_dma2 semaphore(%arg10 : memref<!tpu.dma_semaphore, #tpu.memory_space<semaphore_mem>>) src(%dma_wait3A_19 : memref<80x128xf32, #tpu.memory_space<hbm>>) dst(%arg7 : memref<80x128xf32, #tpu.memory_space<vmem>>)
    %run_scoped3A = arith.constant 124 : i32
    "tpu.region"() ({
      %run_scoped3A_25 = tpu.sem_alloc : memref<!tpu.dma_semaphore, #tpu.memory_space<semaphore_mem>>
      %dma_start3A_26 = arith.constant 0 : i32
      %dma_start3A_27 = tpu.memref_slice %arg6[%run_scoped3A, %dma_start3A_26] : memref<125x80xi32, #tpu.memory_space<vmem>> -> memref<1x80xi32, #tpu.memory_space<vmem>>
      %dma_start3A_28 = tpu.memref_squeeze %dma_start3A_27 : memref<1x80xi32, #tpu.memory_space<vmem>> -> memref<80xi32, #tpu.memory_space<vmem>>
      %dma_start3A_29 = arith.constant 0 : i32
      %dma_start3A_30 = arith.constant 0 : i32
      %dma_start3A_31 = tpu.memref_slice %arg9[%dma_start3A_29, %dma_start3A_30] : memref<10240x128xf32, #tpu.memory_space<vmem_shared>> -> memref<10240x128xf32, #tpu.memory_space<vmem_shared>>
      tpu.enqueue_indirect_dma source(%arg7 : memref<80x128xf32, #tpu.memory_space<vmem>>) target(%dma_start3A_31 : memref<10240x128xf32, #tpu.memory_space<vmem_shared>>) offsets(%dma_start3A_28 : memref<80xi32, #tpu.memory_space<vmem>>) semaphore(%run_scoped3A_25 : memref<!tpu.dma_semaphore, #tpu.memory_space<semaphore_mem>>) {add = true}
      %dma_wait3A_32 = arith.constant 0 : i32
      %dma_wait3A_33 = tpu.memref_slice %arg6[%run_scoped3A, %dma_wait3A_32] : memref<125x80xi32, #tpu.memory_space<vmem>> -> memref<1x80xi32, #tpu.memory_space<vmem>>
      %dma_wait3A_34 = tpu.memref_squeeze %dma_wait3A_33 : memref<1x80xi32, #tpu.memory_space<vmem>> -> memref<80xi32, #tpu.memory_space<vmem>>
      %dma_wait3A_35 = arith.constant 0 : i32
      %dma_wait3A_36 = arith.constant 0 : i32
      %dma_wait3A_37 = tpu.memref_slice %arg9[%dma_wait3A_35, %dma_wait3A_36] : memref<10240x128xf32, #tpu.memory_space<vmem_shared>> -> memref<10240x128xf32, #tpu.memory_space<vmem_shared>>
      tpu.wait_indirect_dma semaphore(%run_scoped3A_25 : memref<!tpu.dma_semaphore, #tpu.memory_space<semaphore_mem>>) src(%arg7 : memref<80x128xf32, #tpu.memory_space<vmem>>) dst(%dma_wait3A_37 : memref<10240x128xf32, #tpu.memory_space<vmem_shared>>)
      tpu.yield
    }) : () -> ()
    %barrier3A_20 = arith.constant 0 : index
    tpu.barrier barrier_id(%barrier3A_20)
    %mul3A_21 = arith.constant 640 : i32
    %mul3A_22 = arith.muli %arg1, %mul3A_21 : i32
    %mul3A_23 = arith.constant 640 : i32
    %mul3A_24 = arith.muli %arg1, %mul3A_23 : i32
    "tpu.region"() ({
      %run_scoped3A_25 = tpu.sem_alloc : memref<!tpu.dma_semaphore, #tpu.memory_space<semaphore_mem>>
      %dma_start3A_26 = arith.constant 0 : i32
      %dma_start3A_27 = tpu.memref_slice %arg5[%arg0, %mul3A_24, %dma_start3A_26] : memref<2x10240x128xf32, #tpu.memory_space<hbm>> -> memref<1x640x128xf32, #tpu.memory_space<hbm>>
      %dma_start3A_28 = tpu.memref_squeeze %dma_start3A_27 : memref<1x640x128xf32, #tpu.memory_space<hbm>> -> memref<640x128xf32, #tpu.memory_space<hbm>>
      %dma_start3A_29 = arith.constant 0 : i32
      %dma_start3A_30 = tpu.memref_slice %arg9[%mul3A_22, %dma_start3A_29] : memref<10240x128xf32, #tpu.memory_space<vmem_shared>> -> memref<640x128xf32, #tpu.memory_space<vmem_shared>>
      tpu.enqueue_dma source(%dma_start3A_30 : memref<640x128xf32, #tpu.memory_space<vmem_shared>>) target(%dma_start3A_28 : memref<640x128xf32, #tpu.memory_space<hbm>>) target_semaphore(%run_scoped3A_25 : memref<!tpu.dma_semaphore, #tpu.memory_space<semaphore_mem>>)
      %dma_wait3A_31 = arith.constant 0 : i32
      %dma_wait3A_32 = tpu.memref_slice %arg5[%arg0, %mul3A_24, %dma_wait3A_31] : memref<2x10240x128xf32, #tpu.memory_space<hbm>> -> memref<1x640x128xf32, #tpu.memory_space<hbm>>
      %dma_wait3A_33 = tpu.memref_squeeze %dma_wait3A_32 : memref<1x640x128xf32, #tpu.memory_space<hbm>> -> memref<640x128xf32, #tpu.memory_space<hbm>>
      %dma_wait3A_34 = arith.constant 0 : i32
      %dma_wait3A_35 = tpu.memref_slice %arg9[%mul3A_22, %dma_wait3A_34] : memref<10240x128xf32, #tpu.memory_space<vmem_shared>> -> memref<640x128xf32, #tpu.memory_space<vmem_shared>>
      tpu.wait_dma2 semaphore(%run_scoped3A_25 : memref<!tpu.dma_semaphore, #tpu.memory_space<semaphore_mem>>) src(%dma_wait3A_35 : memref<640x128xf32, #tpu.memory_space<vmem_shared>>) dst(%dma_wait3A_33 : memref<640x128xf32, #tpu.memory_space<hbm>>)
      tpu.yield
    }) : () -> ()
    return
  }
}

#map = affine_map<(d0, d1) -> (0, 0)>
#map1 = affine_map<(d0, d1) -> (0, 0, 0)>
module attributes {stable_mosaic.version = 14 : i64} {
  func.func @_cnt_body(%arg0: i32, %arg1: i32, %arg2: memref<80x128xf32, #tpu.memory_space<hbm>>, %arg3: memref<32x125x80xi32, #tpu.memory_space<hbm>>, %arg4: memref<10240x128xf32, #tpu.memory_space<hbm>>, %arg5: memref<2x10240x128xf32, #tpu.memory_space<hbm>>, %arg6: memref<125x80xi32, #tpu.memory_space<vmem>>, %arg7: memref<80x128xf32, #tpu.memory_space<vmem>>, %arg8: memref<10240x128xf32, #tpu.memory_space<vmem_shared>>) attributes {dimension_semantics = [#tpu.dimension_semantics<core_parallel>, #tpu.dimension_semantics<subcore_parallel>], iteration_bounds = array<i64: 2, 16>, scalar_prefetch = 0 : i64, scratch_operands = 3 : i64, tpu.core_type = #tpu.core_type<sc_vector_subcore>, window_params = [{transform_indices = #map}, {transform_indices = #map1}, {transform_indices = #map}, {transform_indices = #map1}]} {
    %mul3A = arith.constant 2 : i32
    %mul3A_0 = arith.muli %arg1, %mul3A : i32
    %add3A = arith.addi %mul3A_0, %arg0 : i32
    %mul3A_1 = arith.constant 640 : i32
    %mul3A_2 = arith.muli %arg1, %mul3A_1 : i32
    %mul3A_3 = arith.constant 640 : i32
    %mul3A_4 = arith.muli %arg1, %mul3A_3 : i32
    "tpu.region"() ({
      %run_scoped3A = tpu.sem_alloc : memref<!tpu.dma_semaphore, #tpu.memory_space<semaphore_mem>>
      %dma_start3A = arith.constant 0 : i32
      %dma_start3A_15 = tpu.memref_slice %arg8[%mul3A_4, %dma_start3A] : memref<10240x128xf32, #tpu.memory_space<vmem_shared>> -> memref<640x128xf32, #tpu.memory_space<vmem_shared>>
      %dma_start3A_16 = arith.constant 0 : i32
      %dma_start3A_17 = tpu.memref_slice %arg4[%mul3A_2, %dma_start3A_16] : memref<10240x128xf32, #tpu.memory_space<hbm>> -> memref<640x128xf32, #tpu.memory_space<hbm>>
      tpu.enqueue_dma source(%dma_start3A_17 : memref<640x128xf32, #tpu.memory_space<hbm>>) target(%dma_start3A_15 : memref<640x128xf32, #tpu.memory_space<vmem_shared>>) target_semaphore(%run_scoped3A : memref<!tpu.dma_semaphore, #tpu.memory_space<semaphore_mem>>)
      %dma_wait3A = arith.constant 0 : i32
      %dma_wait3A_18 = tpu.memref_slice %arg8[%mul3A_4, %dma_wait3A] : memref<10240x128xf32, #tpu.memory_space<vmem_shared>> -> memref<640x128xf32, #tpu.memory_space<vmem_shared>>
      %dma_wait3A_19 = arith.constant 0 : i32
      %dma_wait3A_20 = tpu.memref_slice %arg4[%mul3A_2, %dma_wait3A_19] : memref<10240x128xf32, #tpu.memory_space<hbm>> -> memref<640x128xf32, #tpu.memory_space<hbm>>
      tpu.wait_dma2 semaphore(%run_scoped3A : memref<!tpu.dma_semaphore, #tpu.memory_space<semaphore_mem>>) src(%dma_wait3A_20 : memref<640x128xf32, #tpu.memory_space<hbm>>) dst(%dma_wait3A_18 : memref<640x128xf32, #tpu.memory_space<vmem_shared>>)
      tpu.yield
    }) : () -> ()
    "tpu.region"() ({
      %run_scoped3A = tpu.sem_alloc : memref<!tpu.dma_semaphore, #tpu.memory_space<semaphore_mem>>
      %dma_start3A = arith.constant 0 : i32
      %dma_start3A_15 = arith.constant 0 : i32
      %dma_start3A_16 = tpu.memref_slice %arg3[%add3A, %dma_start3A, %dma_start3A_15] : memref<32x125x80xi32, #tpu.memory_space<hbm>> -> memref<1x125x80xi32, #tpu.memory_space<hbm>>
      %dma_start3A_17 = tpu.memref_squeeze %dma_start3A_16 : memref<1x125x80xi32, #tpu.memory_space<hbm>> -> memref<125x80xi32, #tpu.memory_space<hbm>>
      %dma_start3A_18 = arith.constant 0 : i32
      %dma_start3A_19 = arith.constant 0 : i32
      %dma_start3A_20 = tpu.memref_slice %arg3[%add3A, %dma_start3A_18, %dma_start3A_19] : memref<32x125x80xi32, #tpu.memory_space<hbm>> -> memref<1x125x80xi32, #tpu.memory_space<hbm>>
      %dma_start3A_21 = tpu.memref_squeeze %dma_start3A_20 : memref<1x125x80xi32, #tpu.memory_space<hbm>> -> memref<125x80xi32, #tpu.memory_space<hbm>>
      tpu.enqueue_dma source(%dma_start3A_21 : memref<125x80xi32, #tpu.memory_space<hbm>>) target(%arg6 : memref<125x80xi32, #tpu.memory_space<vmem>>) target_semaphore(%run_scoped3A : memref<!tpu.dma_semaphore, #tpu.memory_space<semaphore_mem>>)
      %dma_wait3A = arith.constant 0 : i32
      %dma_wait3A_22 = arith.constant 0 : i32
      %dma_wait3A_23 = tpu.memref_slice %arg3[%add3A, %dma_wait3A, %dma_wait3A_22] : memref<32x125x80xi32, #tpu.memory_space<hbm>> -> memref<1x125x80xi32, #tpu.memory_space<hbm>>
      %dma_wait3A_24 = tpu.memref_squeeze %dma_wait3A_23 : memref<1x125x80xi32, #tpu.memory_space<hbm>> -> memref<125x80xi32, #tpu.memory_space<hbm>>
      %dma_wait3A_25 = arith.constant 0 : i32
      %dma_wait3A_26 = arith.constant 0 : i32
      %dma_wait3A_27 = tpu.memref_slice %arg3[%add3A, %dma_wait3A_25, %dma_wait3A_26] : memref<32x125x80xi32, #tpu.memory_space<hbm>> -> memref<1x125x80xi32, #tpu.memory_space<hbm>>
      %dma_wait3A_28 = tpu.memref_squeeze %dma_wait3A_27 : memref<1x125x80xi32, #tpu.memory_space<hbm>> -> memref<125x80xi32, #tpu.memory_space<hbm>>
      tpu.wait_dma2 semaphore(%run_scoped3A : memref<!tpu.dma_semaphore, #tpu.memory_space<semaphore_mem>>) src(%dma_wait3A_28 : memref<125x80xi32, #tpu.memory_space<hbm>>) dst(%arg6 : memref<125x80xi32, #tpu.memory_space<vmem>>)
      tpu.yield
    }) : () -> ()
    "tpu.region"() ({
      %run_scoped3A = tpu.sem_alloc : memref<!tpu.dma_semaphore, #tpu.memory_space<semaphore_mem>>
      tpu.enqueue_dma source(%arg2 : memref<80x128xf32, #tpu.memory_space<hbm>>) target(%arg7 : memref<80x128xf32, #tpu.memory_space<vmem>>) target_semaphore(%run_scoped3A : memref<!tpu.dma_semaphore, #tpu.memory_space<semaphore_mem>>)
      tpu.wait_dma2 semaphore(%run_scoped3A : memref<!tpu.dma_semaphore, #tpu.memory_space<semaphore_mem>>) src(%arg2 : memref<80x128xf32, #tpu.memory_space<hbm>>) dst(%arg7 : memref<80x128xf32, #tpu.memory_space<vmem>>)
      tpu.yield
    }) : () -> ()
    %barrier3A = arith.constant 0 : index
    tpu.barrier barrier_id(%barrier3A)
    %scan3A = arith.constant 0 : i32
    %scan3A_5 = arith.constant 0 : i32
    %scan3A_6 = arith.constant 125 : i32
    %scan3A_7 = arith.addi %scan3A_5, %scan3A_6 : i32
    %scan3A_8 = arith.constant 1 : i32
    scf.for %scan3A_15 = %scan3A_5 to %scan3A_7 step %scan3A_8  : i32 {
      "tpu.region"() ({
        %run_scoped3A = tpu.sem_alloc : memref<!tpu.dma_semaphore, #tpu.memory_space<semaphore_mem>>
        %dma_start3A = arith.constant 0 : i32
        %dma_start3A_16 = tpu.memref_slice %arg6[%scan3A_15, %dma_start3A] : memref<125x80xi32, #tpu.memory_space<vmem>> -> memref<1x80xi32, #tpu.memory_space<vmem>>
        %dma_start3A_17 = tpu.memref_squeeze %dma_start3A_16 : memref<1x80xi32, #tpu.memory_space<vmem>> -> memref<80xi32, #tpu.memory_space<vmem>>
        %dma_start3A_18 = arith.constant 0 : i32
        %dma_start3A_19 = arith.constant 0 : i32
        %dma_start3A_20 = tpu.memref_slice %arg8[%dma_start3A_18, %dma_start3A_19] : memref<10240x128xf32, #tpu.memory_space<vmem_shared>> -> memref<10240x128xf32, #tpu.memory_space<vmem_shared>>
        tpu.enqueue_indirect_dma source(%arg7 : memref<80x128xf32, #tpu.memory_space<vmem>>) target(%dma_start3A_20 : memref<10240x128xf32, #tpu.memory_space<vmem_shared>>) offsets(%dma_start3A_17 : memref<80xi32, #tpu.memory_space<vmem>>) semaphore(%run_scoped3A : memref<!tpu.dma_semaphore, #tpu.memory_space<semaphore_mem>>) {add = true}
        %dma_wait3A = arith.constant 0 : i32
        %dma_wait3A_21 = tpu.memref_slice %arg6[%scan3A_15, %dma_wait3A] : memref<125x80xi32, #tpu.memory_space<vmem>> -> memref<1x80xi32, #tpu.memory_space<vmem>>
        %dma_wait3A_22 = tpu.memref_squeeze %dma_wait3A_21 : memref<1x80xi32, #tpu.memory_space<vmem>> -> memref<80xi32, #tpu.memory_space<vmem>>
        %dma_wait3A_23 = arith.constant 0 : i32
        %dma_wait3A_24 = arith.constant 0 : i32
        %dma_wait3A_25 = tpu.memref_slice %arg8[%dma_wait3A_23, %dma_wait3A_24] : memref<10240x128xf32, #tpu.memory_space<vmem_shared>> -> memref<10240x128xf32, #tpu.memory_space<vmem_shared>>
        tpu.wait_indirect_dma semaphore(%run_scoped3A : memref<!tpu.dma_semaphore, #tpu.memory_space<semaphore_mem>>) src(%arg7 : memref<80x128xf32, #tpu.memory_space<vmem>>) dst(%dma_wait3A_25 : memref<10240x128xf32, #tpu.memory_space<vmem_shared>>)
        tpu.yield
      }) : () -> ()
    }
    %scan3A_9 = arith.constant 125 : i32
    %barrier3A_10 = arith.constant 0 : index
    tpu.barrier barrier_id(%barrier3A_10)
    %mul3A_11 = arith.constant 640 : i32
    %mul3A_12 = arith.muli %arg1, %mul3A_11 : i32
    %mul3A_13 = arith.constant 640 : i32
    %mul3A_14 = arith.muli %arg1, %mul3A_13 : i32
    "tpu.region"() ({
      %run_scoped3A = tpu.sem_alloc : memref<!tpu.dma_semaphore, #tpu.memory_space<semaphore_mem>>
      %dma_start3A = arith.constant 0 : i32
      %dma_start3A_15 = tpu.memref_slice %arg5[%arg0, %mul3A_14, %dma_start3A] : memref<2x10240x128xf32, #tpu.memory_space<hbm>> -> memref<1x640x128xf32, #tpu.memory_space<hbm>>
      %dma_start3A_16 = tpu.memref_squeeze %dma_start3A_15 : memref<1x640x128xf32, #tpu.memory_space<hbm>> -> memref<640x128xf32, #tpu.memory_space<hbm>>
      %dma_start3A_17 = arith.constant 0 : i32
      %dma_start3A_18 = tpu.memref_slice %arg8[%mul3A_12, %dma_start3A_17] : memref<10240x128xf32, #tpu.memory_space<vmem_shared>> -> memref<640x128xf32, #tpu.memory_space<vmem_shared>>
      tpu.enqueue_dma source(%dma_start3A_18 : memref<640x128xf32, #tpu.memory_space<vmem_shared>>) target(%dma_start3A_16 : memref<640x128xf32, #tpu.memory_space<hbm>>) target_semaphore(%run_scoped3A : memref<!tpu.dma_semaphore, #tpu.memory_space<semaphore_mem>>)
      %dma_wait3A = arith.constant 0 : i32
      %dma_wait3A_19 = tpu.memref_slice %arg5[%arg0, %mul3A_14, %dma_wait3A] : memref<2x10240x128xf32, #tpu.memory_space<hbm>> -> memref<1x640x128xf32, #tpu.memory_space<hbm>>
      %dma_wait3A_20 = tpu.memref_squeeze %dma_wait3A_19 : memref<1x640x128xf32, #tpu.memory_space<hbm>> -> memref<640x128xf32, #tpu.memory_space<hbm>>
      %dma_wait3A_21 = arith.constant 0 : i32
      %dma_wait3A_22 = tpu.memref_slice %arg8[%mul3A_12, %dma_wait3A_21] : memref<10240x128xf32, #tpu.memory_space<vmem_shared>> -> memref<640x128xf32, #tpu.memory_space<vmem_shared>>
      tpu.wait_dma2 semaphore(%run_scoped3A : memref<!tpu.dma_semaphore, #tpu.memory_space<semaphore_mem>>) src(%dma_wait3A_22 : memref<640x128xf32, #tpu.memory_space<vmem_shared>>) dst(%dma_wait3A_20 : memref<640x128xf32, #tpu.memory_space<hbm>>)
      tpu.yield
    }) : () -> ()
    return
  }
}

#map = affine_map<(d0, d1) -> (0, 0)>
#map1 = affine_map<(d0, d1) -> (0, 0, 0)>
module attributes {stable_mosaic.version = 14 : i64} {
  func.func @_gather_body(%arg0: i32, %arg1: i32, %arg2: memref<10000x128xf32, #tpu.memory_space<hbm>>, %arg3: memref<32x125x80xi32, #tpu.memory_space<hbm>>, %arg4: memref<320000x128xf32, #tpu.memory_space<hbm>>, %arg5: memref<125x80xi32, #tpu.memory_space<vmem>>, %arg6: memref<80x128xf32, #tpu.memory_space<vmem>>, %arg7: memref<80x128xf32, #tpu.memory_space<vmem>>, %arg8: memref<80x128xf32, #tpu.memory_space<vmem>>, %arg9: memref<80x128xf32, #tpu.memory_space<vmem>>, %arg10: memref<!tpu.dma_semaphore, #tpu.memory_space<semaphore_mem>>, %arg11: memref<!tpu.dma_semaphore, #tpu.memory_space<semaphore_mem>>, %arg12: memref<!tpu.dma_semaphore, #tpu.memory_space<semaphore_mem>>, %arg13: memref<!tpu.dma_semaphore, #tpu.memory_space<semaphore_mem>>) attributes {dimension_semantics = [#tpu.dimension_semantics<core_parallel>, #tpu.dimension_semantics<subcore_parallel>], iteration_bounds = array<i64: 2, 16>, scalar_prefetch = 0 : i64, scratch_operands = 9 : i64, tpu.core_type = #tpu.core_type<sc_vector_subcore>, window_params = [{transform_indices = #map}, {transform_indices = #map1}, {transform_indices = #map}]} {
    %mul3A = arith.constant 2 : i32
    %mul3A_0 = arith.muli %arg1, %mul3A : i32
    %add3A = arith.addi %mul3A_0, %arg0 : i32
    "tpu.region"() ({
      %run_scoped3A = tpu.sem_alloc : memref<!tpu.dma_semaphore, #tpu.memory_space<semaphore_mem>>
      %dma_start3A_22 = arith.constant 0 : i32
      %dma_start3A_23 = arith.constant 0 : i32
      %dma_start3A_24 = tpu.memref_slice %arg3[%add3A, %dma_start3A_22, %dma_start3A_23] : memref<32x125x80xi32, #tpu.memory_space<hbm>> -> memref<1x125x80xi32, #tpu.memory_space<hbm>>
      %dma_start3A_25 = tpu.memref_squeeze %dma_start3A_24 : memref<1x125x80xi32, #tpu.memory_space<hbm>> -> memref<125x80xi32, #tpu.memory_space<hbm>>
      %dma_start3A_26 = arith.constant 0 : i32
      %dma_start3A_27 = arith.constant 0 : i32
      %dma_start3A_28 = tpu.memref_slice %arg3[%add3A, %dma_start3A_26, %dma_start3A_27] : memref<32x125x80xi32, #tpu.memory_space<hbm>> -> memref<1x125x80xi32, #tpu.memory_space<hbm>>
      %dma_start3A_29 = tpu.memref_squeeze %dma_start3A_28 : memref<1x125x80xi32, #tpu.memory_space<hbm>> -> memref<125x80xi32, #tpu.memory_space<hbm>>
      tpu.enqueue_dma source(%dma_start3A_29 : memref<125x80xi32, #tpu.memory_space<hbm>>) target(%arg5 : memref<125x80xi32, #tpu.memory_space<vmem>>) target_semaphore(%run_scoped3A : memref<!tpu.dma_semaphore, #tpu.memory_space<semaphore_mem>>)
      %dma_wait3A_30 = arith.constant 0 : i32
      %dma_wait3A_31 = arith.constant 0 : i32
      %dma_wait3A_32 = tpu.memref_slice %arg3[%add3A, %dma_wait3A_30, %dma_wait3A_31] : memref<32x125x80xi32, #tpu.memory_space<hbm>> -> memref<1x125x80xi32, #tpu.memory_space<hbm>>
      %dma_wait3A_33 = tpu.memref_squeeze %dma_wait3A_32 : memref<1x125x80xi32, #tpu.memory_space<hbm>> -> memref<125x80xi32, #tpu.memory_space<hbm>>
      %dma_wait3A_34 = arith.constant 0 : i32
      %dma_wait3A_35 = arith.constant 0 : i32
      %dma_wait3A_36 = tpu.memref_slice %arg3[%add3A, %dma_wait3A_34, %dma_wait3A_35] : memref<32x125x80xi32, #tpu.memory_space<hbm>> -> memref<1x125x80xi32, #tpu.memory_space<hbm>>
      %dma_wait3A_37 = tpu.memref_squeeze %dma_wait3A_36 : memref<1x125x80xi32, #tpu.memory_space<hbm>> -> memref<125x80xi32, #tpu.memory_space<hbm>>
      tpu.wait_dma2 semaphore(%run_scoped3A : memref<!tpu.dma_semaphore, #tpu.memory_space<semaphore_mem>>) src(%dma_wait3A_37 : memref<125x80xi32, #tpu.memory_space<hbm>>) dst(%arg5 : memref<125x80xi32, #tpu.memory_space<vmem>>)
      tpu.yield
    }) : () -> ()
    %mul3A_1 = arith.constant 10000 : i32
    %mul3A_2 = arith.muli %add3A, %mul3A_1 : i32
    %scan3A = arith.constant 0 : i32
    %scan3A_3 = arith.constant 0 : i32
    %scan3A_4 = arith.constant 31 : i32
    %scan3A_5 = arith.addi %scan3A_3, %scan3A_4 : i32
    %scan3A_6 = arith.constant 1 : i32
    scf.for %scan3A_22 = %scan3A_3 to %scan3A_5 step %scan3A_6  : i32 {
      %mul3A_23 = arith.constant 4 : i32
      %mul3A_24 = arith.muli %mul3A_23, %scan3A_22 : i32
      %add3A_25 = arith.constant 0 : i32
      %add3A_26 = arith.addi %mul3A_24, %add3A_25 : i32
      %dma_start3A_27 = arith.constant 0 : i32
      %dma_start3A_28 = tpu.memref_slice %arg5[%add3A_26, %dma_start3A_27] : memref<125x80xi32, #tpu.memory_space<vmem>> -> memref<1x80xi32, #tpu.memory_space<vmem>>
      %dma_start3A_29 = tpu.memref_squeeze %dma_start3A_28 : memref<1x80xi32, #tpu.memory_space<vmem>> -> memref<80xi32, #tpu.memory_space<vmem>>
      %dma_start3A_30 = arith.constant 0 : i32
      %dma_start3A_31 = arith.constant 0 : i32
      %dma_start3A_32 = tpu.memref_slice %arg2[%dma_start3A_30, %dma_start3A_31] : memref<10000x128xf32, #tpu.memory_space<hbm>> -> memref<10000x128xf32, #tpu.memory_space<hbm>>
      tpu.enqueue_indirect_dma source(%dma_start3A_32 : memref<10000x128xf32, #tpu.memory_space<hbm>>) target(%arg6 : memref<80x128xf32, #tpu.memory_space<vmem>>) offsets(%dma_start3A_29 : memref<80xi32, #tpu.memory_space<vmem>>) semaphore(%arg10 : memref<!tpu.dma_semaphore, #tpu.memory_space<semaphore_mem>>)
      %add3A_33 = arith.constant 1 : i32
      %add3A_34 = arith.addi %mul3A_24, %add3A_33 : i32
      %dma_start3A_35 = arith.constant 0 : i32
      %dma_start3A_36 = tpu.memref_slice %arg5[%add3A_34, %dma_start3A_35] : memref<125x80xi32, #tpu.memory_space<vmem>> -> memref<1x80xi32, #tpu.memory_space<vmem>>
      %dma_start3A_37 = tpu.memref_squeeze %dma_start3A_36 : memref<1x80xi32, #tpu.memory_space<vmem>> -> memref<80xi32, #tpu.memory_space<vmem>>
      %dma_start3A_38 = arith.constant 0 : i32
      %dma_start3A_39 = arith.constant 0 : i32
      %dma_start3A_40 = tpu.memref_slice %arg2[%dma_start3A_38, %dma_start3A_39] : memref<10000x128xf32, #tpu.memory_space<hbm>> -> memref<10000x128xf32, #tpu.memory_space<hbm>>
      tpu.enqueue_indirect_dma source(%dma_start3A_40 : memref<10000x128xf32, #tpu.memory_space<hbm>>) target(%arg7 : memref<80x128xf32, #tpu.memory_space<vmem>>) offsets(%dma_start3A_37 : memref<80xi32, #tpu.memory_space<vmem>>) semaphore(%arg11 : memref<!tpu.dma_semaphore, #tpu.memory_space<semaphore_mem>>)
      %add3A_41 = arith.constant 2 : i32
      %add3A_42 = arith.addi %mul3A_24, %add3A_41 : i32
      %dma_start3A_43 = arith.constant 0 : i32
      %dma_start3A_44 = tpu.memref_slice %arg5[%add3A_42, %dma_start3A_43] : memref<125x80xi32, #tpu.memory_space<vmem>> -> memref<1x80xi32, #tpu.memory_space<vmem>>
      %dma_start3A_45 = tpu.memref_squeeze %dma_start3A_44 : memref<1x80xi32, #tpu.memory_space<vmem>> -> memref<80xi32, #tpu.memory_space<vmem>>
      %dma_start3A_46 = arith.constant 0 : i32
      %dma_start3A_47 = arith.constant 0 : i32
      %dma_start3A_48 = tpu.memref_slice %arg2[%dma_start3A_46, %dma_start3A_47] : memref<10000x128xf32, #tpu.memory_space<hbm>> -> memref<10000x128xf32, #tpu.memory_space<hbm>>
      tpu.enqueue_indirect_dma source(%dma_start3A_48 : memref<10000x128xf32, #tpu.memory_space<hbm>>) target(%arg8 : memref<80x128xf32, #tpu.memory_space<vmem>>) offsets(%dma_start3A_45 : memref<80xi32, #tpu.memory_space<vmem>>) semaphore(%arg12 : memref<!tpu.dma_semaphore, #tpu.memory_space<semaphore_mem>>)
      %add3A_49 = arith.constant 3 : i32
      %add3A_50 = arith.addi %mul3A_24, %add3A_49 : i32
      %dma_start3A_51 = arith.constant 0 : i32
      %dma_start3A_52 = tpu.memref_slice %arg5[%add3A_50, %dma_start3A_51] : memref<125x80xi32, #tpu.memory_space<vmem>> -> memref<1x80xi32, #tpu.memory_space<vmem>>
      %dma_start3A_53 = tpu.memref_squeeze %dma_start3A_52 : memref<1x80xi32, #tpu.memory_space<vmem>> -> memref<80xi32, #tpu.memory_space<vmem>>
      %dma_start3A_54 = arith.constant 0 : i32
      %dma_start3A_55 = arith.constant 0 : i32
      %dma_start3A_56 = tpu.memref_slice %arg2[%dma_start3A_54, %dma_start3A_55] : memref<10000x128xf32, #tpu.memory_space<hbm>> -> memref<10000x128xf32, #tpu.memory_space<hbm>>
      tpu.enqueue_indirect_dma source(%dma_start3A_56 : memref<10000x128xf32, #tpu.memory_space<hbm>>) target(%arg9 : memref<80x128xf32, #tpu.memory_space<vmem>>) offsets(%dma_start3A_53 : memref<80xi32, #tpu.memory_space<vmem>>) semaphore(%arg13 : memref<!tpu.dma_semaphore, #tpu.memory_space<semaphore_mem>>)
      %dma_wait3A_57 = arith.constant 0 : i32
      %dma_wait3A_58 = tpu.memref_slice %arg5[%add3A_26, %dma_wait3A_57] : memref<125x80xi32, #tpu.memory_space<vmem>> -> memref<1x80xi32, #tpu.memory_space<vmem>>
      %dma_wait3A_59 = tpu.memref_squeeze %dma_wait3A_58 : memref<1x80xi32, #tpu.memory_space<vmem>> -> memref<80xi32, #tpu.memory_space<vmem>>
      %dma_wait3A_60 = arith.constant 0 : i32
      %dma_wait3A_61 = arith.constant 0 : i32
      %dma_wait3A_62 = tpu.memref_slice %arg2[%dma_wait3A_60, %dma_wait3A_61] : memref<10000x128xf32, #tpu.memory_space<hbm>> -> memref<10000x128xf32, #tpu.memory_space<hbm>>
      tpu.wait_indirect_dma semaphore(%arg10 : memref<!tpu.dma_semaphore, #tpu.memory_space<semaphore_mem>>) src(%dma_wait3A_62 : memref<10000x128xf32, #tpu.memory_space<hbm>>) dst(%arg6 : memref<80x128xf32, #tpu.memory_space<vmem>>)
      %add3A_63 = arith.constant 0 : i32
      %add3A_64 = arith.addi %mul3A_24, %add3A_63 : i32
      %mul3A_65 = arith.constant 80 : i32
      %mul3A_66 = arith.muli %add3A_64, %mul3A_65 : i32
      %add3A_67 = arith.addi %mul3A_2, %mul3A_66 : i32
      "tpu.region"() ({
        %run_scoped3A = tpu.sem_alloc : memref<!tpu.dma_semaphore, #tpu.memory_space<semaphore_mem>>
        %dma_start3A_101 = arith.constant 0 : i32
        %dma_start3A_102 = tpu.memref_slice %arg4[%add3A_67, %dma_start3A_101] : memref<320000x128xf32, #tpu.memory_space<hbm>> -> memref<80x128xf32, #tpu.memory_space<hbm>>
        %dma_start3A_103 = arith.constant 0 : i32
        %dma_start3A_104 = tpu.memref_slice %arg4[%add3A_67, %dma_start3A_103] : memref<320000x128xf32, #tpu.memory_space<hbm>> -> memref<80x128xf32, #tpu.memory_space<hbm>>
        tpu.enqueue_dma source(%arg6 : memref<80x128xf32, #tpu.memory_space<vmem>>) target(%dma_start3A_104 : memref<80x128xf32, #tpu.memory_space<hbm>>) target_semaphore(%run_scoped3A : memref<!tpu.dma_semaphore, #tpu.memory_space<semaphore_mem>>)
        %dma_wait3A_105 = arith.constant 0 : i32
        %dma_wait3A_106 = tpu.memref_slice %arg4[%add3A_67, %dma_wait3A_105] : memref<320000x128xf32, #tpu.memory_space<hbm>> -> memref<80x128xf32, #tpu.memory_space<hbm>>
        %dma_wait3A_107 = arith.constant 0 : i32
        %dma_wait3A_108 = tpu.memref_slice %arg4[%add3A_67, %dma_wait3A_107] : memref<320000x128xf32, #tpu.memory_space<hbm>> -> memref<80x128xf32, #tpu.memory_space<hbm>>
        tpu.wait_dma2 semaphore(%run_scoped3A : memref<!tpu.dma_semaphore, #tpu.memory_space<semaphore_mem>>) src(%arg6 : memref<80x128xf32, #tpu.memory_space<vmem>>) dst(%dma_wait3A_108 : memref<80x128xf32, #tpu.memory_space<hbm>>)
        tpu.yield
      }) : () -> ()
      %dma_wait3A_68 = arith.constant 0 : i32
      %dma_wait3A_69 = tpu.memref_slice %arg5[%add3A_34, %dma_wait3A_68] : memref<125x80xi32, #tpu.memory_space<vmem>> -> memref<1x80xi32, #tpu.memory_space<vmem>>
      %dma_wait3A_70 = tpu.memref_squeeze %dma_wait3A_69 : memref<1x80xi32, #tpu.memory_space<vmem>> -> memref<80xi32, #tpu.memory_space<vmem>>
      %dma_wait3A_71 = arith.constant 0 : i32
      %dma_wait3A_72 = arith.constant 0 : i32
      %dma_wait3A_73 = tpu.memref_slice %arg2[%dma_wait3A_71, %dma_wait3A_72] : memref<10000x128xf32, #tpu.memory_space<hbm>> -> memref<10000x128xf32, #tpu.memory_space<hbm>>
      tpu.wait_indirect_dma semaphore(%arg11 : memref<!tpu.dma_semaphore, #tpu.memory_space<semaphore_mem>>) src(%dma_wait3A_73 : memref<10000x128xf32, #tpu.memory_space<hbm>>) dst(%arg7 : memref<80x128xf32, #tpu.memory_space<vmem>>)
      %add3A_74 = arith.constant 1 : i32
      %add3A_75 = arith.addi %mul3A_24, %add3A_74 : i32
      %mul3A_76 = arith.constant 80 : i32
      %mul3A_77 = arith.muli %add3A_75, %mul3A_76 : i32
      %add3A_78 = arith.addi %mul3A_2, %mul3A_77 : i32
      "tpu.region"() ({
        %run_scoped3A = tpu.sem_alloc : memref<!tpu.dma_semaphore, #tpu.memory_space<semaphore_mem>>
        %dma_start3A_101 = arith.constant 0 : i32
        %dma_start3A_102 = tpu.memref_slice %arg4[%add3A_78, %dma_start3A_101] : memref<320000x128xf32, #tpu.memory_space<hbm>> -> memref<80x128xf32, #tpu.memory_space<hbm>>
        %dma_start3A_103 = arith.constant 0 : i32
        %dma_start3A_104 = tpu.memref_slice %arg4[%add3A_78, %dma_start3A_103] : memref<320000x128xf32, #tpu.memory_space<hbm>> -> memref<80x128xf32, #tpu.memory_space<hbm>>
        tpu.enqueue_dma source(%arg7 : memref<80x128xf32, #tpu.memory_space<vmem>>) target(%dma_start3A_104 : memref<80x128xf32, #tpu.memory_space<hbm>>) target_semaphore(%run_scoped3A : memref<!tpu.dma_semaphore, #tpu.memory_space<semaphore_mem>>)
        %dma_wait3A_105 = arith.constant 0 : i32
        %dma_wait3A_106 = tpu.memref_slice %arg4[%add3A_78, %dma_wait3A_105] : memref<320000x128xf32, #tpu.memory_space<hbm>> -> memref<80x128xf32, #tpu.memory_space<hbm>>
        %dma_wait3A_107 = arith.constant 0 : i32
        %dma_wait3A_108 = tpu.memref_slice %arg4[%add3A_78, %dma_wait3A_107] : memref<320000x128xf32, #tpu.memory_space<hbm>> -> memref<80x128xf32, #tpu.memory_space<hbm>>
        tpu.wait_dma2 semaphore(%run_scoped3A : memref<!tpu.dma_semaphore, #tpu.memory_space<semaphore_mem>>) src(%arg7 : memref<80x128xf32, #tpu.memory_space<vmem>>) dst(%dma_wait3A_108 : memref<80x128xf32, #tpu.memory_space<hbm>>)
        tpu.yield
      }) : () -> ()
      %dma_wait3A_79 = arith.constant 0 : i32
      %dma_wait3A_80 = tpu.memref_slice %arg5[%add3A_42, %dma_wait3A_79] : memref<125x80xi32, #tpu.memory_space<vmem>> -> memref<1x80xi32, #tpu.memory_space<vmem>>
      %dma_wait3A_81 = tpu.memref_squeeze %dma_wait3A_80 : memref<1x80xi32, #tpu.memory_space<vmem>> -> memref<80xi32, #tpu.memory_space<vmem>>
      %dma_wait3A_82 = arith.constant 0 : i32
      %dma_wait3A_83 = arith.constant 0 : i32
      %dma_wait3A_84 = tpu.memref_slice %arg2[%dma_wait3A_82, %dma_wait3A_83] : memref<10000x128xf32, #tpu.memory_space<hbm>> -> memref<10000x128xf32, #tpu.memory_space<hbm>>
      tpu.wait_indirect_dma semaphore(%arg12 : memref<!tpu.dma_semaphore, #tpu.memory_space<semaphore_mem>>) src(%dma_wait3A_84 : memref<10000x128xf32, #tpu.memory_space<hbm>>) dst(%arg8 : memref<80x128xf32, #tpu.memory_space<vmem>>)
      %add3A_85 = arith.constant 2 : i32
      %add3A_86 = arith.addi %mul3A_24, %add3A_85 : i32
      %mul3A_87 = arith.constant 80 : i32
      %mul3A_88 = arith.muli %add3A_86, %mul3A_87 : i32
      %add3A_89 = arith.addi %mul3A_2, %mul3A_88 : i32
      "tpu.region"() ({
        %run_scoped3A = tpu.sem_alloc : memref<!tpu.dma_semaphore, #tpu.memory_space<semaphore_mem>>
        %dma_start3A_101 = arith.constant 0 : i32
        %dma_start3A_102 = tpu.memref_slice %arg4[%add3A_89, %dma_start3A_101] : memref<320000x128xf32, #tpu.memory_space<hbm>> -> memref<80x128xf32, #tpu.memory_space<hbm>>
        %dma_start3A_103 = arith.constant 0 : i32
        %dma_start3A_104 = tpu.memref_slice %arg4[%add3A_89, %dma_start3A_103] : memref<320000x128xf32, #tpu.memory_space<hbm>> -> memref<80x128xf32, #tpu.memory_space<hbm>>
        tpu.enqueue_dma source(%arg8 : memref<80x128xf32, #tpu.memory_space<vmem>>) target(%dma_start3A_104 : memref<80x128xf32, #tpu.memory_space<hbm>>) target_semaphore(%run_scoped3A : memref<!tpu.dma_semaphore, #tpu.memory_space<semaphore_mem>>)
        %dma_wait3A_105 = arith.constant 0 : i32
        %dma_wait3A_106 = tpu.memref_slice %arg4[%add3A_89, %dma_wait3A_105] : memref<320000x128xf32, #tpu.memory_space<hbm>> -> memref<80x128xf32, #tpu.memory_space<hbm>>
        %dma_wait3A_107 = arith.constant 0 : i32
        %dma_wait3A_108 = tpu.memref_slice %arg4[%add3A_89, %dma_wait3A_107] : memref<320000x128xf32, #tpu.memory_space<hbm>> -> memref<80x128xf32, #tpu.memory_space<hbm>>
        tpu.wait_dma2 semaphore(%run_scoped3A : memref<!tpu.dma_semaphore, #tpu.memory_space<semaphore_mem>>) src(%arg8 : memref<80x128xf32, #tpu.memory_space<vmem>>) dst(%dma_wait3A_108 : memref<80x128xf32, #tpu.memory_space<hbm>>)
        tpu.yield
      }) : () -> ()
      %dma_wait3A_90 = arith.constant 0 : i32
      %dma_wait3A_91 = tpu.memref_slice %arg5[%add3A_50, %dma_wait3A_90] : memref<125x80xi32, #tpu.memory_space<vmem>> -> memref<1x80xi32, #tpu.memory_space<vmem>>
      %dma_wait3A_92 = tpu.memref_squeeze %dma_wait3A_91 : memref<1x80xi32, #tpu.memory_space<vmem>> -> memref<80xi32, #tpu.memory_space<vmem>>
      %dma_wait3A_93 = arith.constant 0 : i32
      %dma_wait3A_94 = arith.constant 0 : i32
      %dma_wait3A_95 = tpu.memref_slice %arg2[%dma_wait3A_93, %dma_wait3A_94] : memref<10000x128xf32, #tpu.memory_space<hbm>> -> memref<10000x128xf32, #tpu.memory_space<hbm>>
      tpu.wait_indirect_dma semaphore(%arg13 : memref<!tpu.dma_semaphore, #tpu.memory_space<semaphore_mem>>) src(%dma_wait3A_95 : memref<10000x128xf32, #tpu.memory_space<hbm>>) dst(%arg9 : memref<80x128xf32, #tpu.memory_space<vmem>>)
      %add3A_96 = arith.constant 3 : i32
      %add3A_97 = arith.addi %mul3A_24, %add3A_96 : i32
      %mul3A_98 = arith.constant 80 : i32
      %mul3A_99 = arith.muli %add3A_97, %mul3A_98 : i32
      %add3A_100 = arith.addi %mul3A_2, %mul3A_99 : i32
      "tpu.region"() ({
        %run_scoped3A = tpu.sem_alloc : memref<!tpu.dma_semaphore, #tpu.memory_space<semaphore_mem>>
        %dma_start3A_101 = arith.constant 0 : i32
        %dma_start3A_102 = tpu.memref_slice %arg4[%add3A_100, %dma_start3A_101] : memref<320000x128xf32, #tpu.memory_space<hbm>> -> memref<80x128xf32, #tpu.memory_space<hbm>>
        %dma_start3A_103 = arith.constant 0 : i32
        %dma_start3A_104 = tpu.memref_slice %arg4[%add3A_100, %dma_start3A_103] : memref<320000x128xf32, #tpu.memory_space<hbm>> -> memref<80x128xf32, #tpu.memory_space<hbm>>
        tpu.enqueue_dma source(%arg9 : memref<80x128xf32, #tpu.memory_space<vmem>>) target(%dma_start3A_104 : memref<80x128xf32, #tpu.memory_space<hbm>>) target_semaphore(%run_scoped3A : memref<!tpu.dma_semaphore, #tpu.memory_space<semaphore_mem>>)
        %dma_wait3A_105 = arith.constant 0 : i32
        %dma_wait3A_106 = tpu.memref_slice %arg4[%add3A_100, %dma_wait3A_105] : memref<320000x128xf32, #tpu.memory_space<hbm>> -> memref<80x128xf32, #tpu.memory_space<hbm>>
        %dma_wait3A_107 = arith.constant 0 : i32
        %dma_wait3A_108 = tpu.memref_slice %arg4[%add3A_100, %dma_wait3A_107] : memref<320000x128xf32, #tpu.memory_space<hbm>> -> memref<80x128xf32, #tpu.memory_space<hbm>>
        tpu.wait_dma2 semaphore(%run_scoped3A : memref<!tpu.dma_semaphore, #tpu.memory_space<semaphore_mem>>) src(%arg9 : memref<80x128xf32, #tpu.memory_space<vmem>>) dst(%dma_wait3A_108 : memref<80x128xf32, #tpu.memory_space<hbm>>)
        tpu.yield
      }) : () -> ()
    }
    %scan3A_7 = arith.constant 31 : i32
    %dma_start3A = arith.constant 124 : i32
    %dma_start3A_8 = arith.constant 0 : i32
    %dma_start3A_9 = tpu.memref_slice %arg5[%dma_start3A, %dma_start3A_8] : memref<125x80xi32, #tpu.memory_space<vmem>> -> memref<1x80xi32, #tpu.memory_space<vmem>>
    %dma_start3A_10 = tpu.memref_squeeze %dma_start3A_9 : memref<1x80xi32, #tpu.memory_space<vmem>> -> memref<80xi32, #tpu.memory_space<vmem>>
    %dma_start3A_11 = arith.constant 0 : i32
    %dma_start3A_12 = arith.constant 0 : i32
    %dma_start3A_13 = tpu.memref_slice %arg2[%dma_start3A_11, %dma_start3A_12] : memref<10000x128xf32, #tpu.memory_space<hbm>> -> memref<10000x128xf32, #tpu.memory_space<hbm>>
    tpu.enqueue_indirect_dma source(%dma_start3A_13 : memref<10000x128xf32, #tpu.memory_space<hbm>>) target(%arg6 : memref<80x128xf32, #tpu.memory_space<vmem>>) offsets(%dma_start3A_10 : memref<80xi32, #tpu.memory_space<vmem>>) semaphore(%arg10 : memref<!tpu.dma_semaphore, #tpu.memory_space<semaphore_mem>>)
    %dma_wait3A = arith.constant 124 : i32
    %dma_wait3A_14 = arith.constant 0 : i32
    %dma_wait3A_15 = tpu.memref_slice %arg5[%dma_wait3A, %dma_wait3A_14] : memref<125x80xi32, #tpu.memory_space<vmem>> -> memref<1x80xi32, #tpu.memory_space<vmem>>
    %dma_wait3A_16 = tpu.memref_squeeze %dma_wait3A_15 : memref<1x80xi32, #tpu.memory_space<vmem>> -> memref<80xi32, #tpu.memory_space<vmem>>
    %dma_wait3A_17 = arith.constant 0 : i32
    %dma_wait3A_18 = arith.constant 0 : i32
    %dma_wait3A_19 = tpu.memref_slice %arg2[%dma_wait3A_17, %dma_wait3A_18] : memref<10000x128xf32, #tpu.memory_space<hbm>> -> memref<10000x128xf32, #tpu.memory_space<hbm>>
    tpu.wait_indirect_dma semaphore(%arg10 : memref<!tpu.dma_semaphore, #tpu.memory_space<semaphore_mem>>) src(%dma_wait3A_19 : memref<10000x128xf32, #tpu.memory_space<hbm>>) dst(%arg6 : memref<80x128xf32, #tpu.memory_space<vmem>>)
    %add3A_20 = arith.constant 9920 : i32
    %add3A_21 = arith.addi %mul3A_2, %add3A_20 : i32
    "tpu.region"() ({
      %run_scoped3A = tpu.sem_alloc : memref<!tpu.dma_semaphore, #tpu.memory_space<semaphore_mem>>
      %dma_start3A_22 = arith.constant 0 : i32
      %dma_start3A_23 = tpu.memref_slice %arg4[%add3A_21, %dma_start3A_22] : memref<320000x128xf32, #tpu.memory_space<hbm>> -> memref<80x128xf32, #tpu.memory_space<hbm>>
      %dma_start3A_24 = arith.constant 0 : i32
      %dma_start3A_25 = tpu.memref_slice %arg4[%add3A_21, %dma_start3A_24] : memref<320000x128xf32, #tpu.memory_space<hbm>> -> memref<80x128xf32, #tpu.memory_space<hbm>>
      tpu.enqueue_dma source(%arg6 : memref<80x128xf32, #tpu.memory_space<vmem>>) target(%dma_start3A_25 : memref<80x128xf32, #tpu.memory_space<hbm>>) target_semaphore(%run_scoped3A : memref<!tpu.dma_semaphore, #tpu.memory_space<semaphore_mem>>)
      %dma_wait3A_26 = arith.constant 0 : i32
      %dma_wait3A_27 = tpu.memref_slice %arg4[%add3A_21, %dma_wait3A_26] : memref<320000x128xf32, #tpu.memory_space<hbm>> -> memref<80x128xf32, #tpu.memory_space<hbm>>
      %dma_wait3A_28 = arith.constant 0 : i32
      %dma_wait3A_29 = tpu.memref_slice %arg4[%add3A_21, %dma_wait3A_28] : memref<320000x128xf32, #tpu.memory_space<hbm>> -> memref<80x128xf32, #tpu.memory_space<hbm>>
      tpu.wait_dma2 semaphore(%run_scoped3A : memref<!tpu.dma_semaphore, #tpu.memory_space<semaphore_mem>>) src(%arg6 : memref<80x128xf32, #tpu.memory_space<vmem>>) dst(%dma_wait3A_29 : memref<80x128xf32, #tpu.memory_space<hbm>>)
      tpu.yield
    }) : () -> ()
    return
  }
}

#map = affine_map<(d0, d1) -> (0, 0)>
#map1 = affine_map<(d0, d1) -> (0, 0, 0)>
module attributes {stable_mosaic.version = 14 : i64} {
  func.func @_seg_body(%arg0: i32, %arg1: i32, %arg2: memref<320000x128xf32, #tpu.memory_space<hbm>>, %arg3: memref<32x125x80xi32, #tpu.memory_space<hbm>>, %arg4: memref<10240x128xf32, #tpu.memory_space<hbm>>, %arg5: memref<2x10240x128xf32, #tpu.memory_space<hbm>>, %arg6: memref<125x80xi32, #tpu.memory_space<vmem>>, %arg7: memref<80x128xf32, #tpu.memory_space<vmem>>, %arg8: memref<80x128xf32, #tpu.memory_space<vmem>>, %arg9: memref<10240x128xf32, #tpu.memory_space<vmem_shared>>, %arg10: memref<!tpu.dma_semaphore, #tpu.memory_space<semaphore_mem>>, %arg11: memref<!tpu.dma_semaphore, #tpu.memory_space<semaphore_mem>>) attributes {dimension_semantics = [#tpu.dimension_semantics<core_parallel>, #tpu.dimension_semantics<subcore_parallel>], iteration_bounds = array<i64: 2, 16>, scalar_prefetch = 0 : i64, scratch_operands = 6 : i64, tpu.core_type = #tpu.core_type<sc_vector_subcore>, window_params = [{transform_indices = #map}, {transform_indices = #map1}, {transform_indices = #map}, {transform_indices = #map1}]} {
    %mul3A = arith.constant 2 : i32
    %mul3A_0 = arith.muli %arg1, %mul3A : i32
    %add3A = arith.addi %mul3A_0, %arg0 : i32
    %mul3A_1 = arith.constant 640 : i32
    %mul3A_2 = arith.muli %arg1, %mul3A_1 : i32
    %mul3A_3 = arith.constant 640 : i32
    %mul3A_4 = arith.muli %arg1, %mul3A_3 : i32
    "tpu.region"() ({
      %run_scoped3A_25 = tpu.sem_alloc : memref<!tpu.dma_semaphore, #tpu.memory_space<semaphore_mem>>
      %dma_start3A_26 = arith.constant 0 : i32
      %dma_start3A_27 = tpu.memref_slice %arg9[%mul3A_4, %dma_start3A_26] : memref<10240x128xf32, #tpu.memory_space<vmem_shared>> -> memref<640x128xf32, #tpu.memory_space<vmem_shared>>
      %dma_start3A_28 = arith.constant 0 : i32
      %dma_start3A_29 = tpu.memref_slice %arg4[%mul3A_2, %dma_start3A_28] : memref<10240x128xf32, #tpu.memory_space<hbm>> -> memref<640x128xf32, #tpu.memory_space<hbm>>
      tpu.enqueue_dma source(%dma_start3A_29 : memref<640x128xf32, #tpu.memory_space<hbm>>) target(%dma_start3A_27 : memref<640x128xf32, #tpu.memory_space<vmem_shared>>) target_semaphore(%run_scoped3A_25 : memref<!tpu.dma_semaphore, #tpu.memory_space<semaphore_mem>>)
      %dma_wait3A_30 = arith.constant 0 : i32
      %dma_wait3A_31 = tpu.memref_slice %arg9[%mul3A_4, %dma_wait3A_30] : memref<10240x128xf32, #tpu.memory_space<vmem_shared>> -> memref<640x128xf32, #tpu.memory_space<vmem_shared>>
      %dma_wait3A_32 = arith.constant 0 : i32
      %dma_wait3A_33 = tpu.memref_slice %arg4[%mul3A_2, %dma_wait3A_32] : memref<10240x128xf32, #tpu.memory_space<hbm>> -> memref<640x128xf32, #tpu.memory_space<hbm>>
      tpu.wait_dma2 semaphore(%run_scoped3A_25 : memref<!tpu.dma_semaphore, #tpu.memory_space<semaphore_mem>>) src(%dma_wait3A_33 : memref<640x128xf32, #tpu.memory_space<hbm>>) dst(%dma_wait3A_31 : memref<640x128xf32, #tpu.memory_space<vmem_shared>>)
      tpu.yield
    }) : () -> ()
    "tpu.region"() ({
      %run_scoped3A_25 = tpu.sem_alloc : memref<!tpu.dma_semaphore, #tpu.memory_space<semaphore_mem>>
      %dma_start3A_26 = arith.constant 0 : i32
      %dma_start3A_27 = arith.constant 0 : i32
      %dma_start3A_28 = tpu.memref_slice %arg3[%add3A, %dma_start3A_26, %dma_start3A_27] : memref<32x125x80xi32, #tpu.memory_space<hbm>> -> memref<1x125x80xi32, #tpu.memory_space<hbm>>
      %dma_start3A_29 = tpu.memref_squeeze %dma_start3A_28 : memref<1x125x80xi32, #tpu.memory_space<hbm>> -> memref<125x80xi32, #tpu.memory_space<hbm>>
      %dma_start3A_30 = arith.constant 0 : i32
      %dma_start3A_31 = arith.constant 0 : i32
      %dma_start3A_32 = tpu.memref_slice %arg3[%add3A, %dma_start3A_30, %dma_start3A_31] : memref<32x125x80xi32, #tpu.memory_space<hbm>> -> memref<1x125x80xi32, #tpu.memory_space<hbm>>
      %dma_start3A_33 = tpu.memref_squeeze %dma_start3A_32 : memref<1x125x80xi32, #tpu.memory_space<hbm>> -> memref<125x80xi32, #tpu.memory_space<hbm>>
      tpu.enqueue_dma source(%dma_start3A_33 : memref<125x80xi32, #tpu.memory_space<hbm>>) target(%arg6 : memref<125x80xi32, #tpu.memory_space<vmem>>) target_semaphore(%run_scoped3A_25 : memref<!tpu.dma_semaphore, #tpu.memory_space<semaphore_mem>>)
      %dma_wait3A_34 = arith.constant 0 : i32
      %dma_wait3A_35 = arith.constant 0 : i32
      %dma_wait3A_36 = tpu.memref_slice %arg3[%add3A, %dma_wait3A_34, %dma_wait3A_35] : memref<32x125x80xi32, #tpu.memory_space<hbm>> -> memref<1x125x80xi32, #tpu.memory_space<hbm>>
      %dma_wait3A_37 = tpu.memref_squeeze %dma_wait3A_36 : memref<1x125x80xi32, #tpu.memory_space<hbm>> -> memref<125x80xi32, #tpu.memory_space<hbm>>
      %dma_wait3A_38 = arith.constant 0 : i32
      %dma_wait3A_39 = arith.constant 0 : i32
      %dma_wait3A_40 = tpu.memref_slice %arg3[%add3A, %dma_wait3A_38, %dma_wait3A_39] : memref<32x125x80xi32, #tpu.memory_space<hbm>> -> memref<1x125x80xi32, #tpu.memory_space<hbm>>
      %dma_wait3A_41 = tpu.memref_squeeze %dma_wait3A_40 : memref<1x125x80xi32, #tpu.memory_space<hbm>> -> memref<125x80xi32, #tpu.memory_space<hbm>>
      tpu.wait_dma2 semaphore(%run_scoped3A_25 : memref<!tpu.dma_semaphore, #tpu.memory_space<semaphore_mem>>) src(%dma_wait3A_41 : memref<125x80xi32, #tpu.memory_space<hbm>>) dst(%arg6 : memref<125x80xi32, #tpu.memory_space<vmem>>)
      tpu.yield
    }) : () -> ()
    %barrier3A = arith.constant 0 : index
    tpu.barrier barrier_id(%barrier3A)
    %mul3A_5 = arith.constant 10000 : i32
    %mul3A_6 = arith.muli %add3A, %mul3A_5 : i32
    %scan3A = arith.constant 0 : i32
    %scan3A_7 = arith.constant 0 : i32
    %scan3A_8 = arith.constant 62 : i32
    %scan3A_9 = arith.addi %scan3A_7, %scan3A_8 : i32
    %scan3A_10 = arith.constant 1 : i32
    scf.for %scan3A_25 = %scan3A_7 to %scan3A_9 step %scan3A_10  : i32 {
      %mul3A_26 = arith.constant 2 : i32
      %mul3A_27 = arith.muli %mul3A_26, %scan3A_25 : i32
      %add3A_28 = arith.constant 0 : i32
      %add3A_29 = arith.addi %mul3A_27, %add3A_28 : i32
      %mul3A_30 = arith.constant 80 : i32
      %mul3A_31 = arith.muli %add3A_29, %mul3A_30 : i32
      %add3A_32 = arith.addi %mul3A_6, %mul3A_31 : i32
      %dma_start3A_33 = arith.constant 0 : i32
      %dma_start3A_34 = tpu.memref_slice %arg2[%add3A_32, %dma_start3A_33] : memref<320000x128xf32, #tpu.memory_space<hbm>> -> memref<80x128xf32, #tpu.memory_space<hbm>>
      %dma_start3A_35 = arith.constant 0 : i32
      %dma_start3A_36 = tpu.memref_slice %arg2[%add3A_32, %dma_start3A_35] : memref<320000x128xf32, #tpu.memory_space<hbm>> -> memref<80x128xf32, #tpu.memory_space<hbm>>
      tpu.enqueue_dma source(%dma_start3A_36 : memref<80x128xf32, #tpu.memory_space<hbm>>) target(%arg7 : memref<80x128xf32, #tpu.memory_space<vmem>>) target_semaphore(%arg10 : memref<!tpu.dma_semaphore, #tpu.memory_space<semaphore_mem>>)
      %add3A_37 = arith.constant 1 : i32
      %add3A_38 = arith.addi %mul3A_27, %add3A_37 : i32
      %mul3A_39 = arith.constant 80 : i32
      %mul3A_40 = arith.muli %add3A_38, %mul3A_39 : i32
      %add3A_41 = arith.addi %mul3A_6, %mul3A_40 : i32
      %dma_start3A_42 = arith.constant 0 : i32
      %dma_start3A_43 = tpu.memref_slice %arg2[%add3A_41, %dma_start3A_42] : memref<320000x128xf32, #tpu.memory_space<hbm>> -> memref<80x128xf32, #tpu.memory_space<hbm>>
      %dma_start3A_44 = arith.constant 0 : i32
      %dma_start3A_45 = tpu.memref_slice %arg2[%add3A_41, %dma_start3A_44] : memref<320000x128xf32, #tpu.memory_space<hbm>> -> memref<80x128xf32, #tpu.memory_space<hbm>>
      tpu.enqueue_dma source(%dma_start3A_45 : memref<80x128xf32, #tpu.memory_space<hbm>>) target(%arg8 : memref<80x128xf32, #tpu.memory_space<vmem>>) target_semaphore(%arg11 : memref<!tpu.dma_semaphore, #tpu.memory_space<semaphore_mem>>)
      %dma_wait3A_46 = arith.constant 0 : i32
      %dma_wait3A_47 = tpu.memref_slice %arg2[%add3A_32, %dma_wait3A_46] : memref<320000x128xf32, #tpu.memory_space<hbm>> -> memref<80x128xf32, #tpu.memory_space<hbm>>
      %dma_wait3A_48 = arith.constant 0 : i32
      %dma_wait3A_49 = tpu.memref_slice %arg2[%add3A_32, %dma_wait3A_48] : memref<320000x128xf32, #tpu.memory_space<hbm>> -> memref<80x128xf32, #tpu.memory_space<hbm>>
      tpu.wait_dma2 semaphore(%arg10 : memref<!tpu.dma_semaphore, #tpu.memory_space<semaphore_mem>>) src(%dma_wait3A_49 : memref<80x128xf32, #tpu.memory_space<hbm>>) dst(%arg7 : memref<80x128xf32, #tpu.memory_space<vmem>>)
      %add3A_50 = arith.constant 0 : i32
      %add3A_51 = arith.addi %mul3A_27, %add3A_50 : i32
      "tpu.region"() ({
        %run_scoped3A_58 = tpu.sem_alloc : memref<!tpu.dma_semaphore, #tpu.memory_space<semaphore_mem>>
        %dma_start3A_59 = arith.constant 0 : i32
        %dma_start3A_60 = tpu.memref_slice %arg6[%add3A_51, %dma_start3A_59] : memref<125x80xi32, #tpu.memory_space<vmem>> -> memref<1x80xi32, #tpu.memory_space<vmem>>
        %dma_start3A_61 = tpu.memref_squeeze %dma_start3A_60 : memref<1x80xi32, #tpu.memory_space<vmem>> -> memref<80xi32, #tpu.memory_space<vmem>>
        %dma_start3A_62 = arith.constant 0 : i32
        %dma_start3A_63 = arith.constant 0 : i32
        %dma_start3A_64 = tpu.memref_slice %arg9[%dma_start3A_62, %dma_start3A_63] : memref<10240x128xf32, #tpu.memory_space<vmem_shared>> -> memref<10240x128xf32, #tpu.memory_space<vmem_shared>>
        tpu.enqueue_indirect_dma source(%arg7 : memref<80x128xf32, #tpu.memory_space<vmem>>) target(%dma_start3A_64 : memref<10240x128xf32, #tpu.memory_space<vmem_shared>>) offsets(%dma_start3A_61 : memref<80xi32, #tpu.memory_space<vmem>>) semaphore(%run_scoped3A_58 : memref<!tpu.dma_semaphore, #tpu.memory_space<semaphore_mem>>) {add = true}
        %dma_wait3A_65 = arith.constant 0 : i32
        %dma_wait3A_66 = tpu.memref_slice %arg6[%add3A_51, %dma_wait3A_65] : memref<125x80xi32, #tpu.memory_space<vmem>> -> memref<1x80xi32, #tpu.memory_space<vmem>>
        %dma_wait3A_67 = tpu.memref_squeeze %dma_wait3A_66 : memref<1x80xi32, #tpu.memory_space<vmem>> -> memref<80xi32, #tpu.memory_space<vmem>>
        %dma_wait3A_68 = arith.constant 0 : i32
        %dma_wait3A_69 = arith.constant 0 : i32
        %dma_wait3A_70 = tpu.memref_slice %arg9[%dma_wait3A_68, %dma_wait3A_69] : memref<10240x128xf32, #tpu.memory_space<vmem_shared>> -> memref<10240x128xf32, #tpu.memory_space<vmem_shared>>
        tpu.wait_indirect_dma semaphore(%run_scoped3A_58 : memref<!tpu.dma_semaphore, #tpu.memory_space<semaphore_mem>>) src(%arg7 : memref<80x128xf32, #tpu.memory_space<vmem>>) dst(%dma_wait3A_70 : memref<10240x128xf32, #tpu.memory_space<vmem_shared>>)
        tpu.yield
      }) : () -> ()
      %dma_wait3A_52 = arith.constant 0 : i32
      %dma_wait3A_53 = tpu.memref_slice %arg2[%add3A_41, %dma_wait3A_52] : memref<320000x128xf32, #tpu.memory_space<hbm>> -> memref<80x128xf32, #tpu.memory_space<hbm>>
      %dma_wait3A_54 = arith.constant 0 : i32
      %dma_wait3A_55 = tpu.memref_slice %arg2[%add3A_41, %dma_wait3A_54] : memref<320000x128xf32, #tpu.memory_space<hbm>> -> memref<80x128xf32, #tpu.memory_space<hbm>>
      tpu.wait_dma2 semaphore(%arg11 : memref<!tpu.dma_semaphore, #tpu.memory_space<semaphore_mem>>) src(%dma_wait3A_55 : memref<80x128xf32, #tpu.memory_space<hbm>>) dst(%arg8 : memref<80x128xf32, #tpu.memory_space<vmem>>)
      %add3A_56 = arith.constant 1 : i32
      %add3A_57 = arith.addi %mul3A_27, %add3A_56 : i32
      "tpu.region"() ({
        %run_scoped3A_58 = tpu.sem_alloc : memref<!tpu.dma_semaphore, #tpu.memory_space<semaphore_mem>>
        %dma_start3A_59 = arith.constant 0 : i32
        %dma_start3A_60 = tpu.memref_slice %arg6[%add3A_57, %dma_start3A_59] : memref<125x80xi32, #tpu.memory_space<vmem>> -> memref<1x80xi32, #tpu.memory_space<vmem>>
        %dma_start3A_61 = tpu.memref_squeeze %dma_start3A_60 : memref<1x80xi32, #tpu.memory_space<vmem>> -> memref<80xi32, #tpu.memory_space<vmem>>
        %dma_start3A_62 = arith.constant 0 : i32
        %dma_start3A_63 = arith.constant 0 : i32
        %dma_start3A_64 = tpu.memref_slice %arg9[%dma_start3A_62, %dma_start3A_63] : memref<10240x128xf32, #tpu.memory_space<vmem_shared>> -> memref<10240x128xf32, #tpu.memory_space<vmem_shared>>
        tpu.enqueue_indirect_dma source(%arg8 : memref<80x128xf32, #tpu.memory_space<vmem>>) target(%dma_start3A_64 : memref<10240x128xf32, #tpu.memory_space<vmem_shared>>) offsets(%dma_start3A_61 : memref<80xi32, #tpu.memory_space<vmem>>) semaphore(%run_scoped3A_58 : memref<!tpu.dma_semaphore, #tpu.memory_space<semaphore_mem>>) {add = true}
        %dma_wait3A_65 = arith.constant 0 : i32
        %dma_wait3A_66 = tpu.memref_slice %arg6[%add3A_57, %dma_wait3A_65] : memref<125x80xi32, #tpu.memory_space<vmem>> -> memref<1x80xi32, #tpu.memory_space<vmem>>
        %dma_wait3A_67 = tpu.memref_squeeze %dma_wait3A_66 : memref<1x80xi32, #tpu.memory_space<vmem>> -> memref<80xi32, #tpu.memory_space<vmem>>
        %dma_wait3A_68 = arith.constant 0 : i32
        %dma_wait3A_69 = arith.constant 0 : i32
        %dma_wait3A_70 = tpu.memref_slice %arg9[%dma_wait3A_68, %dma_wait3A_69] : memref<10240x128xf32, #tpu.memory_space<vmem_shared>> -> memref<10240x128xf32, #tpu.memory_space<vmem_shared>>
        tpu.wait_indirect_dma semaphore(%run_scoped3A_58 : memref<!tpu.dma_semaphore, #tpu.memory_space<semaphore_mem>>) src(%arg8 : memref<80x128xf32, #tpu.memory_space<vmem>>) dst(%dma_wait3A_70 : memref<10240x128xf32, #tpu.memory_space<vmem_shared>>)
        tpu.yield
      }) : () -> ()
    }
    %scan3A_11 = arith.constant 62 : i32
    %add3A_12 = arith.constant 9920 : i32
    %add3A_13 = arith.addi %mul3A_6, %add3A_12 : i32
    %dma_start3A = arith.constant 0 : i32
    %dma_start3A_14 = tpu.memref_slice %arg2[%add3A_13, %dma_start3A] : memref<320000x128xf32, #tpu.memory_space<hbm>> -> memref<80x128xf32, #tpu.memory_space<hbm>>
    %dma_start3A_15 = arith.constant 0 : i32
    %dma_start3A_16 = tpu.memref_slice %arg2[%add3A_13, %dma_start3A_15] : memref<320000x128xf32, #tpu.memory_space<hbm>> -> memref<80x128xf32, #tpu.memory_space<hbm>>
    tpu.enqueue_dma source(%dma_start3A_16 : memref<80x128xf32, #tpu.memory_space<hbm>>) target(%arg7 : memref<80x128xf32, #tpu.memory_space<vmem>>) target_semaphore(%arg10 : memref<!tpu.dma_semaphore, #tpu.memory_space<semaphore_mem>>)
    %dma_wait3A = arith.constant 0 : i32
    %dma_wait3A_17 = tpu.memref_slice %arg2[%add3A_13, %dma_wait3A] : memref<320000x128xf32, #tpu.memory_space<hbm>> -> memref<80x128xf32, #tpu.memory_space<hbm>>
    %dma_wait3A_18 = arith.constant 0 : i32
    %dma_wait3A_19 = tpu.memref_slice %arg2[%add3A_13, %dma_wait3A_18] : memref<320000x128xf32, #tpu.memory_space<hbm>> -> memref<80x128xf32, #tpu.memory_space<hbm>>
    tpu.wait_dma2 semaphore(%arg10 : memref<!tpu.dma_semaphore, #tpu.memory_space<semaphore_mem>>) src(%dma_wait3A_19 : memref<80x128xf32, #tpu.memory_space<hbm>>) dst(%arg7 : memref<80x128xf32, #tpu.memory_space<vmem>>)
    %run_scoped3A = arith.constant 124 : i32
    "tpu.region"() ({
      %run_scoped3A_25 = tpu.sem_alloc : memref<!tpu.dma_semaphore, #tpu.memory_space<semaphore_mem>>
      %dma_start3A_26 = arith.constant 0 : i32
      %dma_start3A_27 = tpu.memref_slice %arg6[%run_scoped3A, %dma_start3A_26] : memref<125x80xi32, #tpu.memory_space<vmem>> -> memref<1x80xi32, #tpu.memory_space<vmem>>
      %dma_start3A_28 = tpu.memref_squeeze %dma_start3A_27 : memref<1x80xi32, #tpu.memory_space<vmem>> -> memref<80xi32, #tpu.memory_space<vmem>>
      %dma_start3A_29 = arith.constant 0 : i32
      %dma_start3A_30 = arith.constant 0 : i32
      %dma_start3A_31 = tpu.memref_slice %arg9[%dma_start3A_29, %dma_start3A_30] : memref<10240x128xf32, #tpu.memory_space<vmem_shared>> -> memref<10240x128xf32, #tpu.memory_space<vmem_shared>>
      tpu.enqueue_indirect_dma source(%arg7 : memref<80x128xf32, #tpu.memory_space<vmem>>) target(%dma_start3A_31 : memref<10240x128xf32, #tpu.memory_space<vmem_shared>>) offsets(%dma_start3A_28 : memref<80xi32, #tpu.memory_space<vmem>>) semaphore(%run_scoped3A_25 : memref<!tpu.dma_semaphore, #tpu.memory_space<semaphore_mem>>) {add = true}
      %dma_wait3A_32 = arith.constant 0 : i32
      %dma_wait3A_33 = tpu.memref_slice %arg6[%run_scoped3A, %dma_wait3A_32] : memref<125x80xi32, #tpu.memory_space<vmem>> -> memref<1x80xi32, #tpu.memory_space<vmem>>
      %dma_wait3A_34 = tpu.memref_squeeze %dma_wait3A_33 : memref<1x80xi32, #tpu.memory_space<vmem>> -> memref<80xi32, #tpu.memory_space<vmem>>
      %dma_wait3A_35 = arith.constant 0 : i32
      %dma_wait3A_36 = arith.constant 0 : i32
      %dma_wait3A_37 = tpu.memref_slice %arg9[%dma_wait3A_35, %dma_wait3A_36] : memref<10240x128xf32, #tpu.memory_space<vmem_shared>> -> memref<10240x128xf32, #tpu.memory_space<vmem_shared>>
      tpu.wait_indirect_dma semaphore(%run_scoped3A_25 : memref<!tpu.dma_semaphore, #tpu.memory_space<semaphore_mem>>) src(%arg7 : memref<80x128xf32, #tpu.memory_space<vmem>>) dst(%dma_wait3A_37 : memref<10240x128xf32, #tpu.memory_space<vmem_shared>>)
      tpu.yield
    }) : () -> ()
    %barrier3A_20 = arith.constant 0 : index
    tpu.barrier barrier_id(%barrier3A_20)
    %mul3A_21 = arith.constant 640 : i32
    %mul3A_22 = arith.muli %arg1, %mul3A_21 : i32
    %mul3A_23 = arith.constant 640 : i32
    %mul3A_24 = arith.muli %arg1, %mul3A_23 : i32
    "tpu.region"() ({
      %run_scoped3A_25 = tpu.sem_alloc : memref<!tpu.dma_semaphore, #tpu.memory_space<semaphore_mem>>
      %dma_start3A_26 = arith.constant 0 : i32
      %dma_start3A_27 = tpu.memref_slice %arg5[%arg0, %mul3A_24, %dma_start3A_26] : memref<2x10240x128xf32, #tpu.memory_space<hbm>> -> memref<1x640x128xf32, #tpu.memory_space<hbm>>
      %dma_start3A_28 = tpu.memref_squeeze %dma_start3A_27 : memref<1x640x128xf32, #tpu.memory_space<hbm>> -> memref<640x128xf32, #tpu.memory_space<hbm>>
      %dma_start3A_29 = arith.constant 0 : i32
      %dma_start3A_30 = tpu.memref_slice %arg9[%mul3A_22, %dma_start3A_29] : memref<10240x128xf32, #tpu.memory_space<vmem_shared>> -> memref<640x128xf32, #tpu.memory_space<vmem_shared>>
      tpu.enqueue_dma source(%dma_start3A_30 : memref<640x128xf32, #tpu.memory_space<vmem_shared>>) target(%dma_start3A_28 : memref<640x128xf32, #tpu.memory_space<hbm>>) target_semaphore(%run_scoped3A_25 : memref<!tpu.dma_semaphore, #tpu.memory_space<semaphore_mem>>)
      %dma_wait3A_31 = arith.constant 0 : i32
      %dma_wait3A_32 = tpu.memref_slice %arg5[%arg0, %mul3A_24, %dma_wait3A_31] : memref<2x10240x128xf32, #tpu.memory_space<hbm>> -> memref<1x640x128xf32, #tpu.memory_space<hbm>>
      %dma_wait3A_33 = tpu.memref_squeeze %dma_wait3A_32 : memref<1x640x128xf32, #tpu.memory_space<hbm>> -> memref<640x128xf32, #tpu.memory_space<hbm>>
      %dma_wait3A_34 = arith.constant 0 : i32
      %dma_wait3A_35 = tpu.memref_slice %arg9[%mul3A_22, %dma_wait3A_34] : memref<10240x128xf32, #tpu.memory_space<vmem_shared>> -> memref<640x128xf32, #tpu.memory_space<vmem_shared>>
      tpu.wait_dma2 semaphore(%run_scoped3A_25 : memref<!tpu.dma_semaphore, #tpu.memory_space<semaphore_mem>>) src(%dma_wait3A_35 : memref<640x128xf32, #tpu.memory_space<vmem_shared>>) dst(%dma_wait3A_33 : memref<640x128xf32, #tpu.memory_space<hbm>>)
      tpu.yield
    }) : () -> ()
    return
  }
}

#map = affine_map<(d0, d1) -> (0, 0)>
#map1 = affine_map<(d0, d1) -> (0, 0, 0)>
module attributes {stable_mosaic.version = 14 : i64} {
  func.func @_gather_body(%arg0: i32, %arg1: i32, %arg2: memref<10000x128xf32, #tpu.memory_space<hbm>>, %arg3: memref<32x125x80xi32, #tpu.memory_space<hbm>>, %arg4: memref<320000x128xf32, #tpu.memory_space<hbm>>, %arg5: memref<125x80xi32, #tpu.memory_space<vmem>>, %arg6: memref<80x128xf32, #tpu.memory_space<vmem>>, %arg7: memref<80x128xf32, #tpu.memory_space<vmem>>, %arg8: memref<80x128xf32, #tpu.memory_space<vmem>>, %arg9: memref<80x128xf32, #tpu.memory_space<vmem>>, %arg10: memref<!tpu.dma_semaphore, #tpu.memory_space<semaphore_mem>>, %arg11: memref<!tpu.dma_semaphore, #tpu.memory_space<semaphore_mem>>, %arg12: memref<!tpu.dma_semaphore, #tpu.memory_space<semaphore_mem>>, %arg13: memref<!tpu.dma_semaphore, #tpu.memory_space<semaphore_mem>>) attributes {dimension_semantics = [#tpu.dimension_semantics<core_parallel>, #tpu.dimension_semantics<subcore_parallel>], iteration_bounds = array<i64: 2, 16>, scalar_prefetch = 0 : i64, scratch_operands = 9 : i64, tpu.core_type = #tpu.core_type<sc_vector_subcore>, window_params = [{transform_indices = #map}, {transform_indices = #map1}, {transform_indices = #map}]} {
    %mul3A = arith.constant 2 : i32
    %mul3A_0 = arith.muli %arg1, %mul3A : i32
    %add3A = arith.addi %mul3A_0, %arg0 : i32
    "tpu.region"() ({
      %run_scoped3A = tpu.sem_alloc : memref<!tpu.dma_semaphore, #tpu.memory_space<semaphore_mem>>
      %dma_start3A_22 = arith.constant 0 : i32
      %dma_start3A_23 = arith.constant 0 : i32
      %dma_start3A_24 = tpu.memref_slice %arg3[%add3A, %dma_start3A_22, %dma_start3A_23] : memref<32x125x80xi32, #tpu.memory_space<hbm>> -> memref<1x125x80xi32, #tpu.memory_space<hbm>>
      %dma_start3A_25 = tpu.memref_squeeze %dma_start3A_24 : memref<1x125x80xi32, #tpu.memory_space<hbm>> -> memref<125x80xi32, #tpu.memory_space<hbm>>
      %dma_start3A_26 = arith.constant 0 : i32
      %dma_start3A_27 = arith.constant 0 : i32
      %dma_start3A_28 = tpu.memref_slice %arg3[%add3A, %dma_start3A_26, %dma_start3A_27] : memref<32x125x80xi32, #tpu.memory_space<hbm>> -> memref<1x125x80xi32, #tpu.memory_space<hbm>>
      %dma_start3A_29 = tpu.memref_squeeze %dma_start3A_28 : memref<1x125x80xi32, #tpu.memory_space<hbm>> -> memref<125x80xi32, #tpu.memory_space<hbm>>
      tpu.enqueue_dma source(%dma_start3A_29 : memref<125x80xi32, #tpu.memory_space<hbm>>) target(%arg5 : memref<125x80xi32, #tpu.memory_space<vmem>>) target_semaphore(%run_scoped3A : memref<!tpu.dma_semaphore, #tpu.memory_space<semaphore_mem>>)
      %dma_wait3A_30 = arith.constant 0 : i32
      %dma_wait3A_31 = arith.constant 0 : i32
      %dma_wait3A_32 = tpu.memref_slice %arg3[%add3A, %dma_wait3A_30, %dma_wait3A_31] : memref<32x125x80xi32, #tpu.memory_space<hbm>> -> memref<1x125x80xi32, #tpu.memory_space<hbm>>
      %dma_wait3A_33 = tpu.memref_squeeze %dma_wait3A_32 : memref<1x125x80xi32, #tpu.memory_space<hbm>> -> memref<125x80xi32, #tpu.memory_space<hbm>>
      %dma_wait3A_34 = arith.constant 0 : i32
      %dma_wait3A_35 = arith.constant 0 : i32
      %dma_wait3A_36 = tpu.memref_slice %arg3[%add3A, %dma_wait3A_34, %dma_wait3A_35] : memref<32x125x80xi32, #tpu.memory_space<hbm>> -> memref<1x125x80xi32, #tpu.memory_space<hbm>>
      %dma_wait3A_37 = tpu.memref_squeeze %dma_wait3A_36 : memref<1x125x80xi32, #tpu.memory_space<hbm>> -> memref<125x80xi32, #tpu.memory_space<hbm>>
      tpu.wait_dma2 semaphore(%run_scoped3A : memref<!tpu.dma_semaphore, #tpu.memory_space<semaphore_mem>>) src(%dma_wait3A_37 : memref<125x80xi32, #tpu.memory_space<hbm>>) dst(%arg5 : memref<125x80xi32, #tpu.memory_space<vmem>>)
      tpu.yield
    }) : () -> ()
    %mul3A_1 = arith.constant 10000 : i32
    %mul3A_2 = arith.muli %add3A, %mul3A_1 : i32
    %scan3A = arith.constant 0 : i32
    %scan3A_3 = arith.constant 0 : i32
    %scan3A_4 = arith.constant 31 : i32
    %scan3A_5 = arith.addi %scan3A_3, %scan3A_4 : i32
    %scan3A_6 = arith.constant 1 : i32
    scf.for %scan3A_22 = %scan3A_3 to %scan3A_5 step %scan3A_6  : i32 {
      %mul3A_23 = arith.constant 4 : i32
      %mul3A_24 = arith.muli %mul3A_23, %scan3A_22 : i32
      %add3A_25 = arith.constant 0 : i32
      %add3A_26 = arith.addi %mul3A_24, %add3A_25 : i32
      %dma_start3A_27 = arith.constant 0 : i32
      %dma_start3A_28 = tpu.memref_slice %arg5[%add3A_26, %dma_start3A_27] : memref<125x80xi32, #tpu.memory_space<vmem>> -> memref<1x80xi32, #tpu.memory_space<vmem>>
      %dma_start3A_29 = tpu.memref_squeeze %dma_start3A_28 : memref<1x80xi32, #tpu.memory_space<vmem>> -> memref<80xi32, #tpu.memory_space<vmem>>
      %dma_start3A_30 = arith.constant 0 : i32
      %dma_start3A_31 = arith.constant 0 : i32
      %dma_start3A_32 = tpu.memref_slice %arg2[%dma_start3A_30, %dma_start3A_31] : memref<10000x128xf32, #tpu.memory_space<hbm>> -> memref<10000x128xf32, #tpu.memory_space<hbm>>
      tpu.enqueue_indirect_dma source(%dma_start3A_32 : memref<10000x128xf32, #tpu.memory_space<hbm>>) target(%arg6 : memref<80x128xf32, #tpu.memory_space<vmem>>) offsets(%dma_start3A_29 : memref<80xi32, #tpu.memory_space<vmem>>) semaphore(%arg10 : memref<!tpu.dma_semaphore, #tpu.memory_space<semaphore_mem>>)
      %add3A_33 = arith.constant 1 : i32
      %add3A_34 = arith.addi %mul3A_24, %add3A_33 : i32
      %dma_start3A_35 = arith.constant 0 : i32
      %dma_start3A_36 = tpu.memref_slice %arg5[%add3A_34, %dma_start3A_35] : memref<125x80xi32, #tpu.memory_space<vmem>> -> memref<1x80xi32, #tpu.memory_space<vmem>>
      %dma_start3A_37 = tpu.memref_squeeze %dma_start3A_36 : memref<1x80xi32, #tpu.memory_space<vmem>> -> memref<80xi32, #tpu.memory_space<vmem>>
      %dma_start3A_38 = arith.constant 0 : i32
      %dma_start3A_39 = arith.constant 0 : i32
      %dma_start3A_40 = tpu.memref_slice %arg2[%dma_start3A_38, %dma_start3A_39] : memref<10000x128xf32, #tpu.memory_space<hbm>> -> memref<10000x128xf32, #tpu.memory_space<hbm>>
      tpu.enqueue_indirect_dma source(%dma_start3A_40 : memref<10000x128xf32, #tpu.memory_space<hbm>>) target(%arg7 : memref<80x128xf32, #tpu.memory_space<vmem>>) offsets(%dma_start3A_37 : memref<80xi32, #tpu.memory_space<vmem>>) semaphore(%arg11 : memref<!tpu.dma_semaphore, #tpu.memory_space<semaphore_mem>>)
      %add3A_41 = arith.constant 2 : i32
      %add3A_42 = arith.addi %mul3A_24, %add3A_41 : i32
      %dma_start3A_43 = arith.constant 0 : i32
      %dma_start3A_44 = tpu.memref_slice %arg5[%add3A_42, %dma_start3A_43] : memref<125x80xi32, #tpu.memory_space<vmem>> -> memref<1x80xi32, #tpu.memory_space<vmem>>
      %dma_start3A_45 = tpu.memref_squeeze %dma_start3A_44 : memref<1x80xi32, #tpu.memory_space<vmem>> -> memref<80xi32, #tpu.memory_space<vmem>>
      %dma_start3A_46 = arith.constant 0 : i32
      %dma_start3A_47 = arith.constant 0 : i32
      %dma_start3A_48 = tpu.memref_slice %arg2[%dma_start3A_46, %dma_start3A_47] : memref<10000x128xf32, #tpu.memory_space<hbm>> -> memref<10000x128xf32, #tpu.memory_space<hbm>>
      tpu.enqueue_indirect_dma source(%dma_start3A_48 : memref<10000x128xf32, #tpu.memory_space<hbm>>) target(%arg8 : memref<80x128xf32, #tpu.memory_space<vmem>>) offsets(%dma_start3A_45 : memref<80xi32, #tpu.memory_space<vmem>>) semaphore(%arg12 : memref<!tpu.dma_semaphore, #tpu.memory_space<semaphore_mem>>)
      %add3A_49 = arith.constant 3 : i32
      %add3A_50 = arith.addi %mul3A_24, %add3A_49 : i32
      %dma_start3A_51 = arith.constant 0 : i32
      %dma_start3A_52 = tpu.memref_slice %arg5[%add3A_50, %dma_start3A_51] : memref<125x80xi32, #tpu.memory_space<vmem>> -> memref<1x80xi32, #tpu.memory_space<vmem>>
      %dma_start3A_53 = tpu.memref_squeeze %dma_start3A_52 : memref<1x80xi32, #tpu.memory_space<vmem>> -> memref<80xi32, #tpu.memory_space<vmem>>
      %dma_start3A_54 = arith.constant 0 : i32
      %dma_start3A_55 = arith.constant 0 : i32
      %dma_start3A_56 = tpu.memref_slice %arg2[%dma_start3A_54, %dma_start3A_55] : memref<10000x128xf32, #tpu.memory_space<hbm>> -> memref<10000x128xf32, #tpu.memory_space<hbm>>
      tpu.enqueue_indirect_dma source(%dma_start3A_56 : memref<10000x128xf32, #tpu.memory_space<hbm>>) target(%arg9 : memref<80x128xf32, #tpu.memory_space<vmem>>) offsets(%dma_start3A_53 : memref<80xi32, #tpu.memory_space<vmem>>) semaphore(%arg13 : memref<!tpu.dma_semaphore, #tpu.memory_space<semaphore_mem>>)
      %dma_wait3A_57 = arith.constant 0 : i32
      %dma_wait3A_58 = tpu.memref_slice %arg5[%add3A_26, %dma_wait3A_57] : memref<125x80xi32, #tpu.memory_space<vmem>> -> memref<1x80xi32, #tpu.memory_space<vmem>>
      %dma_wait3A_59 = tpu.memref_squeeze %dma_wait3A_58 : memref<1x80xi32, #tpu.memory_space<vmem>> -> memref<80xi32, #tpu.memory_space<vmem>>
      %dma_wait3A_60 = arith.constant 0 : i32
      %dma_wait3A_61 = arith.constant 0 : i32
      %dma_wait3A_62 = tpu.memref_slice %arg2[%dma_wait3A_60, %dma_wait3A_61] : memref<10000x128xf32, #tpu.memory_space<hbm>> -> memref<10000x128xf32, #tpu.memory_space<hbm>>
      tpu.wait_indirect_dma semaphore(%arg10 : memref<!tpu.dma_semaphore, #tpu.memory_space<semaphore_mem>>) src(%dma_wait3A_62 : memref<10000x128xf32, #tpu.memory_space<hbm>>) dst(%arg6 : memref<80x128xf32, #tpu.memory_space<vmem>>)
      %add3A_63 = arith.constant 0 : i32
      %add3A_64 = arith.addi %mul3A_24, %add3A_63 : i32
      %mul3A_65 = arith.constant 80 : i32
      %mul3A_66 = arith.muli %add3A_64, %mul3A_65 : i32
      %add3A_67 = arith.addi %mul3A_2, %mul3A_66 : i32
      "tpu.region"() ({
        %run_scoped3A = tpu.sem_alloc : memref<!tpu.dma_semaphore, #tpu.memory_space<semaphore_mem>>
        %dma_start3A_101 = arith.constant 0 : i32
        %dma_start3A_102 = tpu.memref_slice %arg4[%add3A_67, %dma_start3A_101] : memref<320000x128xf32, #tpu.memory_space<hbm>> -> memref<80x128xf32, #tpu.memory_space<hbm>>
        %dma_start3A_103 = arith.constant 0 : i32
        %dma_start3A_104 = tpu.memref_slice %arg4[%add3A_67, %dma_start3A_103] : memref<320000x128xf32, #tpu.memory_space<hbm>> -> memref<80x128xf32, #tpu.memory_space<hbm>>
        tpu.enqueue_dma source(%arg6 : memref<80x128xf32, #tpu.memory_space<vmem>>) target(%dma_start3A_104 : memref<80x128xf32, #tpu.memory_space<hbm>>) target_semaphore(%run_scoped3A : memref<!tpu.dma_semaphore, #tpu.memory_space<semaphore_mem>>)
        %dma_wait3A_105 = arith.constant 0 : i32
        %dma_wait3A_106 = tpu.memref_slice %arg4[%add3A_67, %dma_wait3A_105] : memref<320000x128xf32, #tpu.memory_space<hbm>> -> memref<80x128xf32, #tpu.memory_space<hbm>>
        %dma_wait3A_107 = arith.constant 0 : i32
        %dma_wait3A_108 = tpu.memref_slice %arg4[%add3A_67, %dma_wait3A_107] : memref<320000x128xf32, #tpu.memory_space<hbm>> -> memref<80x128xf32, #tpu.memory_space<hbm>>
        tpu.wait_dma2 semaphore(%run_scoped3A : memref<!tpu.dma_semaphore, #tpu.memory_space<semaphore_mem>>) src(%arg6 : memref<80x128xf32, #tpu.memory_space<vmem>>) dst(%dma_wait3A_108 : memref<80x128xf32, #tpu.memory_space<hbm>>)
        tpu.yield
      }) : () -> ()
      %dma_wait3A_68 = arith.constant 0 : i32
      %dma_wait3A_69 = tpu.memref_slice %arg5[%add3A_34, %dma_wait3A_68] : memref<125x80xi32, #tpu.memory_space<vmem>> -> memref<1x80xi32, #tpu.memory_space<vmem>>
      %dma_wait3A_70 = tpu.memref_squeeze %dma_wait3A_69 : memref<1x80xi32, #tpu.memory_space<vmem>> -> memref<80xi32, #tpu.memory_space<vmem>>
      %dma_wait3A_71 = arith.constant 0 : i32
      %dma_wait3A_72 = arith.constant 0 : i32
      %dma_wait3A_73 = tpu.memref_slice %arg2[%dma_wait3A_71, %dma_wait3A_72] : memref<10000x128xf32, #tpu.memory_space<hbm>> -> memref<10000x128xf32, #tpu.memory_space<hbm>>
      tpu.wait_indirect_dma semaphore(%arg11 : memref<!tpu.dma_semaphore, #tpu.memory_space<semaphore_mem>>) src(%dma_wait3A_73 : memref<10000x128xf32, #tpu.memory_space<hbm>>) dst(%arg7 : memref<80x128xf32, #tpu.memory_space<vmem>>)
      %add3A_74 = arith.constant 1 : i32
      %add3A_75 = arith.addi %mul3A_24, %add3A_74 : i32
      %mul3A_76 = arith.constant 80 : i32
      %mul3A_77 = arith.muli %add3A_75, %mul3A_76 : i32
      %add3A_78 = arith.addi %mul3A_2, %mul3A_77 : i32
      "tpu.region"() ({
        %run_scoped3A = tpu.sem_alloc : memref<!tpu.dma_semaphore, #tpu.memory_space<semaphore_mem>>
        %dma_start3A_101 = arith.constant 0 : i32
        %dma_start3A_102 = tpu.memref_slice %arg4[%add3A_78, %dma_start3A_101] : memref<320000x128xf32, #tpu.memory_space<hbm>> -> memref<80x128xf32, #tpu.memory_space<hbm>>
        %dma_start3A_103 = arith.constant 0 : i32
        %dma_start3A_104 = tpu.memref_slice %arg4[%add3A_78, %dma_start3A_103] : memref<320000x128xf32, #tpu.memory_space<hbm>> -> memref<80x128xf32, #tpu.memory_space<hbm>>
        tpu.enqueue_dma source(%arg7 : memref<80x128xf32, #tpu.memory_space<vmem>>) target(%dma_start3A_104 : memref<80x128xf32, #tpu.memory_space<hbm>>) target_semaphore(%run_scoped3A : memref<!tpu.dma_semaphore, #tpu.memory_space<semaphore_mem>>)
        %dma_wait3A_105 = arith.constant 0 : i32
        %dma_wait3A_106 = tpu.memref_slice %arg4[%add3A_78, %dma_wait3A_105] : memref<320000x128xf32, #tpu.memory_space<hbm>> -> memref<80x128xf32, #tpu.memory_space<hbm>>
        %dma_wait3A_107 = arith.constant 0 : i32
        %dma_wait3A_108 = tpu.memref_slice %arg4[%add3A_78, %dma_wait3A_107] : memref<320000x128xf32, #tpu.memory_space<hbm>> -> memref<80x128xf32, #tpu.memory_space<hbm>>
        tpu.wait_dma2 semaphore(%run_scoped3A : memref<!tpu.dma_semaphore, #tpu.memory_space<semaphore_mem>>) src(%arg7 : memref<80x128xf32, #tpu.memory_space<vmem>>) dst(%dma_wait3A_108 : memref<80x128xf32, #tpu.memory_space<hbm>>)
        tpu.yield
      }) : () -> ()
      %dma_wait3A_79 = arith.constant 0 : i32
      %dma_wait3A_80 = tpu.memref_slice %arg5[%add3A_42, %dma_wait3A_79] : memref<125x80xi32, #tpu.memory_space<vmem>> -> memref<1x80xi32, #tpu.memory_space<vmem>>
      %dma_wait3A_81 = tpu.memref_squeeze %dma_wait3A_80 : memref<1x80xi32, #tpu.memory_space<vmem>> -> memref<80xi32, #tpu.memory_space<vmem>>
      %dma_wait3A_82 = arith.constant 0 : i32
      %dma_wait3A_83 = arith.constant 0 : i32
      %dma_wait3A_84 = tpu.memref_slice %arg2[%dma_wait3A_82, %dma_wait3A_83] : memref<10000x128xf32, #tpu.memory_space<hbm>> -> memref<10000x128xf32, #tpu.memory_space<hbm>>
      tpu.wait_indirect_dma semaphore(%arg12 : memref<!tpu.dma_semaphore, #tpu.memory_space<semaphore_mem>>) src(%dma_wait3A_84 : memref<10000x128xf32, #tpu.memory_space<hbm>>) dst(%arg8 : memref<80x128xf32, #tpu.memory_space<vmem>>)
      %add3A_85 = arith.constant 2 : i32
      %add3A_86 = arith.addi %mul3A_24, %add3A_85 : i32
      %mul3A_87 = arith.constant 80 : i32
      %mul3A_88 = arith.muli %add3A_86, %mul3A_87 : i32
      %add3A_89 = arith.addi %mul3A_2, %mul3A_88 : i32
      "tpu.region"() ({
        %run_scoped3A = tpu.sem_alloc : memref<!tpu.dma_semaphore, #tpu.memory_space<semaphore_mem>>
        %dma_start3A_101 = arith.constant 0 : i32
        %dma_start3A_102 = tpu.memref_slice %arg4[%add3A_89, %dma_start3A_101] : memref<320000x128xf32, #tpu.memory_space<hbm>> -> memref<80x128xf32, #tpu.memory_space<hbm>>
        %dma_start3A_103 = arith.constant 0 : i32
        %dma_start3A_104 = tpu.memref_slice %arg4[%add3A_89, %dma_start3A_103] : memref<320000x128xf32, #tpu.memory_space<hbm>> -> memref<80x128xf32, #tpu.memory_space<hbm>>
        tpu.enqueue_dma source(%arg8 : memref<80x128xf32, #tpu.memory_space<vmem>>) target(%dma_start3A_104 : memref<80x128xf32, #tpu.memory_space<hbm>>) target_semaphore(%run_scoped3A : memref<!tpu.dma_semaphore, #tpu.memory_space<semaphore_mem>>)
        %dma_wait3A_105 = arith.constant 0 : i32
        %dma_wait3A_106 = tpu.memref_slice %arg4[%add3A_89, %dma_wait3A_105] : memref<320000x128xf32, #tpu.memory_space<hbm>> -> memref<80x128xf32, #tpu.memory_space<hbm>>
        %dma_wait3A_107 = arith.constant 0 : i32
        %dma_wait3A_108 = tpu.memref_slice %arg4[%add3A_89, %dma_wait3A_107] : memref<320000x128xf32, #tpu.memory_space<hbm>> -> memref<80x128xf32, #tpu.memory_space<hbm>>
        tpu.wait_dma2 semaphore(%run_scoped3A : memref<!tpu.dma_semaphore, #tpu.memory_space<semaphore_mem>>) src(%arg8 : memref<80x128xf32, #tpu.memory_space<vmem>>) dst(%dma_wait3A_108 : memref<80x128xf32, #tpu.memory_space<hbm>>)
        tpu.yield
      }) : () -> ()
      %dma_wait3A_90 = arith.constant 0 : i32
      %dma_wait3A_91 = tpu.memref_slice %arg5[%add3A_50, %dma_wait3A_90] : memref<125x80xi32, #tpu.memory_space<vmem>> -> memref<1x80xi32, #tpu.memory_space<vmem>>
      %dma_wait3A_92 = tpu.memref_squeeze %dma_wait3A_91 : memref<1x80xi32, #tpu.memory_space<vmem>> -> memref<80xi32, #tpu.memory_space<vmem>>
      %dma_wait3A_93 = arith.constant 0 : i32
      %dma_wait3A_94 = arith.constant 0 : i32
      %dma_wait3A_95 = tpu.memref_slice %arg2[%dma_wait3A_93, %dma_wait3A_94] : memref<10000x128xf32, #tpu.memory_space<hbm>> -> memref<10000x128xf32, #tpu.memory_space<hbm>>
      tpu.wait_indirect_dma semaphore(%arg13 : memref<!tpu.dma_semaphore, #tpu.memory_space<semaphore_mem>>) src(%dma_wait3A_95 : memref<10000x128xf32, #tpu.memory_space<hbm>>) dst(%arg9 : memref<80x128xf32, #tpu.memory_space<vmem>>)
      %add3A_96 = arith.constant 3 : i32
      %add3A_97 = arith.addi %mul3A_24, %add3A_96 : i32
      %mul3A_98 = arith.constant 80 : i32
      %mul3A_99 = arith.muli %add3A_97, %mul3A_98 : i32
      %add3A_100 = arith.addi %mul3A_2, %mul3A_99 : i32
      "tpu.region"() ({
        %run_scoped3A = tpu.sem_alloc : memref<!tpu.dma_semaphore, #tpu.memory_space<semaphore_mem>>
        %dma_start3A_101 = arith.constant 0 : i32
        %dma_start3A_102 = tpu.memref_slice %arg4[%add3A_100, %dma_start3A_101] : memref<320000x128xf32, #tpu.memory_space<hbm>> -> memref<80x128xf32, #tpu.memory_space<hbm>>
        %dma_start3A_103 = arith.constant 0 : i32
        %dma_start3A_104 = tpu.memref_slice %arg4[%add3A_100, %dma_start3A_103] : memref<320000x128xf32, #tpu.memory_space<hbm>> -> memref<80x128xf32, #tpu.memory_space<hbm>>
        tpu.enqueue_dma source(%arg9 : memref<80x128xf32, #tpu.memory_space<vmem>>) target(%dma_start3A_104 : memref<80x128xf32, #tpu.memory_space<hbm>>) target_semaphore(%run_scoped3A : memref<!tpu.dma_semaphore, #tpu.memory_space<semaphore_mem>>)
        %dma_wait3A_105 = arith.constant 0 : i32
        %dma_wait3A_106 = tpu.memref_slice %arg4[%add3A_100, %dma_wait3A_105] : memref<320000x128xf32, #tpu.memory_space<hbm>> -> memref<80x128xf32, #tpu.memory_space<hbm>>
        %dma_wait3A_107 = arith.constant 0 : i32
        %dma_wait3A_108 = tpu.memref_slice %arg4[%add3A_100, %dma_wait3A_107] : memref<320000x128xf32, #tpu.memory_space<hbm>> -> memref<80x128xf32, #tpu.memory_space<hbm>>
        tpu.wait_dma2 semaphore(%run_scoped3A : memref<!tpu.dma_semaphore, #tpu.memory_space<semaphore_mem>>) src(%arg9 : memref<80x128xf32, #tpu.memory_space<vmem>>) dst(%dma_wait3A_108 : memref<80x128xf32, #tpu.memory_space<hbm>>)
        tpu.yield
      }) : () -> ()
    }
    %scan3A_7 = arith.constant 31 : i32
    %dma_start3A = arith.constant 124 : i32
    %dma_start3A_8 = arith.constant 0 : i32
    %dma_start3A_9 = tpu.memref_slice %arg5[%dma_start3A, %dma_start3A_8] : memref<125x80xi32, #tpu.memory_space<vmem>> -> memref<1x80xi32, #tpu.memory_space<vmem>>
    %dma_start3A_10 = tpu.memref_squeeze %dma_start3A_9 : memref<1x80xi32, #tpu.memory_space<vmem>> -> memref<80xi32, #tpu.memory_space<vmem>>
    %dma_start3A_11 = arith.constant 0 : i32
    %dma_start3A_12 = arith.constant 0 : i32
    %dma_start3A_13 = tpu.memref_slice %arg2[%dma_start3A_11, %dma_start3A_12] : memref<10000x128xf32, #tpu.memory_space<hbm>> -> memref<10000x128xf32, #tpu.memory_space<hbm>>
    tpu.enqueue_indirect_dma source(%dma_start3A_13 : memref<10000x128xf32, #tpu.memory_space<hbm>>) target(%arg6 : memref<80x128xf32, #tpu.memory_space<vmem>>) offsets(%dma_start3A_10 : memref<80xi32, #tpu.memory_space<vmem>>) semaphore(%arg10 : memref<!tpu.dma_semaphore, #tpu.memory_space<semaphore_mem>>)
    %dma_wait3A = arith.constant 124 : i32
    %dma_wait3A_14 = arith.constant 0 : i32
    %dma_wait3A_15 = tpu.memref_slice %arg5[%dma_wait3A, %dma_wait3A_14] : memref<125x80xi32, #tpu.memory_space<vmem>> -> memref<1x80xi32, #tpu.memory_space<vmem>>
    %dma_wait3A_16 = tpu.memref_squeeze %dma_wait3A_15 : memref<1x80xi32, #tpu.memory_space<vmem>> -> memref<80xi32, #tpu.memory_space<vmem>>
    %dma_wait3A_17 = arith.constant 0 : i32
    %dma_wait3A_18 = arith.constant 0 : i32
    %dma_wait3A_19 = tpu.memref_slice %arg2[%dma_wait3A_17, %dma_wait3A_18] : memref<10000x128xf32, #tpu.memory_space<hbm>> -> memref<10000x128xf32, #tpu.memory_space<hbm>>
    tpu.wait_indirect_dma semaphore(%arg10 : memref<!tpu.dma_semaphore, #tpu.memory_space<semaphore_mem>>) src(%dma_wait3A_19 : memref<10000x128xf32, #tpu.memory_space<hbm>>) dst(%arg6 : memref<80x128xf32, #tpu.memory_space<vmem>>)
    %add3A_20 = arith.constant 9920 : i32
    %add3A_21 = arith.addi %mul3A_2, %add3A_20 : i32
    "tpu.region"() ({
      %run_scoped3A = tpu.sem_alloc : memref<!tpu.dma_semaphore, #tpu.memory_space<semaphore_mem>>
      %dma_start3A_22 = arith.constant 0 : i32
      %dma_start3A_23 = tpu.memref_slice %arg4[%add3A_21, %dma_start3A_22] : memref<320000x128xf32, #tpu.memory_space<hbm>> -> memref<80x128xf32, #tpu.memory_space<hbm>>
      %dma_start3A_24 = arith.constant 0 : i32
      %dma_start3A_25 = tpu.memref_slice %arg4[%add3A_21, %dma_start3A_24] : memref<320000x128xf32, #tpu.memory_space<hbm>> -> memref<80x128xf32, #tpu.memory_space<hbm>>
      tpu.enqueue_dma source(%arg6 : memref<80x128xf32, #tpu.memory_space<vmem>>) target(%dma_start3A_25 : memref<80x128xf32, #tpu.memory_space<hbm>>) target_semaphore(%run_scoped3A : memref<!tpu.dma_semaphore, #tpu.memory_space<semaphore_mem>>)
      %dma_wait3A_26 = arith.constant 0 : i32
      %dma_wait3A_27 = tpu.memref_slice %arg4[%add3A_21, %dma_wait3A_26] : memref<320000x128xf32, #tpu.memory_space<hbm>> -> memref<80x128xf32, #tpu.memory_space<hbm>>
      %dma_wait3A_28 = arith.constant 0 : i32
      %dma_wait3A_29 = tpu.memref_slice %arg4[%add3A_21, %dma_wait3A_28] : memref<320000x128xf32, #tpu.memory_space<hbm>> -> memref<80x128xf32, #tpu.memory_space<hbm>>
      tpu.wait_dma2 semaphore(%run_scoped3A : memref<!tpu.dma_semaphore, #tpu.memory_space<semaphore_mem>>) src(%arg6 : memref<80x128xf32, #tpu.memory_space<vmem>>) dst(%dma_wait3A_29 : memref<80x128xf32, #tpu.memory_space<hbm>>)
      tpu.yield
    }) : () -> ()
    return
  }
}

module attributes {stable_mosaic.version = 14 : i64} {
  func.func @_edge_block(%arg0: i32, %arg1: memref<2000x128xf32, #tpu.memory_space<vmem>>, %arg2: memref<2000x128xf32, #tpu.memory_space<vmem>>, %arg3: memref<2000x128xf32, #tpu.memory_space<vmem>>, %arg4: memref<2000x128xf32, #tpu.memory_space<vmem>>, %arg5: memref<2000x128xf32, #tpu.memory_space<vmem>>, %arg6: memref<128x128xf32, #tpu.memory_space<vmem>>, %arg7: memref<128x128xf32, #tpu.memory_space<vmem>>, %arg8: memref<1x128xf32, #tpu.memory_space<vmem>>, %arg9: memref<128x128xf32, #tpu.memory_space<vmem>>, %arg10: memref<2000x128xf32, #tpu.memory_space<vmem>>, %arg11: memref<2000x128xf32, #tpu.memory_space<vmem>>) attributes {dimension_semantics = [#tpu.dimension_semantics<arbitrary>], iteration_bounds = array<i64: 5>, scalar_prefetch = 0 : i64, scratch_operands = 0 : i64, tpu.core_type = #tpu.core_type<tc>, window_params = [{transform_indices = @transform_0, window_bounds = array<i64: 2000, 128>}, {transform_indices = @transform_1, window_bounds = array<i64: 2000, 128>}, {transform_indices = @transform_2, window_bounds = array<i64: 2000, 128>}, {transform_indices = @transform_3, window_bounds = array<i64: 2000, 128>}, {transform_indices = @transform_4, window_bounds = array<i64: 2000, 128>}, {pipeline_mode = #tpu.pipeline_mode<synchronous>, transform_indices = @transform_5, window_bounds = array<i64: 128, 128>}, {pipeline_mode = #tpu.pipeline_mode<synchronous>, transform_indices = @transform_6, window_bounds = array<i64: 128, 128>}, {pipeline_mode = #tpu.pipeline_mode<synchronous>, transform_indices = @transform_7, window_bounds = array<i64: 1, 128>}, {pipeline_mode = #tpu.pipeline_mode<synchronous>, transform_indices = @transform_8, window_bounds = array<i64: 128, 128>}, {transform_indices = @transform_9, window_bounds = array<i64: 2000, 128>}, {transform_indices = @transform_10, window_bounds = array<i64: 2000, 128>}]} {
    %get3A = arith.constant 0 : index
    %get3A_0 = arith.constant 0 : index
    %get3A_1 = vector.load %arg4[%get3A, %get3A_0] : memref<2000x128xf32, #tpu.memory_space<vmem>>, vector<2000x128xf32>
    %get3A_2 = arith.constant 0 : index
    %get3A_3 = arith.constant 0 : index
    %get3A_4 = vector.load %arg5[%get3A_2, %get3A_3] : memref<2000x128xf32, #tpu.memory_space<vmem>>, vector<2000x128xf32>
    %add3A = arith.addf %get3A_1, %get3A_4 : vector<2000x128xf32>
    %max3A = arith.constant 1.000000e+00 : f32
    %max3A_5 = vector.broadcast %max3A : f32 to vector<2000x128xf32>
    %max3A_6 = arith.maximumf %add3A, %max3A_5 : vector<2000x128xf32>
    %get3A_7 = arith.constant 0 : index
    %get3A_8 = arith.constant 0 : index
    %get3A_9 = vector.load %arg2[%get3A_7, %get3A_8] : memref<2000x128xf32, #tpu.memory_space<vmem>>, vector<2000x128xf32>
    %get3A_10 = arith.constant 0 : index
    %get3A_11 = arith.constant 0 : index
    %get3A_12 = vector.load %arg3[%get3A_10, %get3A_11] : memref<2000x128xf32, #tpu.memory_space<vmem>>, vector<2000x128xf32>
    %add3A_13 = arith.addf %get3A_9, %get3A_12 : vector<2000x128xf32>
    %div3A = arith.divf %add3A_13, %max3A_6 : vector<2000x128xf32>
    %get3A_14 = arith.constant 0 : index
    %get3A_15 = arith.constant 0 : index
    %get3A_16 = vector.load %arg1[%get3A_14, %get3A_15] : memref<2000x128xf32, #tpu.memory_space<vmem>>, vector<2000x128xf32>
    %get3A_17 = arith.constant 0 : index
    %get3A_18 = arith.constant 0 : index
    %get3A_19 = vector.load %arg6[%get3A_17, %get3A_18] : memref<128x128xf32, #tpu.memory_space<vmem>>, vector<128x128xf32>
    %dot_general3A = arith.constant dense<0.000000e+00> : vector<2000x128xf32>
    %dot_general3A_20 = tpu.matmul %get3A_16, %get3A_19, %dot_general3A {dimension_numbers = #tpu.dot_dimension_numbers<[1], [0], [0], [1], [0, 0, 1, 1], [], []>, transpose_lhs_hint = false} : vector<2000x128xf32>, vector<128x128xf32>, vector<2000x128xf32> -> vector<2000x128xf32>
    %get3A_21 = arith.constant 0 : index
    %get3A_22 = arith.constant 0 : index
    %get3A_23 = vector.load %arg7[%get3A_21, %get3A_22] : memref<128x128xf32, #tpu.memory_space<vmem>>, vector<128x128xf32>
    %dot_general3A_24 = arith.constant dense<0.000000e+00> : vector<2000x128xf32>
    %dot_general3A_25 = tpu.matmul %div3A, %get3A_23, %dot_general3A_24 {dimension_numbers = #tpu.dot_dimension_numbers<[1], [0], [0], [1], [0, 0, 1, 1], [], []>, transpose_lhs_hint = false} : vector<2000x128xf32>, vector<128x128xf32>, vector<2000x128xf32> -> vector<2000x128xf32>
    %add3A_26 = arith.addf %dot_general3A_20, %dot_general3A_25 : vector<2000x128xf32>
    %get3A_27 = arith.constant 0 : index
    %get3A_28 = arith.constant 0 : index
    %get3A_29 = vector.load %arg8[%get3A_27, %get3A_28] : memref<1x128xf32, #tpu.memory_space<vmem>>, vector<1x128xf32>
    %add3A_30 = vector.broadcast %get3A_29 : vector<1x128xf32> to vector<2000x128xf32>
    %add3A_31 = arith.addf %add3A_26, %add3A_30 : vector<2000x128xf32>
    %max3A_32 = arith.constant 0.000000e+00 : f32
    %max3A_33 = vector.broadcast %max3A_32 : f32 to vector<2000x128xf32>
    %max3A_34 = arith.maximumf %add3A_31, %max3A_33 : vector<2000x128xf32>
    %swap3A = arith.constant 0 : index
    %swap3A_35 = arith.constant 0 : index
    %swap3A_36 = vector.load %arg10[%swap3A, %swap3A_35] : memref<2000x128xf32, #tpu.memory_space<vmem>>, vector<2000x128xf32>
    tpu.vector_store %arg10[%swap3A, %swap3A_35], %max3A_34 {strides = array<i32>} : memref<2000x128xf32, #tpu.memory_space<vmem>>, vector<2000x128xf32>,
    %get3A_37 = arith.constant 0 : index
    %get3A_38 = arith.constant 0 : index
    %get3A_39 = vector.load %arg9[%get3A_37, %get3A_38] : memref<128x128xf32, #tpu.memory_space<vmem>>, vector<128x128xf32>
    %dot_general3A_40 = arith.constant dense<0.000000e+00> : vector<2000x128xf32>
    %dot_general3A_41 = tpu.matmul %max3A_34, %get3A_39, %dot_general3A_40 {dimension_numbers = #tpu.dot_dimension_numbers<[1], [0], [0], [1], [0, 0, 1, 1], [], []>, transpose_lhs_hint = false} : vector<2000x128xf32>, vector<128x128xf32>, vector<2000x128xf32> -> vector<2000x128xf32>
    %swap3A_42 = arith.constant 0 : index
    %swap3A_43 = arith.constant 0 : index
    %swap3A_44 = vector.load %arg11[%swap3A_42, %swap3A_43] : memref<2000x128xf32, #tpu.memory_space<vmem>>, vector<2000x128xf32>
    tpu.vector_store %arg11[%swap3A_42, %swap3A_43], %dot_general3A_41 {strides = array<i32>} : memref<2000x128xf32, #tpu.memory_space<vmem>>, vector<2000x128xf32>,
    return
  }
  func.func @transform_0(%arg0: i32) -> (i32, i32) {
    %c0_i32 = arith.constant 0 : i32
    %c0_i32_0 = arith.constant 0 : i32
    return %arg0, %c0_i32 : i32, i32
  }
  func.func @transform_1(%arg0: i32) -> (i32, i32) {
    %c0_i32 = arith.constant 0 : i32
    %c0_i32_0 = arith.constant 0 : i32
    return %arg0, %c0_i32 : i32, i32
  }
  func.func @transform_2(%arg0: i32) -> (i32, i32) {
    %c0_i32 = arith.constant 0 : i32
    %c0_i32_0 = arith.constant 0 : i32
    return %arg0, %c0_i32 : i32, i32
  }
  func.func @transform_3(%arg0: i32) -> (i32, i32) {
    %c0_i32 = arith.constant 0 : i32
    %c0_i32_0 = arith.constant 0 : i32
    return %arg0, %c0_i32 : i32, i32
  }
  func.func @transform_4(%arg0: i32) -> (i32, i32) {
    %c0_i32 = arith.constant 0 : i32
    %c0_i32_0 = arith.constant 0 : i32
    return %arg0, %c0_i32 : i32, i32
  }
  func.func @transform_5(%arg0: i32) -> (i32, i32) {
    %c0_i32 = arith.constant 0 : i32
    %c0_i32_0 = arith.constant 0 : i32
    %c0_i32_1 = arith.constant 0 : i32
    return %c0_i32, %c0_i32_0 : i32, i32
  }
  func.func @transform_6(%arg0: i32) -> (i32, i32) {
    %c0_i32 = arith.constant 0 : i32
    %c0_i32_0 = arith.constant 0 : i32
    %c0_i32_1 = arith.constant 0 : i32
    return %c0_i32, %c0_i32_0 : i32, i32
  }
  func.func @transform_7(%arg0: i32) -> (i32, i32) {
    %c0_i32 = arith.constant 0 : i32
    %c0_i32_0 = arith.constant 0 : i32
    %c0_i32_1 = arith.constant 0 : i32
    return %c0_i32, %c0_i32_0 : i32, i32
  }
  func.func @transform_8(%arg0: i32) -> (i32, i32) {
    %c0_i32 = arith.constant 0 : i32
    %c0_i32_0 = arith.constant 0 : i32
    %c0_i32_1 = arith.constant 0 : i32
    return %c0_i32, %c0_i32_0 : i32, i32
  }
  func.func @transform_9(%arg0: i32) -> (i32, i32) {
    %c0_i32 = arith.constant 0 : i32
    %c0_i32_0 = arith.constant 0 : i32
    return %arg0, %c0_i32 : i32, i32
  }
  func.func @transform_10(%arg0: i32) -> (i32, i32) {
    %c0_i32 = arith.constant 0 : i32
    %c0_i32_0 = arith.constant 0 : i32
    return %arg0, %c0_i32 : i32, i32
  }
}

module attributes {stable_mosaic.version = 14 : i64} {
  func.func @_node_block(%arg0: i32, %arg1: memref<8000x128xf32, #tpu.memory_space<vmem>>, %arg2: memref<8000x128xf32, #tpu.memory_space<vmem>>, %arg3: memref<128x128xf32, #tpu.memory_space<vmem>>, %arg4: memref<1x128xf32, #tpu.memory_space<vmem>>, %arg5: memref<128x128xf32, #tpu.memory_space<vmem>>, %arg6: memref<8000x128xf32, #tpu.memory_space<vmem>>) attributes {dimension_semantics = [#tpu.dimension_semantics<arbitrary>], iteration_bounds = array<i64: 40>, scalar_prefetch = 0 : i64, scratch_operands = 0 : i64, tpu.core_type = #tpu.core_type<tc>, window_params = [{transform_indices = @transform_0, window_bounds = array<i64: 8000, 128>}, {transform_indices = @transform_1, window_bounds = array<i64: 8000, 128>}, {pipeline_mode = #tpu.pipeline_mode<synchronous>, transform_indices = @transform_2, window_bounds = array<i64: 128, 128>}, {pipeline_mode = #tpu.pipeline_mode<synchronous>, transform_indices = @transform_3, window_bounds = array<i64: 1, 128>}, {pipeline_mode = #tpu.pipeline_mode<synchronous>, transform_indices = @transform_4, window_bounds = array<i64: 128, 128>}, {transform_indices = @transform_5, window_bounds = array<i64: 8000, 128>}]} {
    %get3A = arith.constant 0 : index
    %get3A_0 = arith.constant 0 : index
    %get3A_1 = vector.load %arg2[%get3A, %get3A_0] : memref<8000x128xf32, #tpu.memory_space<vmem>>, vector<8000x128xf32>
    %get3A_2 = arith.constant 0 : index
    %get3A_3 = arith.constant 0 : index
    %get3A_4 = vector.load %arg1[%get3A_2, %get3A_3] : memref<8000x128xf32, #tpu.memory_space<vmem>>, vector<8000x128xf32>
    %get3A_5 = arith.constant 0 : index
    %get3A_6 = arith.constant 0 : index
    %get3A_7 = vector.load %arg3[%get3A_5, %get3A_6] : memref<128x128xf32, #tpu.memory_space<vmem>>, vector<128x128xf32>
    %dot_general3A = arith.constant dense<0.000000e+00> : vector<8000x128xf32>
    %dot_general3A_8 = tpu.matmul %get3A_4, %get3A_7, %dot_general3A {dimension_numbers = #tpu.dot_dimension_numbers<[1], [0], [0], [1], [0, 0, 1, 1], [], []>, transpose_lhs_hint = false} : vector<8000x128xf32>, vector<128x128xf32>, vector<8000x128xf32> -> vector<8000x128xf32>
    %add3A = arith.addf %dot_general3A_8, %get3A_1 : vector<8000x128xf32>
    %get3A_9 = arith.constant 0 : index
    %get3A_10 = arith.constant 0 : index
    %get3A_11 = vector.load %arg4[%get3A_9, %get3A_10] : memref<1x128xf32, #tpu.memory_space<vmem>>, vector<1x128xf32>
    %add3A_12 = vector.broadcast %get3A_11 : vector<1x128xf32> to vector<8000x128xf32>
    %add3A_13 = arith.addf %add3A, %add3A_12 : vector<8000x128xf32>
    %max3A = arith.constant 0.000000e+00 : f32
    %max3A_14 = vector.broadcast %max3A : f32 to vector<8000x128xf32>
    %max3A_15 = arith.maximumf %add3A_13, %max3A_14 : vector<8000x128xf32>
    %swap3A = arith.constant 0 : index
    %swap3A_16 = arith.constant 0 : index
    %swap3A_17 = vector.load %arg6[%swap3A, %swap3A_16] : memref<8000x128xf32, #tpu.memory_space<vmem>>, vector<8000x128xf32>
    tpu.vector_store %arg6[%swap3A, %swap3A_16], %max3A_15 {strides = array<i32>} : memref<8000x128xf32, #tpu.memory_space<vmem>>, vector<8000x128xf32>,
    return
  }
  func.func @transform_0(%arg0: i32) -> (i32, i32) {
    %c0_i32 = arith.constant 0 : i32
    %c0_i32_0 = arith.constant 0 : i32
    return %arg0, %c0_i32 : i32, i32
  }
  func.func @transform_1(%arg0: i32) -> (i32, i32) {
    %c0_i32 = arith.constant 0 : i32
    %c0_i32_0 = arith.constant 0 : i32
    return %arg0, %c0_i32 : i32, i32
  }
  func.func @transform_2(%arg0: i32) -> (i32, i32) {
    %c0_i32 = arith.constant 0 : i32
    %c0_i32_0 = arith.constant 0 : i32
    %c0_i32_1 = arith.constant 0 : i32
    return %c0_i32, %c0_i32_0 : i32, i32
  }
  func.func @transform_3(%arg0: i32) -> (i32, i32) {
    %c0_i32 = arith.constant 0 : i32
    %c0_i32_0 = arith.constant 0 : i32
    %c0_i32_1 = arith.constant 0 : i32
    return %c0_i32, %c0_i32_0 : i32, i32
  }
  func.func @transform_4(%arg0: i32) -> (i32, i32) {
    %c0_i32 = arith.constant 0 : i32
    %c0_i32_0 = arith.constant 0 : i32
    %c0_i32_1 = arith.constant 0 : i32
    return %c0_i32, %c0_i32_0 : i32, i32
  }
  func.func @transform_5(%arg0: i32) -> (i32, i32) {
    %c0_i32 = arith.constant 0 : i32
    %c0_i32_0 = arith.constant 0 : i32
    return %arg0, %c0_i32 : i32, i32
  }
}

module attributes {stable_mosaic.version = 14 : i64} {
  func.func @_edge_block(%arg0: i32, %arg1: memref<2000x128xf32, #tpu.memory_space<vmem>>, %arg2: memref<2000x128xf32, #tpu.memory_space<vmem>>, %arg3: memref<2000x128xf32, #tpu.memory_space<vmem>>, %arg4: memref<2000x128xf32, #tpu.memory_space<vmem>>, %arg5: memref<2000x128xf32, #tpu.memory_space<vmem>>, %arg6: memref<128x128xf32, #tpu.memory_space<vmem>>, %arg7: memref<128x128xf32, #tpu.memory_space<vmem>>, %arg8: memref<1x128xf32, #tpu.memory_space<vmem>>, %arg9: memref<128x128xf32, #tpu.memory_space<vmem>>, %arg10: memref<2000x128xf32, #tpu.memory_space<vmem>>, %arg11: memref<2000x128xf32, #tpu.memory_space<vmem>>) attributes {dimension_semantics = [#tpu.dimension_semantics<arbitrary>], iteration_bounds = array<i64: 5>, scalar_prefetch = 0 : i64, scratch_operands = 0 : i64, tpu.core_type = #tpu.core_type<tc>, window_params = [{transform_indices = @transform_0, window_bounds = array<i64: 2000, 128>}, {transform_indices = @transform_1, window_bounds = array<i64: 2000, 128>}, {transform_indices = @transform_2, window_bounds = array<i64: 2000, 128>}, {transform_indices = @transform_3, window_bounds = array<i64: 2000, 128>}, {transform_indices = @transform_4, window_bounds = array<i64: 2000, 128>}, {pipeline_mode = #tpu.pipeline_mode<synchronous>, transform_indices = @transform_5, window_bounds = array<i64: 128, 128>}, {pipeline_mode = #tpu.pipeline_mode<synchronous>, transform_indices = @transform_6, window_bounds = array<i64: 128, 128>}, {pipeline_mode = #tpu.pipeline_mode<synchronous>, transform_indices = @transform_7, window_bounds = array<i64: 1, 128>}, {pipeline_mode = #tpu.pipeline_mode<synchronous>, transform_indices = @transform_8, window_bounds = array<i64: 128, 128>}, {transform_indices = @transform_9, window_bounds = array<i64: 2000, 128>}, {transform_indices = @transform_10, window_bounds = array<i64: 2000, 128>}]} {
    %get3A = arith.constant 0 : index
    %get3A_0 = arith.constant 0 : index
    %get3A_1 = vector.load %arg4[%get3A, %get3A_0] : memref<2000x128xf32, #tpu.memory_space<vmem>>, vector<2000x128xf32>
    %get3A_2 = arith.constant 0 : index
    %get3A_3 = arith.constant 0 : index
    %get3A_4 = vector.load %arg5[%get3A_2, %get3A_3] : memref<2000x128xf32, #tpu.memory_space<vmem>>, vector<2000x128xf32>
    %add3A = arith.addf %get3A_1, %get3A_4 : vector<2000x128xf32>
    %max3A = arith.constant 1.000000e+00 : f32
    %max3A_5 = vector.broadcast %max3A : f32 to vector<2000x128xf32>
    %max3A_6 = arith.maximumf %add3A, %max3A_5 : vector<2000x128xf32>
    %get3A_7 = arith.constant 0 : index
    %get3A_8 = arith.constant 0 : index
    %get3A_9 = vector.load %arg2[%get3A_7, %get3A_8] : memref<2000x128xf32, #tpu.memory_space<vmem>>, vector<2000x128xf32>
    %get3A_10 = arith.constant 0 : index
    %get3A_11 = arith.constant 0 : index
    %get3A_12 = vector.load %arg3[%get3A_10, %get3A_11] : memref<2000x128xf32, #tpu.memory_space<vmem>>, vector<2000x128xf32>
    %add3A_13 = arith.addf %get3A_9, %get3A_12 : vector<2000x128xf32>
    %div3A = arith.divf %add3A_13, %max3A_6 : vector<2000x128xf32>
    %get3A_14 = arith.constant 0 : index
    %get3A_15 = arith.constant 0 : index
    %get3A_16 = vector.load %arg1[%get3A_14, %get3A_15] : memref<2000x128xf32, #tpu.memory_space<vmem>>, vector<2000x128xf32>
    %get3A_17 = arith.constant 0 : index
    %get3A_18 = arith.constant 0 : index
    %get3A_19 = vector.load %arg6[%get3A_17, %get3A_18] : memref<128x128xf32, #tpu.memory_space<vmem>>, vector<128x128xf32>
    %dot_general3A = arith.constant dense<0.000000e+00> : vector<2000x128xf32>
    %dot_general3A_20 = tpu.matmul %get3A_16, %get3A_19, %dot_general3A {dimension_numbers = #tpu.dot_dimension_numbers<[1], [0], [0], [1], [0, 0, 1, 1], [], []>, transpose_lhs_hint = false} : vector<2000x128xf32>, vector<128x128xf32>, vector<2000x128xf32> -> vector<2000x128xf32>
    %get3A_21 = arith.constant 0 : index
    %get3A_22 = arith.constant 0 : index
    %get3A_23 = vector.load %arg7[%get3A_21, %get3A_22] : memref<128x128xf32, #tpu.memory_space<vmem>>, vector<128x128xf32>
    %dot_general3A_24 = arith.constant dense<0.000000e+00> : vector<2000x128xf32>
    %dot_general3A_25 = tpu.matmul %div3A, %get3A_23, %dot_general3A_24 {dimension_numbers = #tpu.dot_dimension_numbers<[1], [0], [0], [1], [0, 0, 1, 1], [], []>, transpose_lhs_hint = false} : vector<2000x128xf32>, vector<128x128xf32>, vector<2000x128xf32> -> vector<2000x128xf32>
    %add3A_26 = arith.addf %dot_general3A_20, %dot_general3A_25 : vector<2000x128xf32>
    %get3A_27 = arith.constant 0 : index
    %get3A_28 = arith.constant 0 : index
    %get3A_29 = vector.load %arg8[%get3A_27, %get3A_28] : memref<1x128xf32, #tpu.memory_space<vmem>>, vector<1x128xf32>
    %add3A_30 = vector.broadcast %get3A_29 : vector<1x128xf32> to vector<2000x128xf32>
    %add3A_31 = arith.addf %add3A_26, %add3A_30 : vector<2000x128xf32>
    %max3A_32 = arith.constant 0.000000e+00 : f32
    %max3A_33 = vector.broadcast %max3A_32 : f32 to vector<2000x128xf32>
    %max3A_34 = arith.maximumf %add3A_31, %max3A_33 : vector<2000x128xf32>
    %swap3A = arith.constant 0 : index
    %swap3A_35 = arith.constant 0 : index
    %swap3A_36 = vector.load %arg10[%swap3A, %swap3A_35] : memref<2000x128xf32, #tpu.memory_space<vmem>>, vector<2000x128xf32>
    tpu.vector_store %arg10[%swap3A, %swap3A_35], %max3A_34 {strides = array<i32>} : memref<2000x128xf32, #tpu.memory_space<vmem>>, vector<2000x128xf32>,
    %get3A_37 = arith.constant 0 : index
    %get3A_38 = arith.constant 0 : index
    %get3A_39 = vector.load %arg9[%get3A_37, %get3A_38] : memref<128x128xf32, #tpu.memory_space<vmem>>, vector<128x128xf32>
    %dot_general3A_40 = arith.constant dense<0.000000e+00> : vector<2000x128xf32>
    %dot_general3A_41 = tpu.matmul %max3A_34, %get3A_39, %dot_general3A_40 {dimension_numbers = #tpu.dot_dimension_numbers<[1], [0], [0], [1], [0, 0, 1, 1], [], []>, transpose_lhs_hint = false} : vector<2000x128xf32>, vector<128x128xf32>, vector<2000x128xf32> -> vector<2000x128xf32>
    %swap3A_42 = arith.constant 0 : index
    %swap3A_43 = arith.constant 0 : index
    %swap3A_44 = vector.load %arg11[%swap3A_42, %swap3A_43] : memref<2000x128xf32, #tpu.memory_space<vmem>>, vector<2000x128xf32>
    tpu.vector_store %arg11[%swap3A_42, %swap3A_43], %dot_general3A_41 {strides = array<i32>} : memref<2000x128xf32, #tpu.memory_space<vmem>>, vector<2000x128xf32>,
    return
  }
  func.func @transform_0(%arg0: i32) -> (i32, i32) {
    %c0_i32 = arith.constant 0 : i32
    %c0_i32_0 = arith.constant 0 : i32
    return %arg0, %c0_i32 : i32, i32
  }
  func.func @transform_1(%arg0: i32) -> (i32, i32) {
    %c0_i32 = arith.constant 0 : i32
    %c0_i32_0 = arith.constant 0 : i32
    return %arg0, %c0_i32 : i32, i32
  }
  func.func @transform_2(%arg0: i32) -> (i32, i32) {
    %c0_i32 = arith.constant 0 : i32
    %c0_i32_0 = arith.constant 0 : i32
    return %arg0, %c0_i32 : i32, i32
  }
  func.func @transform_3(%arg0: i32) -> (i32, i32) {
    %c0_i32 = arith.constant 0 : i32
    %c0_i32_0 = arith.constant 0 : i32
    return %arg0, %c0_i32 : i32, i32
  }
  func.func @transform_4(%arg0: i32) -> (i32, i32) {
    %c0_i32 = arith.constant 0 : i32
    %c0_i32_0 = arith.constant 0 : i32
    return %arg0, %c0_i32 : i32, i32
  }
  func.func @transform_5(%arg0: i32) -> (i32, i32) {
    %c0_i32 = arith.constant 0 : i32
    %c0_i32_0 = arith.constant 0 : i32
    %c0_i32_1 = arith.constant 0 : i32
    return %c0_i32, %c0_i32_0 : i32, i32
  }
  func.func @transform_6(%arg0: i32) -> (i32, i32) {
    %c0_i32 = arith.constant 0 : i32
    %c0_i32_0 = arith.constant 0 : i32
    %c0_i32_1 = arith.constant 0 : i32
    return %c0_i32, %c0_i32_0 : i32, i32
  }
  func.func @transform_7(%arg0: i32) -> (i32, i32) {
    %c0_i32 = arith.constant 0 : i32
    %c0_i32_0 = arith.constant 0 : i32
    %c0_i32_1 = arith.constant 0 : i32
    return %c0_i32, %c0_i32_0 : i32, i32
  }
  func.func @transform_8(%arg0: i32) -> (i32, i32) {
    %c0_i32 = arith.constant 0 : i32
    %c0_i32_0 = arith.constant 0 : i32
    %c0_i32_1 = arith.constant 0 : i32
    return %c0_i32, %c0_i32_0 : i32, i32
  }
  func.func @transform_9(%arg0: i32) -> (i32, i32) {
    %c0_i32 = arith.constant 0 : i32
    %c0_i32_0 = arith.constant 0 : i32
    return %arg0, %c0_i32 : i32, i32
  }
  func.func @transform_10(%arg0: i32) -> (i32, i32) {
    %c0_i32 = arith.constant 0 : i32
    %c0_i32_0 = arith.constant 0 : i32
    return %arg0, %c0_i32 : i32, i32
  }
}

module attributes {stable_mosaic.version = 14 : i64} {
  func.func @_node_block(%arg0: i32, %arg1: memref<8000x128xf32, #tpu.memory_space<vmem>>, %arg2: memref<8000x128xf32, #tpu.memory_space<vmem>>, %arg3: memref<128x1xf32, #tpu.memory_space<vmem>>, %arg4: memref<1x1xf32, #tpu.memory_space<vmem>>, %arg5: memref<128x1xf32, #tpu.memory_space<vmem>>, %arg6: memref<8000x1xf32, #tpu.memory_space<vmem>>) attributes {dimension_semantics = [#tpu.dimension_semantics<arbitrary>], iteration_bounds = array<i64: 40>, scalar_prefetch = 0 : i64, scratch_operands = 0 : i64, tpu.core_type = #tpu.core_type<tc>, window_params = [{transform_indices = @transform_0, window_bounds = array<i64: 8000, 128>}, {transform_indices = @transform_1, window_bounds = array<i64: 8000, 128>}, {pipeline_mode = #tpu.pipeline_mode<synchronous>, transform_indices = @transform_2, window_bounds = array<i64: 128, 1>}, {pipeline_mode = #tpu.pipeline_mode<synchronous>, transform_indices = @transform_3, window_bounds = array<i64: 1, 1>}, {pipeline_mode = #tpu.pipeline_mode<synchronous>, transform_indices = @transform_4, window_bounds = array<i64: 128, 1>}, {transform_indices = @transform_5, window_bounds = array<i64: 8000, 1>}]} {
    %get3A = arith.constant 0 : index
    %get3A_0 = arith.constant 0 : index
    %get3A_1 = vector.load %arg2[%get3A, %get3A_0] : memref<8000x128xf32, #tpu.memory_space<vmem>>, vector<8000x128xf32>
    %get3A_2 = arith.constant 0 : index
    %get3A_3 = arith.constant 0 : index
    %get3A_4 = vector.load %arg5[%get3A_2, %get3A_3] : memref<128x1xf32, #tpu.memory_space<vmem>>, vector<128x1xf32>
    %dot_general3A = arith.constant dense<0.000000e+00> : vector<8000x1xf32>
    %dot_general3A_5 = tpu.matmul %get3A_1, %get3A_4, %dot_general3A {dimension_numbers = #tpu.dot_dimension_numbers<[1], [0], [0], [1], [0, 0, 1, 1], [], []>, transpose_lhs_hint = false} : vector<8000x128xf32>, vector<128x1xf32>, vector<8000x1xf32> -> vector<8000x1xf32>
    %get3A_6 = arith.constant 0 : index
    %get3A_7 = arith.constant 0 : index
    %get3A_8 = vector.load %arg1[%get3A_6, %get3A_7] : memref<8000x128xf32, #tpu.memory_space<vmem>>, vector<8000x128xf32>
    %get3A_9 = arith.constant 0 : index
    %get3A_10 = arith.constant 0 : index
    %get3A_11 = vector.load %arg3[%get3A_9, %get3A_10] : memref<128x1xf32, #tpu.memory_space<vmem>>, vector<128x1xf32>
    %dot_general3A_12 = arith.constant dense<0.000000e+00> : vector<8000x1xf32>
    %dot_general3A_13 = tpu.matmul %get3A_8, %get3A_11, %dot_general3A_12 {dimension_numbers = #tpu.dot_dimension_numbers<[1], [0], [0], [1], [0, 0, 1, 1], [], []>, transpose_lhs_hint = false} : vector<8000x128xf32>, vector<128x1xf32>, vector<8000x1xf32> -> vector<8000x1xf32>
    %add3A = arith.addf %dot_general3A_13, %dot_general3A_5 : vector<8000x1xf32>
    %get3A_14 = arith.constant 0 : index
    %get3A_15 = arith.constant 0 : index
    %get3A_16 = vector.load %arg4[%get3A_14, %get3A_15] : memref<1x1xf32, #tpu.memory_space<vmem>>, vector<1x1xf32>
    %add3A_17 = vector.broadcast %get3A_16 : vector<1x1xf32> to vector<8000x1xf32>
    %add3A_18 = arith.addf %add3A, %add3A_17 : vector<8000x1xf32>
    %max3A = arith.constant 0.000000e+00 : f32
    %max3A_19 = vector.broadcast %max3A : f32 to vector<8000x1xf32>
    %max3A_20 = arith.maximumf %add3A_18, %max3A_19 : vector<8000x1xf32>
    %swap3A = arith.constant 0 : index
    %swap3A_21 = arith.constant 0 : index
    %swap3A_22 = vector.load %arg6[%swap3A, %swap3A_21] : memref<8000x1xf32, #tpu.memory_space<vmem>>, vector<8000x1xf32>
    tpu.vector_store %arg6[%swap3A, %swap3A_21], %max3A_20 {strides = array<i32>} : memref<8000x1xf32, #tpu.memory_space<vmem>>, vector<8000x1xf32>,
    return
  }
  func.func @transform_0(%arg0: i32) -> (i32, i32) {
    %c0_i32 = arith.constant 0 : i32
    %c0_i32_0 = arith.constant 0 : i32
    return %arg0, %c0_i32 : i32, i32
  }
  func.func @transform_1(%arg0: i32) -> (i32, i32) {
    %c0_i32 = arith.constant 0 : i32
    %c0_i32_0 = arith.constant 0 : i32
    return %arg0, %c0_i32 : i32, i32
  }
  func.func @transform_2(%arg0: i32) -> (i32, i32) {
    %c0_i32 = arith.constant 0 : i32
    %c0_i32_0 = arith.constant 0 : i32
    %c0_i32_1 = arith.constant 0 : i32
    return %c0_i32, %c0_i32_0 : i32, i32
  }
  func.func @transform_3(%arg0: i32) -> (i32, i32) {
    %c0_i32 = arith.constant 0 : i32
    %c0_i32_0 = arith.constant 0 : i32
    %c0_i32_1 = arith.constant 0 : i32
    return %c0_i32, %c0_i32_0 : i32, i32
  }
  func.func @transform_4(%arg0: i32) -> (i32, i32) {
    %c0_i32 = arith.constant 0 : i32
    %c0_i32_0 = arith.constant 0 : i32
    %c0_i32_1 = arith.constant 0 : i32
    return %c0_i32, %c0_i32_0 : i32, i32
  }
  func.func @transform_5(%arg0: i32) -> (i32, i32) {
    %c0_i32 = arith.constant 0 : i32
    %c0_i32_0 = arith.constant 0 : i32
    return %arg0, %c0_i32 : i32, i32
  }
}

</mosaic_0001>

<sc_bundles>
// kernel: kernel.15.cloned.1.call-start
scs
__scs_entry_jumppad:
0x0: {  	(pc) =	sbr.rel $0x88, $3  }
0x1: {  	(tag) =	ssettag $0x0;
	lr =	simm.s32 $0x1  }
0x2: {  	[smem:$0x3F92] =	sst lr;
	_ =	strace $0xD0000000  }
0x3: {  	_ = 	snop  }
0x4: {  	_ = 	snop  }
0x5: {  	_ = 	snop  }
0x6: {  	_ = 	snop  }
0x7: {  	_ = 	snop  }
__scs_overlays_trampoline_lowered:
0x8: {  	[smem:$0x3FA1] =	sst s0  }
0x9: {  	[smem:$0x3FA2] =	sst s1  }
0xa: {  	[smem:$0x3FA3] =	sst s2  }
0xb: {  	[smem:$0x3FA4] =	sst s3  }
0xc: {  	[smem:$0x3FA5] =	sst s4  }
0xd: {  	[smem:$0x3FA6] =	sst s5  }
0xe: {  	[smem:$0x3FA7] =	sst s6  }
0xf: {  	[smem:$0x3FA8] =	sst s7  }
0x10: {  	[smem:$0x3FA9] =	sst s8  }
0x11: {  	[smem:$0x3FAA] =	sst s9;
	s0 =	simm.s32 @!p0 $0x0  }
0x12: {  	s1 =	sld [smem:$0x3F90];
	s0 =	simm.s32 @p0 $0x1  }
0x13: {  	[smem:$0x3FAB] =	sst s0;
	s0 =	simm.s32 @!p1 $0x0  }
0x14: {  	s2 =	sld [smem:$0x3F8F];
	s0 =	simm.s32 @p1 $0x1  }
0x15: {  	[smem:$0x3FAC] =	sst s0;
	s0 =	simm.s32 @!p2 $0x0  }
0x16: {  	s3 =	sld [smem:$0x3FDB];
	s0 =	simm.s32 @p2 $0x1  }
0x17: {  	s4 =	simm.s32 $0x1BF5;
	[smem:$0x3FAE] =	sst s0  }
0x18: {  	s0 =	sld [smem:$0x3F91];
	_ =	swait.ge [sflag:s4], $0x0  }
0x19: {  	s7 =	sld [smem:$0x3F92]  }
0x1a: {  	s8 =	sadd.s32 $0xFFFFE003, lr  }
0x1b: {  	s9 =	sadd.s32 $0xFFFFFEF7, lr;
	s5 =	simm.s32 $0xFFFFFFFF;
	p2 =	slt.u32 s8, $0xFFFFF086  }
0x1c: {  	p1 =	slt.u32 s9, $0xF7A;
	s5 =	simm.s32 @!p2 $0x0  }
0x1d: {  	s5 =	simm.s32 @p1 $0x1;
	p0 =	seq.s32 s7, s2  }
0x1e: {  	s7 =	smul.u32 @!p0 $0xF7A, s2;
	p2 =	seq.s32 @!p0 s5, $0x0  }
0x1f: {  	s9 =	smul.u32 $0xF7A, s1;
	s8 =	simm.s32 @!p0 $0x1BF5;
	p2 =	por !p2, p0  }
0x20: {  	[sflag:s8] =	ssyncset.s32 @!p0 $0xFFFFF086;
	s6 =	sadd.s32 @!p0 s3, s7;
	s7 =	simm.s32 @!p0 $0x108  }
0x21: {  	s3 =	sadd.s32 s3, s9;
	s6 =	sadd.s32 @!p0 $0x88, s6;
	s7 =	simm.s32 @p2 $0x1082  }
0x22: {  	[simem:s7], [sflag:s8] =	dma.local @!p0 [hbm:s6], $0xF7A  }
0x23: {  	s9 =	sor.u32 $0xD0000000, s2;
	s6 =	simm.s32 $0x108;
	_ =	swait.ge @!p0 [sflag:s8], $0x0  }
0x24: {  	s3 =	sadd.s32 $0x88, s3;
	s6 =	simm.s32 @!p1 $0x1082;
	[sflag:s4] =	ssyncset.s32 $0xFFFFF086  }
0x25: {  	[simem:s6], [sflag:s4] =	dma.local [hbm:s3], $0xF7A  }
0x26: {  	[smem:$0x3F92] =	sst s1;
	(tag) =	ssettag s2;
	_ =	strace s9  }
0x27: {  	s1 =	sld [smem:$0x3FA2]  }
0x28: {  	s2 =	sld [smem:$0x3FA3]  }
0x29: {  	s4 =	sld [smem:$0x3FA5]  }
0x2a: {  	p0 =	seq.s32 s5, $0x0;
	s5 =	sld [smem:$0x3FA6]  }
0x2b: {  	s6 =	sld [smem:$0x3FA7]  }
0x2c: {  	s7 =	sld [smem:$0x3FA8]  }
0x2d: {  	s3 =	simm.s32 $0x108;
	s8 =	sld [smem:$0x3FA9]  }
0x2e: {  	s3 =	simm.s32 @!p0 $0x1082;
	s9 =	sld [smem:$0x3FAA]  }
0x2f: {  	lr =	sadd.s32 s0, s3;
	s0 =	sld [smem:$0x3FA1]  }
0x30: {  	s3 =	sld [smem:$0x3FA4]  }
0x31: {  	[smem:$0x3FAD] =	sst s10  }
0x32: {  	s10 =	sld [smem:$0x3FAB];
	_ =	sdelay $0x3  }
0x33: {  	p0 =	seq.s32 s10, $0x1;
	s10 =	sld [smem:$0x3FAD];
	_ =	sdelay $0x3  }
0x34: {  	[smem:$0x3FAD] =	sst s10  }
0x35: {  	s10 =	sld [smem:$0x3FAC];
	_ =	sdelay $0x3  }
0x36: {  	p1 =	seq.s32 s10, $0x1;
	s10 =	sld [smem:$0x3FAD];
	_ =	sdelay $0x3  }
0x37: {  	[smem:$0x3FAD] =	sst s10  }
0x38: {  	s10 =	sld [smem:$0x3FAE]  }
0x39: {  	_ = 	snop;
	(pc) =	sbr.ind lr, $3  }
0x3a: {  	_ = 	snop  }
0x3b: {  	_ = 	snop  }
0x3c: {  	p2 =	seq.s32 s10, $0x1;
	s10 =	sld [smem:$0x3FAD]  }
0x3d: {  	_ =	shalt  }
0x3e: {  	_ =	shalt  }
0x3f: {  	_ =	shalt  }
0x40: {  	_ =	shalt  }
0x41: {  	_ =	shalt  }
0x42: {  	_ =	shalt  }
0x43: {  	_ =	shalt  }
0x44: {  	_ =	shalt  }
0x45: {  	_ =	shalt  }
0x46: {  	_ =	shalt  }
0x47: {  	_ =	shalt  }
0x48: {  	_ =	shalt  }
0x49: {  	_ =	shalt  }
0x4a: {  	_ =	shalt  }
0x4b: {  	_ =	shalt  }
0x4c: {  	_ =	shalt  }
0x4d: {  	_ =	shalt  }
0x4e: {  	_ =	shalt  }
0x4f: {  	_ =	shalt  }
0x50: {  	_ =	shalt  }
0x51: {  	_ =	shalt  }
0x52: {  	_ =	shalt  }
0x53: {  	_ =	shalt  }
0x54: {  	_ =	shalt  }
0x55: {  	_ =	shalt  }
0x56: {  	_ =	shalt  }
0x57: {  	_ =	shalt  }
0x58: {  	_ =	shalt  }
0x59: {  	_ =	shalt  }
0x5a: {  	_ =	shalt  }
0x5b: {  	_ =	shalt  }
0x5c: {  	_ =	shalt  }
0x5d: {  	_ =	shalt  }
0x5e: {  	_ =	shalt  }
0x5f: {  	_ =	shalt  }
0x60: {  	_ =	shalt  }
0x61: {  	_ =	shalt  }
0x62: {  	_ =	shalt  }
0x63: {  	_ =	shalt  }
0x64: {  	_ =	shalt  }
0x65: {  	_ =	shalt  }
0x66: {  	_ =	shalt  }
0x67: {  	_ =	shalt  }
0x68: {  	_ =	shalt  }
0x69: {  	_ =	shalt  }
0x6a: {  	_ =	shalt  }
0x6b: {  	_ =	shalt  }
0x6c: {  	_ =	shalt  }
0x6d: {  	_ =	shalt  }
0x6e: {  	_ =	shalt  }
0x6f: {  	_ =	shalt  }
0x70: {  	_ =	shalt  }
0x71: {  	_ =	shalt  }
0x72: {  	_ =	shalt  }
0x73: {  	_ =	shalt  }
0x74: {  	_ =	shalt  }
0x75: {  	_ =	shalt  }
0x76: {  	_ =	shalt  }
0x77: {  	_ =	shalt  }
0x78: {  	_ =	shalt  }
0x79: {  	_ =	shalt  }
0x7a: {  	_ =	shalt  }
0x7b: {  	_ =	shalt  }
0x7c: {  	_ =	shalt  }
0x7d: {  	_ =	shalt  }
0x7e: {  	_ =	shalt  }
0x7f: {  	_ =	shalt  }
0x80: {  	_ =	shalt  }
0x81: {  	_ =	shalt  }
0x82: {  	_ =	shalt  }
0x83: {  	_ =	shalt  }
0x84: {  	_ =	shalt  }
0x85: {  	_ =	shalt  }
0x86: {  	_ =	shalt  }
0x87: {  	_ =	shalt  }
.Lfunc_end0:
.L_simem_size_0:
called_computation_lowered:
.L_overlay_start_0:
0x88: {  	s2 =	sld [smem:$0x3FD9]  }
0x89: {  	s3 =	sld [smem:$0x3FFE];
	_ =	sdelay $0x1  }
0x8a: {  	s1 =	srdreg.scid  }
0x8b: {  	s0 =	sand.u32 $0x1, s1  }
0x8c: {  	s14 =	sshll.u32 s0, $0xA;
	s2 =	sadd.s32 s3, s2  }
0x8d: {  	s2 =	sadd.s32 s2, s14  }
0x8e: {  	[smem:$0x3FB9] =	sst s2  }
0x8f: {  	_ = 	snop  }
0x90: {  	s2 =	sld [smem:$0x3FD0];
	_ =	sdelay $0x2  }
0x91: {  	s15 =	simm.s32 $0xB;
	s4 =	simm.s32 $0x10  }
0x92: {  	[smem:s4], [sflag:s15] =	dma.local [hbm:s2], $0x1  }
0x93: {  	_ =	swait.eq [sflag:s15], $0x1  }
0x94: {  	[sflag:s15] =	ssyncset.done $0x0  }
0x95: {  	[sflag:s15] =	ssyncadd.s32 $0xFFFFFFFF  }
0x96: {  	s16 =	sld [smem:$0x10];
	(tm) =	ssettm $0x1  }
0x97: {  	s17 =	sld [smem:$0x3FFB];
	_ =	sdelay $0x3  }
0x98: {  	_ =	strace s17  }
0x99: {  	s3 =	sld [smem:$0x3FFC];
	_ =	sdelay $0x3  }
0x9a: {  	_ =	strace s3  }
0x9b: {  	s3 =	sld [smem:$0x3FFD];
	_ =	sdelay $0x3  }
0x9c: {  	_ =	strace s3  }
0x9d: {  	_ =	strace $0x8FFFFFFF  }
0x9e: {  	s18 =	sld [smem:$0x3FDB];
	_ =	sdelay $0x1  }
0x9f: {  	s19 =	simm.s32 $_scs_section_size  }
0xa0: {  	s5 =	simm.s32 $_size__tile_overlayer_lowered;
	s6 =	simm.s32 $_tile_overlayer_lowered  }
0xa1: {  	s22 =	simm.s32 $0x1BFF;
	s21 =	sshll.u32 s6, $0x1;
	s3 =	sadd.s32 s19, s18  }
0xa2: {  	s7 =	simm.s32 $0x0;
	s20 =	sshll.u32 s5, $0x1;
	s5 =	sadd.s32 s21, s3  }
0xa3: {  	[timem:s7], [sflag:s22] =	dma.local [hbm:s5], s20  }
0xa4: {  	_ =	swait.ge [sflag:s22], s20  }
0xa5: {  	s4 =	ssub.s32 $0x0, s20;
	[sflag:s22] =	ssyncset.done $0x0  }
0xa6: {  	[sflag:s22] =	ssyncadd.s32 s4;
	_ =	sdelay $0x1  }
0xa7: {  	s23 =	simm.s32 $0x1B8B  }
0xa8: {  	_ =	swait.ge [sflag:s23], $0x1  }
0xa9: {  	[sflag:s23] =	ssyncset.done $0x0  }
0xaa: {  	s25 =	simm.s32 $0x1B8E;
	s24 =	sld [smem:$0x3FFE];
	[sflag:s23] =	ssyncadd.s32 $0xFFFFFFFF  }
0xab: {  	s26 =	simm.s32 $execute0_lowered;
	[smem:$0x3FD2] =	sst s25  }
0xac: {  	s5 =	sshll.u32 s26, $0x1;
	_ =	strace $0x80000046;
	[dreg:$0x1] =	wrdreg $0xFFFFFFFF  }
0xad: {  	s28 =	simm.s32 $_size_execute0_lowered;
	s3 =	sadd.s32 s3, s5;
	[dreg:$0x0] =	wrdreg $0x0  }
0xae: {  	s5 =	sshll.u32 s28, $0x1;
	[dreg:$0x2] =	wrdreg s3  }
0xaf: {  	[dreg:$0x3] =	wrdreg s5  }
0xb0: {  	[dreg:$0x4] =	wrdreg $0xC0  }
0xb1: {  	_ =	task [dreg:s7], $0x5FFFF  }
0xb2: {  	[dreg:$0x1] =	wrdreg $0xFFFFFFFF  }
0xb3: {  	[dreg:$0x0] =	wrdreg $0x60  }
0xb4: {  	[dreg:$0x2] =	wrdreg s16  }
0xb5: {  	[dreg:$0x3] =	wrdreg s24  }
0xb6: {  	[dreg:$0x4] =	wrdreg $0x68000  }
0xb7: {  	[dreg:$0x5] =	wrdreg $0x9  }
0xb8: {  	_ =	task.clear_ibuf [dreg:s7], $0x6FFFF;
	_ =	strace $0x90000046  }
0xb9: {  	s29 =	simm.s32 $0x9;
	_ =	strace $0x80000048  }
0xba: {  	_ =	swait.ge [sflag:s29], $0x1  }
0xbb: {  	[sflag:s29] =	ssyncadd.s32 $0xFFFFFFFF  }
0xbc: {  	_ =	strace $0x90000048  }
0xbd: {  	_ =	sfence  }
0xbe: {  	s30 =	sld [smem:$0x0];
	_ =	sdelay $0x2  }
0xbf: {  	s31 =	sshll.u32 s1, $0xD;
	s1 =	sshrl.u32 s1, $0x2  }
0xc0: {  	s3 =	sand.u32 $0x4000, s31;
	s1 =	sadd.s32 s1, s30  }
0xc1: {  	s0 =	sor.u32 s3, s0;
	s1 =	sshll.u32 s1, $0x11  }
0xc2: {  	s0 =	sor.u32 s1, s0  }
0xc3: {  	s0 =	sadd.s32 $0x8F2B, s0  }
0xc4: {  	[sflag:s0] =	ssyncadd.remote.s32 $0x1  }
0xc5: {  	_ =	sfence.sel $0xFFFF  }
0xc6: {  	[dreg:$0x0] =	wrdreg $0xFFFFFFFF;
	(pc) =	sbr.abs _section_cstart, $3  }
0xc7: {  	[dreg:$0x1] =	wrdreg $0xFFFFFFFF  }
0xc8: {  	_ =	task.clear_ibuf [dreg:s7], $0x2FFFF;
	_ =	strace $0x9FFFFFFF  }
0xc9: {  	(tm) =	ssettm $0x7FFFFFFF  }
tec
execute0_lowered:
.L_overlay_start_1:
0x0: {  	(tag) =	ssettag $0x1  }
0x1: {  	s1 =	rddreg [dreg:$0x0]  }
0x2: {  	s5 =	rddreg [dreg:$0x1]  }
0x3: {  	s3 =	rddreg [dreg:$0x2]  }
0x4: {  	s0 =	rddreg [dreg:$0x3];
	s6 =	srdreg.scid  }
0x5: {  	s2 =	stileid.u32;
	s4 =	simm.s32 $0x0;
	s13 =	simm.s32 $0x50  }
0x6: {  	s14 =	simm.s32 $0x0;
	s6 =	sand.u32 $0x1, s6;
	s7 =	smul.u32 $0x14000, s2  }
0x7: {  	[smem:$0x7FF] =	sst s4;
	s25 =	smul.u32 $0x50000, s2;
	s30 =	sshll.u32 s2, $0xC  }
0x8: {  	s31 =	sshll.u32 s2, $0x6;
	s8 =	sshll.u32 s6, $0xB;
	s9 =	smul.u32 $0x140000, s6  }
0x9: {  	_ =	strace $0x80000047;
	s6 =	ssub.s32 $0x2, s6;
	s8 =	sadd.s32 s8, s5  }
0xa: {  	s10 =	sshrl.u32 s7, $0x3;
	s26 =	sshrl.u32 s6, $0x1;
	s28 =	sshrl.u32 s25, $0x2  }
0xb: {  	s7 =	sadd.s32 s7, s9;
	s10 =	sadd.s32 s10, s5;
	s29 =	ssub.s32 s6, s26  }
0xc: {  	s12 =	sadd.s32 s28, s3;
	s8 =	sadd.s32 s30, s8;
	s7 =	sshrl.u32 s7, $0x3  }
0xd: {  	s6 =	sor.u32 $0x1C01, s31;
	s9 =	smax.u32 s29, $0x1;
	s11 =	sadd.s32 s7, s5  }
0xe: {  	s5 =	sadd.s32 $0x16E00, s10;
	s7 =	sadd.s32 $0x6E00, s8;
	s10 =	sshrl.u32 s12, $0x3  }
0xf: {  	s12 =	simm.s32 $0x4000;
	s8 =	sadd.s32 $0x3EE00, s11;
	s11 =	simm.s32 $0x1  }
.LBB2_1:
0x10: {  	[spmem:s10], [sflag:s6] =	dma.local [hbm:s5], $0x2800  }
0x11: {  	_ =	swait.ge [sflag:s11], $0x2800  }
0x12: {  	[sflag:s11] =	ssyncset.done $0x0  }
0x13: {  	[sflag:s11] =	ssyncadd.s32 $0xFFFFD800  }
0x14: {  	[tilespmem:s4], [sflag:$0x1] =	stream.linear.gather [hbm4b:s7+s4], $0x3E80, $0x38;
	[tilespmem:$0x1A800] =	vst v63  }
0x15: {  	_ =	swait.ge [sflag:s11], $0x3E80  }
0x16: {  	[sflag:s11] =	ssyncset.done $0x0  }
0x17: {  	[sflag:s11] =	ssyncadd.s32 $0xFFFFC180  }
0x18: {  	[tilespmem:s12], [sflag:$0x1] =	stream.linear.gather [hbm4b:s1+s4], $0x2800, $0x38;
	[tilespmem:$0x1A800] =	vst v63  }
0x19: {  	_ =	swait.ge [sflag:s11], $0x2800  }
0x1a: {  	[sflag:s11] =	ssyncset.done $0x0  }
0x1b: {  	[sflag:s11] =	ssyncadd.s32 $0xFFFFD800  }
0x1c: {  	s15 =	simm.s32 $0x0;
	[bflag:$0x0] =	sbarrier.arrive $0xFFFF  }
0x1d: {  	[spmem:s3] =	stream.indirect.scatter.add.f32 [tilespmem:s12], [sflag:$0x1], $0x80, s15, s13, $0xb8;
	[tilespmem:$0x1A800] =	vst v63  }
0x1e: {  	_ =	swait.ge [sflag:s11], $0x2800  }
0x1f: {  	s15 =	simm.s32 $0x200;
	[sflag:s11] =	ssyncset.done $0x0  }
.LBB2_2:
0x20: {  	s16 =	sshra.s32 s15, $0x2;
	[sflag:s11] =	ssyncadd.s32 $0xFFFFD800;
	p0 =	sne.s32 s15, $0xF800  }
0x21: {  	[spmem:s3] =	stream.indirect.scatter.add.f32 [tilespmem:s12], [sflag:$0x1], $0x80, s16, s13, $0xb8;
	[tilespmem:$0x1A800] =	vst v63  }
.Ltmp0:
0x22: {  	_ = 	snop;
	(pc) =	sbr.rel @p0 .LBB2_2-.Ltmp0, $4  }
0x23: {  	_ = 	snop  }
0x24: {  	s15 =	sadd.s32 $0x200, s15  }
0x25: {  	_ =	swait.ge [sflag:s11], $0x2800  }
0x26: {  	[sflag:s11] =	ssyncset.done $0x0  }
0x27: {  	s14 =	sadd.s32 $0x1, s14  }
0x28: {  	[sflag:s11] =	ssyncadd.s32 $0xFFFFD800;
	p0 =	sne.s32 s14, s9  }
.Ltmp1:
0x29: {  	[bflag:$0x0] =	sbarrier.arrive $0xFFFF;
	(pc) =	sbr.rel @p0 .LBB2_1-.Ltmp1, $4  }
0x2a: {  	[hbm:s8], [sflag:s6] =	dma.local [spmem:s10], $0x2800  }
0x2b: {  	_ =	swait.ge [sflag:s11], $0x2800  }
0x2c: {  	[sflag:s11] =	ssyncset.done $0x0  }
0x2d: {  	[sflag:s11] =	ssyncadd.s32 $0xFFFFD800  }
0x2e: {  	_ =	sfence.sel $0x180000  }
0x2f: {  	[bflag:$0x0] =	sbarrier.arrive $0xFFFF  }
0x30: {  	p0 =	sne.s32 s2, $0x0;
	_ =	strace $0x90000047  }
0x31: {  	s0 =	sadd.s32 @!p0 $0x100000, s0;
	[bflag:$0x2] =	sbarrier.arrive $0xFFFF  }
0x32: {  	[sflag:s0] =	ssyncadd.tile.s32 @!p0 $0x1;
	_ =	shalt  }
.Lfunc_end2:
_tile_overlayer_lowered:
.L_overlay_start_2:
0x33: {  	(tag) =	ssettag $0x2  }
0x34: {  	s0 =	rddreg [dreg:$0x0];
	s2 =	stileid.u32  }
0x35: {  	s1 =	rddreg [dreg:$0x1];
	p0 =	sne.s32 s2, $0x0  }
0x36: {  	s3 =	rddreg [dreg:$0x2];
	[bflag:$0x3] =	sbarrier.arrive $0xFFFF;
	s2 =	simm.s32 @!p0 $0x1C01  }
0x37: {  	[timem:s3], [sflag:s2] =	dma.local @!p0 [hbm:s0], s1  }
0x38: {  	s0 =	simm.s32 @!p0 $0x1  }
0x39: {  	_ =	swait.ge @!p0 [sflag:s0], s1  }
0x3a: {  	s1 =	ssub.s32 @!p0 $0x0, s1;
	[sflag:s0] =	ssyncset.done @!p0 $0x0  }
0x3b: {  	[sflag:s0] =	ssyncadd.s32 @!p0 s1  }
0x3c: {  	[bflag:$0x3] =	sbarrier.arrive $0xFFFF  }
0x3d: {  	_ =	shalt  }

// kernel: kernel.18.cloned.1.call-start
scs
__scs_entry_jumppad:
0x0: {  	(pc) =	sbr.rel $0x88, $3  }
0x1: {  	(tag) =	ssettag $0x0;
	lr =	simm.s32 $0x1  }
0x2: {  	[smem:$0x3F92] =	sst lr;
	_ =	strace $0xD0000000  }
0x3: {  	_ = 	snop  }
0x4: {  	_ = 	snop  }
0x5: {  	_ = 	snop  }
0x6: {  	_ = 	snop  }
0x7: {  	_ = 	snop  }
__scs_overlays_trampoline_lowered:
0x8: {  	[smem:$0x3FA1] =	sst s0  }
0x9: {  	[smem:$0x3FA2] =	sst s1  }
0xa: {  	[smem:$0x3FA3] =	sst s2  }
0xb: {  	[smem:$0x3FA4] =	sst s3  }
0xc: {  	[smem:$0x3FA5] =	sst s4  }
0xd: {  	[smem:$0x3FA6] =	sst s5  }
0xe: {  	[smem:$0x3FA7] =	sst s6  }
0xf: {  	[smem:$0x3FA8] =	sst s7  }
0x10: {  	[smem:$0x3FA9] =	sst s8  }
0x11: {  	[smem:$0x3FAA] =	sst s9;
	s0 =	simm.s32 @!p0 $0x0  }
0x12: {  	s1 =	sld [smem:$0x3F90];
	s0 =	simm.s32 @p0 $0x1  }
0x13: {  	[smem:$0x3FAB] =	sst s0;
	s0 =	simm.s32 @!p1 $0x0  }
0x14: {  	s2 =	sld [smem:$0x3F8F];
	s0 =	simm.s32 @p1 $0x1  }
0x15: {  	[smem:$0x3FAC] =	sst s0;
	s0 =	simm.s32 @!p2 $0x0  }
0x16: {  	s3 =	sld [smem:$0x3FDB];
	s0 =	simm.s32 @p2 $0x1  }
0x17: {  	s4 =	simm.s32 $0x1BF5;
	[smem:$0x3FAE] =	sst s0  }
0x18: {  	s0 =	sld [smem:$0x3F91];
	_ =	swait.ge [sflag:s4], $0x0  }
0x19: {  	s7 =	sld [smem:$0x3F92]  }
0x1a: {  	s8 =	sadd.s32 $0xFFFFE003, lr  }
0x1b: {  	s9 =	sadd.s32 $0xFFFFFEF7, lr;
	s5 =	simm.s32 $0xFFFFFFFF;
	p2 =	slt.u32 s8, $0xFFFFF086  }
0x1c: {  	p1 =	slt.u32 s9, $0xF7A;
	s5 =	simm.s32 @!p2 $0x0  }
0x1d: {  	s5 =	simm.s32 @p1 $0x1;
	p0 =	seq.s32 s7, s2  }
0x1e: {  	s7 =	smul.u32 @!p0 $0xF7A, s2;
	p2 =	seq.s32 @!p0 s5, $0x0  }
0x1f: {  	s9 =	smul.u32 $0xF7A, s1;
	s8 =	simm.s32 @!p0 $0x1BF5;
	p2 =	por !p2, p0  }
0x20: {  	[sflag:s8] =	ssyncset.s32 @!p0 $0xFFFFF086;
	s6 =	sadd.s32 @!p0 s3, s7;
	s7 =	simm.s32 @!p0 $0x108  }
0x21: {  	s3 =	sadd.s32 s3, s9;
	s6 =	sadd.s32 @!p0 $0x88, s6;
	s7 =	simm.s32 @p2 $0x1082  }
0x22: {  	[simem:s7], [sflag:s8] =	dma.local @!p0 [hbm:s6], $0xF7A  }
0x23: {  	s9 =	sor.u32 $0xD0000000, s2;
	s6 =	simm.s32 $0x108;
	_ =	swait.ge @!p0 [sflag:s8], $0x0  }
0x24: {  	s3 =	sadd.s32 $0x88, s3;
	s6 =	simm.s32 @!p1 $0x1082;
	[sflag:s4] =	ssyncset.s32 $0xFFFFF086  }
0x25: {  	[simem:s6], [sflag:s4] =	dma.local [hbm:s3], $0xF7A  }
0x26: {  	[smem:$0x3F92] =	sst s1;
	(tag) =	ssettag s2;
	_ =	strace s9  }
0x27: {  	s1 =	sld [smem:$0x3FA2]  }
0x28: {  	s2 =	sld [smem:$0x3FA3]  }
0x29: {  	s4 =	sld [smem:$0x3FA5]  }
0x2a: {  	p0 =	seq.s32 s5, $0x0;
	s5 =	sld [smem:$0x3FA6]  }
0x2b: {  	s6 =	sld [smem:$0x3FA7]  }
0x2c: {  	s7 =	sld [smem:$0x3FA8]  }
0x2d: {  	s3 =	simm.s32 $0x108;
	s8 =	sld [smem:$0x3FA9]  }
0x2e: {  	s3 =	simm.s32 @!p0 $0x1082;
	s9 =	sld [smem:$0x3FAA]  }
0x2f: {  	lr =	sadd.s32 s0, s3;
	s0 =	sld [smem:$0x3FA1]  }
0x30: {  	s3 =	sld [smem:$0x3FA4]  }
0x31: {  	[smem:$0x3FAD] =	sst s10  }
0x32: {  	s10 =	sld [smem:$0x3FAB];
	_ =	sdelay $0x3  }
0x33: {  	p0 =	seq.s32 s10, $0x1;
	s10 =	sld [smem:$0x3FAD];
	_ =	sdelay $0x3  }
0x34: {  	[smem:$0x3FAD] =	sst s10  }
0x35: {  	s10 =	sld [smem:$0x3FAC];
	_ =	sdelay $0x3  }
0x36: {  	p1 =	seq.s32 s10, $0x1;
	s10 =	sld [smem:$0x3FAD];
	_ =	sdelay $0x3  }
0x37: {  	[smem:$0x3FAD] =	sst s10  }
0x38: {  	s10 =	sld [smem:$0x3FAE]  }
0x39: {  	_ = 	snop;
	(pc) =	sbr.ind lr, $3  }
0x3a: {  	_ = 	snop  }
0x3b: {  	_ = 	snop  }
0x3c: {  	p2 =	seq.s32 s10, $0x1;
	s10 =	sld [smem:$0x3FAD]  }
0x3d: {  	_ =	shalt  }
0x3e: {  	_ =	shalt  }
0x3f: {  	_ =	shalt  }
0x40: {  	_ =	shalt  }
0x41: {  	_ =	shalt  }
0x42: {  	_ =	shalt  }
0x43: {  	_ =	shalt  }
0x44: {  	_ =	shalt  }
0x45: {  	_ =	shalt  }
0x46: {  	_ =	shalt  }
0x47: {  	_ =	shalt  }
0x48: {  	_ =	shalt  }
0x49: {  	_ =	shalt  }
0x4a: {  	_ =	shalt  }
0x4b: {  	_ =	shalt  }
0x4c: {  	_ =	shalt  }
0x4d: {  	_ =	shalt  }
0x4e: {  	_ =	shalt  }
0x4f: {  	_ =	shalt  }
0x50: {  	_ =	shalt  }
0x51: {  	_ =	shalt  }
0x52: {  	_ =	shalt  }
0x53: {  	_ =	shalt  }
0x54: {  	_ =	shalt  }
0x55: {  	_ =	shalt  }
0x56: {  	_ =	shalt  }
0x57: {  	_ =	shalt  }
0x58: {  	_ =	shalt  }
0x59: {  	_ =	shalt  }
0x5a: {  	_ =	shalt  }
0x5b: {  	_ =	shalt  }
0x5c: {  	_ =	shalt  }
0x5d: {  	_ =	shalt  }
0x5e: {  	_ =	shalt  }
0x5f: {  	_ =	shalt  }
0x60: {  	_ =	shalt  }
0x61: {  	_ =	shalt  }
0x62: {  	_ =	shalt  }
0x63: {  	_ =	shalt  }
0x64: {  	_ =	shalt  }
0x65: {  	_ =	shalt  }
0x66: {  	_ =	shalt  }
0x67: {  	_ =	shalt  }
0x68: {  	_ =	shalt  }
0x69: {  	_ =	shalt  }
0x6a: {  	_ =	shalt  }
0x6b: {  	_ =	shalt  }
0x6c: {  	_ =	shalt  }
0x6d: {  	_ =	shalt  }
0x6e: {  	_ =	shalt  }
0x6f: {  	_ =	shalt  }
0x70: {  	_ =	shalt  }
0x71: {  	_ =	shalt  }
0x72: {  	_ =	shalt  }
0x73: {  	_ =	shalt  }
0x74: {  	_ =	shalt  }
0x75: {  	_ =	shalt  }
0x76: {  	_ =	shalt  }
0x77: {  	_ =	shalt  }
0x78: {  	_ =	shalt  }
0x79: {  	_ =	shalt  }
0x7a: {  	_ =	shalt  }
0x7b: {  	_ =	shalt  }
0x7c: {  	_ =	shalt  }
0x7d: {  	_ =	shalt  }
0x7e: {  	_ =	shalt  }
0x7f: {  	_ =	shalt  }
0x80: {  	_ =	shalt  }
0x81: {  	_ =	shalt  }
0x82: {  	_ =	shalt  }
0x83: {  	_ =	shalt  }
0x84: {  	_ =	shalt  }
0x85: {  	_ =	shalt  }
0x86: {  	_ =	shalt  }
0x87: {  	_ =	shalt  }
.Lfunc_end0:
.L_simem_size_0:
called_computation.1_lowered:
.L_overlay_start_0:
0x88: {  	s2 =	sld [smem:$0x3FD9]  }
0x89: {  	s3 =	sld [smem:$0x3FFE];
	_ =	sdelay $0x1  }
0x8a: {  	s1 =	srdreg.scid  }
0x8b: {  	s0 =	sand.u32 $0x1, s1  }
0x8c: {  	s17 =	sshll.u32 s0, $0xA;
	s2 =	sadd.s32 s3, s2  }
0x8d: {  	s2 =	sadd.s32 s2, s17  }
0x8e: {  	[smem:$0x3FB9] =	sst s2  }
0x8f: {  	_ = 	snop  }
0x90: {  	s18 =	sld [smem:$0x3FC8];
	(tm) =	ssettm $0x1  }
0x91: {  	s19 =	sld [smem:$0x3FFB];
	_ =	sdelay $0x3  }
0x92: {  	_ =	strace s19  }
0x93: {  	s2 =	sld [smem:$0x3FFC];
	_ =	sdelay $0x3  }
0x94: {  	_ =	strace s2  }
0x95: {  	s2 =	sld [smem:$0x3FFD];
	_ =	sdelay $0x3  }
0x96: {  	_ =	strace s2  }
0x97: {  	_ =	strace $0x8FFFFFFF  }
0x98: {  	s20 =	sld [smem:$0x3FDB];
	_ =	sdelay $0x1  }
0x99: {  	s4 =	simm.s32 $_scs_section_size  }
0x9a: {  	s5 =	simm.s32 $_size__tile_overlayer_lowered;
	s6 =	simm.s32 $_tile_overlayer_lowered  }
0x9b: {  	s7 =	simm.s32 $0x1BFF;
	s21 =	sshll.u32 s6, $0x1;
	s4 =	sadd.s32 s4, s20  }
0x9c: {  	s22 =	simm.s32 $0x0;
	s5 =	sshll.u32 s5, $0x1;
	s6 =	sadd.s32 s21, s4  }
0x9d: {  	[timem:s22], [sflag:s7] =	dma.local [hbm:s6], s5  }
0x9e: {  	_ =	swait.ge [sflag:s7], s5  }
0x9f: {  	s5 =	ssub.s32 $0x0, s5;
	[sflag:s7] =	ssyncset.done $0x0  }
0xa0: {  	[sflag:s7] =	ssyncadd.s32 s5;
	_ =	sdelay $0x1  }
0xa1: {  	s23 =	simm.s32 $0x1B8B  }
0xa2: {  	_ =	swait.ge [sflag:s23], $0x1  }
0xa3: {  	[sflag:s23] =	ssyncset.done $0x0  }
0xa4: {  	[sflag:s23] =	ssyncadd.s32 $0xFFFFFFFF  }
0xa5: {  	s5 =	sld [smem:$0x0]  }
0xa6: {  	s6 =	sand.u32 $0xFFFFFFFE, s1  }
0xa7: {  	p0 =	sne.s32 s1, s6  }
0xa8: {  	s6 =	sshll.u32 @p0 s6, $0xE  }
0xa9: {  	s6 =	sadd.s32 @p0 $0x11B8D, s6;
	s7 =	sshll.u32 @p0 s5, $0x11  }
0xaa: {  	s6 =	sor.u32 @p0 s7, s6  }
0xab: {  	[sflag:s6] =	ssyncadd.remote.s32 @p0 $0x1;
	_ =	sdelay $0x1  }
0xac: {  	s6 =	simm.s32 @p0 $0x1B8D  }
0xad: {  	_ =	swait.eq @p0 [sflag:s6], $0x1  }
0xae: {  	[sflag:s6] =	ssyncadd.s32 @p0 $0xFFFFFFFF  }
0xaf: {  	s7 =	sshll.u32 @!p0 s1, $0xE  }
0xb0: {  	s7 =	sor.u32 @!p0 $0x4000, s7;
	s6 =	simm.s32 @!p0 $0x1B8D  }
0xb1: {  	s5 =	sshll.u32 @!p0 s5, $0x11;
	s7 =	sadd.s32 @!p0 $0x11B8D, s7;
	_ =	swait.eq @!p0 [sflag:s6], $0x1  }
0xb2: {  	s5 =	sor.u32 @!p0 s5, s7;
	[sflag:s6] =	ssyncadd.s32 @!p0 $0xFFFFFFFF  }
0xb3: {  	s25 =	simm.s32 $0x1B8E;
	s24 =	sld [smem:$0x3FFE];
	[sflag:s5] =	ssyncadd.remote.s32 @!p0 $0x1  }
0xb4: {  	s26 =	simm.s32 $execute0_lowered;
	[smem:$0x3FD2] =	sst s25  }
0xb5: {  	s6 =	sshll.u32 s26, $0x1;
	_ =	strace $0x80000049;
	[dreg:$0x1] =	wrdreg $0xFFFFFFFF  }
0xb6: {  	s28 =	simm.s32 $_size_execute0_lowered;
	s4 =	sadd.s32 s4, s6;
	[dreg:$0x0] =	wrdreg $0x0  }
0xb7: {  	s6 =	sshll.u32 s28, $0x1;
	[dreg:$0x2] =	wrdreg s4  }
0xb8: {  	[dreg:$0x3] =	wrdreg s6  }
0xb9: {  	[dreg:$0x4] =	wrdreg $0xC0  }
0xba: {  	_ =	task [dreg:s22], $0x5FFFF  }
0xbb: {  	[dreg:$0x1] =	wrdreg $0xFFFFFFFF  }
0xbc: {  	[dreg:$0x0] =	wrdreg $0x60  }
0xbd: {  	[dreg:$0x2] =	wrdreg s18  }
0xbe: {  	[dreg:$0x3] =	wrdreg s24  }
0xbf: {  	[dreg:$0x4] =	wrdreg $0x90000  }
0xc0: {  	[dreg:$0x5] =	wrdreg $0xA  }
0xc1: {  	_ =	task.clear_ibuf [dreg:s22], $0x6FFFF;
	_ =	strace $0x90000049  }
0xc2: {  	s29 =	simm.s32 $0xA;
	_ =	strace $0x8000004B  }
0xc3: {  	_ =	swait.ge [sflag:s29], $0x1  }
0xc4: {  	[sflag:s29] =	ssyncadd.s32 $0xFFFFFFFF  }
0xc5: {  	_ =	strace $0x9000004B  }
0xc6: {  	_ =	sfence  }
0xc7: {  	s30 =	sld [smem:$0x0];
	_ =	sdelay $0x2  }
0xc8: {  	s31 =	sshll.u32 s1, $0xD;
	s1 =	sshrl.u32 s1, $0x2  }
0xc9: {  	s4 =	sand.u32 $0x4000, s31;
	s1 =	sadd.s32 s1, s30  }
0xca: {  	s0 =	sor.u32 s4, s0;
	s1 =	sshll.u32 s1, $0x11  }
0xcb: {  	s0 =	sor.u32 s1, s0  }
0xcc: {  	s0 =	sadd.s32 $0x8F2B, s0  }
0xcd: {  	[sflag:s0] =	ssyncadd.remote.s32 $0x1  }
0xce: {  	_ =	sfence.sel $0xFFFF  }
0xcf: {  	[dreg:$0x0] =	wrdreg $0xFFFFFFFF;
	(pc) =	sbr.abs _section_cstart, $3  }
0xd0: {  	[dreg:$0x1] =	wrdreg $0xFFFFFFFF  }
0xd1: {  	_ =	task.clear_ibuf [dreg:s22], $0x2FFFF;
	_ =	strace $0x9FFFFFFF  }
0xd2: {  	(tm) =	ssettm $0x7FFFFFFF  }
0xd3: {  	_ =	shalt  }
tec
execute0_lowered:
.L_overlay_start_1:
0x0: {  	(tag) =	ssettag $0x1  }
0x1: {  	s8 =	rddreg [dreg:$0x0]  }
0x2: {  	s4 =	rddreg [dreg:$0x1]  }
0x3: {  	s2 =	rddreg [dreg:$0x2]  }
0x4: {  	s0 =	rddreg [dreg:$0x3];
	s3 =	srdreg.scid  }
0x5: {  	s1 =	stileid.u32;
	s15 =	simm.s32 $0x1;
	s16 =	simm.s32 $0x50  }
0x6: {  	s17 =	simm.s32 $0x2;
	s18 =	simm.s32 $0x3E00;
	s7 =	smul.u32 $0x14000, s1  }
0x7: {  	s19 =	simm.s32 $0x0;
	s6 =	sand.u32 $0x1, s3;
	s11 =	smul.u32 $0x50000, s1  }
0x8: {  	s5 =	sshll.u32 s1, $0x1;
	s3 =	simm.s32 $0x0;
	s14 =	smul.u32 $0x4E200, s1  }
0x9: {  	s28 =	sshll.u32 s1, $0x6;
	s5 =	sor.u32 s6, s5;
	s9 =	smul.u32 $0x140000, s6  }
0xa: {  	[smem:$0x7FF] =	sst s3;
	s26 =	ssub.s32 $0x2, s6;
	s30 =	smul.u32 $0x27100, s6  }
0xb: {  	s10 =	sshll.u32 s5, $0xB;
	_ =	strace $0x8000004A;
	s12 =	sshrl.u32 s26, $0x1  }
0xc: {  	s11 =	sshrl.u32 s11, $0x2;
	s5 =	smul.u32 $0x138800, s5;
	s31 =	sadd.s32 s14, s8  }
0xd: {  	s14 =	simm.s32 $0x6800;
	s10 =	sadd.s32 s10, s4;
	s9 =	sadd.s32 s7, s9  }
0xe: {  	s7 =	sshrl.u32 s7, $0x3;
	s12 =	ssub.s32 s26, s12;
	s11 =	sadd.s32 s11, s2  }
0xf: {  	s9 =	sshrl.u32 s9, $0x3;
	s7 =	sadd.s32 s7, s4;
	s13 =	sshrl.u32 s5, $0x3  }
0x10: {  	s5 =	sor.u32 $0x1C03, s28;
	s6 =	sadd.s32 $0x6E00, s10;
	s10 =	sadd.s32 s30, s31  }
0x11: {  	s11 =	sshrl.u32 s11, $0x3;
	s9 =	sadd.s32 s9, s4;
	s29 =	sadd.s32 s8, s13  }
0x12: {  	s4 =	sadd.s32 $0x16E00, s7;
	s13 =	simm.s32 $0x4000;
	s7 =	sadd.s32 $0x26C00, s29  }
0x13: {  	s8 =	sadd.s32 $0x8EE00, s9;
	s9 =	smax.u32 s12, $0x1;
	s12 =	simm.s32 $0x3  }
.LBB2_1:
0x14: {  	[spmem:s11], [sflag:s5] =	dma.local [hbm:s4], $0x2800  }
0x15: {  	_ =	swait.ge [sflag:s12], $0x2800  }
0x16: {  	[sflag:s12] =	ssyncset.done $0x0  }
0x17: {  	[sflag:s12] =	ssyncadd.s32 $0xFFFFD800  }
0x18: {  	[tilespmem:s3], [sflag:$0x3] =	stream.linear.gather [hbm4b:s6+s3], $0x3E80, $0x38;
	[tilespmem:$0x1D000] =	vst v63  }
0x19: {  	_ =	swait.ge [sflag:s12], $0x3E80  }
0x1a: {  	[sflag:s12] =	ssyncset.done $0x0  }
0x1b: {  	[sflag:s12] =	ssyncadd.s32 $0xFFFFC180  }
0x1c: {  	[bflag:$0x0] =	sbarrier.arrive $0xFFFF  }
0x1d: {  	[tilespmem:s13], [sflag:$0x1] =	stream.linear.gather [hbm4b:s10+s3], $0x2800, $0x38;
	[tilespmem:$0x1D000] =	vst v63  }
0x1e: {  	s20 =	sadd.s32 $0x500, s10  }
0x1f: {  	[tilespmem:s14], [sflag:$0x2] =	stream.linear.gather [hbm4b:s20+s3], $0x2800, $0x38;
	[tilespmem:$0x1D000] =	vst v63  }
0x20: {  	_ =	swait.ge [sflag:s15], $0x2800  }
0x21: {  	[sflag:s15] =	ssyncset.done $0x0  }
0x22: {  	s30 =	simm.s32 $0x0;
	[sflag:s15] =	ssyncadd.s32 $0xFFFFD800  }
0x23: {  	[spmem:s2] =	stream.indirect.scatter.add.f32 [tilespmem:s13], [sflag:$0x3], $0x80, s30, s16, $0xb8;
	[tilespmem:$0x1D000] =	vst v63  }
0x24: {  	_ =	swait.ge [sflag:s12], $0x2800  }
0x25: {  	[sflag:s12] =	ssyncset.done $0x0  }
0x26: {  	[sflag:s12] =	ssyncadd.s32 $0xFFFFD800  }
0x27: {  	_ =	swait.ge [sflag:s17], $0x2800  }
0x28: {  	[sflag:s17] =	ssyncset.done $0x0  }
0x29: {  	s31 =	simm.s32 $0x80;
	[sflag:s17] =	ssyncadd.s32 $0xFFFFD800  }
0x2a: {  	[spmem:s2] =	stream.indirect.scatter.add.f32 [tilespmem:s14], [sflag:$0x3], $0x80, s31, s16, $0xb8;
	[tilespmem:$0x1D000] =	vst v63  }
0x2b: {  	_ =	swait.ge [sflag:s12], $0x2800  }
0x2c: {  	s21 =	smov.u32 s10;
	s20 =	simm.s32 $0x400;
	[sflag:s12] =	ssyncset.done $0x0  }
.LBB2_2:
0x2d: {  	p0 =	sne.s32 s20, $0xF400;
	[sflag:s12] =	ssyncadd.s32 $0xFFFFD800;
	s21 =	sadd.s32 $0xA00, s21  }
0x2e: {  	[tilespmem:s13], [sflag:$0x1] =	stream.linear.gather [hbm4b:s21+s3], $0x2800, $0x38;
	[tilespmem:$0x1D000] =	vst v63  }
0x2f: {  	s23 =	smov.u32 s20;
	s20 =	sadd.s32 $0x400, s20;
	s22 =	sadd.s32 $0x500, s21  }
0x30: {  	[tilespmem:s14], [sflag:$0x2] =	stream.linear.gather [hbm4b:s22+s3], $0x2800, $0x38;
	[tilespmem:$0x1D000] =	vst v63  }
0x31: {  	_ =	swait.ge [sflag:s15], $0x2800  }
0x32: {  	[sflag:s15] =	ssyncset.done $0x0  }
0x33: {  	s22 =	sshra.s32 s23, $0x2;
	[sflag:s15] =	ssyncadd.s32 $0xFFFFD800  }
0x34: {  	[spmem:s2] =	stream.indirect.scatter.add.f32 [tilespmem:s13], [sflag:$0x3], $0x80, s22, s16, $0xb8;
	[tilespmem:$0x1D000] =	vst v63  }
0x35: {  	_ =	swait.ge [sflag:s12], $0x2800  }
0x36: {  	[sflag:s12] =	ssyncset.done $0x0  }
0x37: {  	[sflag:s12] =	ssyncadd.s32 $0xFFFFD800  }
0x38: {  	_ =	swait.ge [sflag:s17], $0x2800  }
.Ltmp0:
0x39: {  	[sflag:s17] =	ssyncset.done $0x0;
	(pc) =	sbr.rel @p0 .LBB2_2-.Ltmp0, $4  }
0x3a: {  	s22 =	sadd.s32 $0x80, s22;
	[sflag:s17] =	ssyncadd.s32 $0xFFFFD800  }
0x3b: {  	[spmem:s2] =	stream.indirect.scatter.add.f32 [tilespmem:s14], [sflag:$0x3], $0x80, s22, s16, $0xb8;
	[tilespmem:$0x1D000] =	vst v63  }
0x3c: {  	_ =	swait.ge [sflag:s12], $0x2800  }
0x3d: {  	[sflag:s12] =	ssyncset.done $0x0  }
0x3e: {  	[sflag:s12] =	ssyncadd.s32 $0xFFFFD800  }
0x3f: {  	[tilespmem:s13], [sflag:$0x1] =	stream.linear.gather [hbm4b:s7+s3], $0x2800, $0x38;
	[tilespmem:$0x1D000] =	vst v63  }
0x40: {  	_ =	swait.ge [sflag:s15], $0x2800  }
0x41: {  	[sflag:s15] =	ssyncset.done $0x0  }
0x42: {  	[sflag:s15] =	ssyncadd.s32 $0xFFFFD800  }
0x43: {  	[spmem:s2] =	stream.indirect.scatter.add.f32 [tilespmem:s13], [sflag:$0x3], $0x80, s18, s16, $0xb8;
	[tilespmem:$0x1D000] =	vst v63  }
0x44: {  	_ =	swait.ge [sflag:s12], $0x2800  }
0x45: {  	s19 =	sadd.s32 $0x1, s19;
	[sflag:s12] =	ssyncset.done $0x0  }
0x46: {  	p0 =	sne.s32 s19, s9;
	[sflag:s12] =	ssyncadd.s32 $0xFFFFD800  }
.Ltmp1:
0x47: {  	[bflag:$0x0] =	sbarrier.arrive $0xFFFF;
	(pc) =	sbr.rel @p0 .LBB2_1-.Ltmp1, $4  }
0x48: {  	[hbm:s8], [sflag:s5] =	dma.local [spmem:s11], $0x2800  }
0x49: {  	_ =	swait.ge [sflag:s12], $0x2800  }
0x4a: {  	[sflag:s12] =	ssyncset.done $0x0  }
0x4b: {  	[sflag:s12] =	ssyncadd.s32 $0xFFFFD800  }
0x4c: {  	_ =	sfence.sel $0x180000  }
0x4d: {  	[bflag:$0x0] =	sbarrier.arrive $0xFFFF  }
0x4e: {  	p0 =	sne.s32 s1, $0x0;
	_ =	strace $0x9000004A  }
0x4f: {  	s0 =	sadd.s32 @!p0 $0x100000, s0;
	[bflag:$0x2] =	sbarrier.arrive $0xFFFF  }
0x50: {  	[sflag:s0] =	ssyncadd.tile.s32 @!p0 $0x1;
	_ =	shalt  }
.Lfunc_end2:
_tile_overlayer_lowered:
.L_overlay_start_2:
0x51: {  	(tag) =	ssettag $0x2  }
0x52: {  	s0 =	rddreg [dreg:$0x0];
	s2 =	stileid.u32  }
0x53: {  	s1 =	rddreg [dreg:$0x1];
	p0 =	sne.s32 s2, $0x0  }
0x54: {  	s3 =	rddreg [dreg:$0x2];
	[bflag:$0x3] =	sbarrier.arrive $0xFFFF;
	s2 =	simm.s32 @!p0 $0x1C03  }
0x55: {  	[timem:s3], [sflag:s2] =	dma.local @!p0 [hbm:s0], s1  }
0x56: {  	s0 =	simm.s32 @!p0 $0x3  }
0x57: {  	_ =	swait.ge @!p0 [sflag:s0], s1  }
0x58: {  	s1 =	ssub.s32 @!p0 $0x0, s1;
	[sflag:s0] =	ssyncset.done @!p0 $0x0  }
0x59: {  	[sflag:s0] =	ssyncadd.s32 @!p0 s1  }
0x5a: {  	[bflag:$0x3] =	sbarrier.arrive $0xFFFF  }
0x5b: {  	_ =	shalt  }

// kernel: kernel.21.cloned.1.call-start
scs
__scs_entry_jumppad:
0x0: {  	(pc) =	sbr.rel $0x88, $3  }
0x1: {  	(tag) =	ssettag $0x0;
	lr =	simm.s32 $0x1  }
0x2: {  	[smem:$0x3F92] =	sst lr;
	_ =	strace $0xD0000000  }
0x3: {  	_ = 	snop  }
0x4: {  	_ = 	snop  }
0x5: {  	_ = 	snop  }
0x6: {  	_ = 	snop  }
0x7: {  	_ = 	snop  }
__scs_overlays_trampoline_lowered:
0x8: {  	[smem:$0x3FA1] =	sst s0  }
0x9: {  	[smem:$0x3FA2] =	sst s1  }
0xa: {  	[smem:$0x3FA3] =	sst s2  }
0xb: {  	[smem:$0x3FA4] =	sst s3  }
0xc: {  	[smem:$0x3FA5] =	sst s4  }
0xd: {  	[smem:$0x3FA6] =	sst s5  }
0xe: {  	[smem:$0x3FA7] =	sst s6  }
0xf: {  	[smem:$0x3FA8] =	sst s7  }
0x10: {  	[smem:$0x3FA9] =	sst s8  }
0x11: {  	[smem:$0x3FAA] =	sst s9;
	s0 =	simm.s32 @!p0 $0x0  }
0x12: {  	s1 =	sld [smem:$0x3F90];
	s0 =	simm.s32 @p0 $0x1  }
0x13: {  	[smem:$0x3FAB] =	sst s0;
	s0 =	simm.s32 @!p1 $0x0  }
0x14: {  	s2 =	sld [smem:$0x3F8F];
	s0 =	simm.s32 @p1 $0x1  }
0x15: {  	[smem:$0x3FAC] =	sst s0;
	s0 =	simm.s32 @!p2 $0x0  }
0x16: {  	s3 =	sld [smem:$0x3FDB];
	s0 =	simm.s32 @p2 $0x1  }
0x17: {  	s4 =	simm.s32 $0x1BF5;
	[smem:$0x3FAE] =	sst s0  }
0x18: {  	s0 =	sld [smem:$0x3F91];
	_ =	swait.ge [sflag:s4], $0x0  }
0x19: {  	s7 =	sld [smem:$0x3F92]  }
0x1a: {  	s8 =	sadd.s32 $0xFFFFE003, lr  }
0x1b: {  	s9 =	sadd.s32 $0xFFFFFEF7, lr;
	s5 =	simm.s32 $0xFFFFFFFF;
	p2 =	slt.u32 s8, $0xFFFFF086  }
0x1c: {  	p1 =	slt.u32 s9, $0xF7A;
	s5 =	simm.s32 @!p2 $0x0  }
0x1d: {  	s5 =	simm.s32 @p1 $0x1;
	p0 =	seq.s32 s7, s2  }
0x1e: {  	s7 =	smul.u32 @!p0 $0xF7A, s2;
	p2 =	seq.s32 @!p0 s5, $0x0  }
0x1f: {  	s9 =	smul.u32 $0xF7A, s1;
	s8 =	simm.s32 @!p0 $0x1BF5;
	p2 =	por !p2, p0  }
0x20: {  	[sflag:s8] =	ssyncset.s32 @!p0 $0xFFFFF086;
	s6 =	sadd.s32 @!p0 s3, s7;
	s7 =	simm.s32 @!p0 $0x108  }
0x21: {  	s3 =	sadd.s32 s3, s9;
	s6 =	sadd.s32 @!p0 $0x88, s6;
	s7 =	simm.s32 @p2 $0x1082  }
0x22: {  	[simem:s7], [sflag:s8] =	dma.local @!p0 [hbm:s6], $0xF7A  }
0x23: {  	s9 =	sor.u32 $0xD0000000, s2;
	s6 =	simm.s32 $0x108;
	_ =	swait.ge @!p0 [sflag:s8], $0x0  }
0x24: {  	s3 =	sadd.s32 $0x88, s3;
	s6 =	simm.s32 @!p1 $0x1082;
	[sflag:s4] =	ssyncset.s32 $0xFFFFF086  }
0x25: {  	[simem:s6], [sflag:s4] =	dma.local [hbm:s3], $0xF7A  }
0x26: {  	[smem:$0x3F92] =	sst s1;
	(tag) =	ssettag s2;
	_ =	strace s9  }
0x27: {  	s1 =	sld [smem:$0x3FA2]  }
0x28: {  	s2 =	sld [smem:$0x3FA3]  }
0x29: {  	s4 =	sld [smem:$0x3FA5]  }
0x2a: {  	p0 =	seq.s32 s5, $0x0;
	s5 =	sld [smem:$0x3FA6]  }
0x2b: {  	s6 =	sld [smem:$0x3FA7]  }
0x2c: {  	s7 =	sld [smem:$0x3FA8]  }
0x2d: {  	s3 =	simm.s32 $0x108;
	s8 =	sld [smem:$0x3FA9]  }
0x2e: {  	s3 =	simm.s32 @!p0 $0x1082;
	s9 =	sld [smem:$0x3FAA]  }
0x2f: {  	lr =	sadd.s32 s0, s3;
	s0 =	sld [smem:$0x3FA1]  }
0x30: {  	s3 =	sld [smem:$0x3FA4]  }
0x31: {  	[smem:$0x3FAD] =	sst s10  }
0x32: {  	s10 =	sld [smem:$0x3FAB];
	_ =	sdelay $0x3  }
0x33: {  	p0 =	seq.s32 s10, $0x1;
	s10 =	sld [smem:$0x3FAD];
	_ =	sdelay $0x3  }
0x34: {  	[smem:$0x3FAD] =	sst s10  }
0x35: {  	s10 =	sld [smem:$0x3FAC];
	_ =	sdelay $0x3  }
0x36: {  	p1 =	seq.s32 s10, $0x1;
	s10 =	sld [smem:$0x3FAD];
	_ =	sdelay $0x3  }
0x37: {  	[smem:$0x3FAD] =	sst s10  }
0x38: {  	s10 =	sld [smem:$0x3FAE]  }
0x39: {  	_ = 	snop;
	(pc) =	sbr.ind lr, $3  }
0x3a: {  	_ = 	snop  }
0x3b: {  	_ = 	snop  }
0x3c: {  	p2 =	seq.s32 s10, $0x1;
	s10 =	sld [smem:$0x3FAD]  }
0x3d: {  	_ =	shalt  }
0x3e: {  	_ =	shalt  }
0x3f: {  	_ =	shalt  }
0x40: {  	_ =	shalt  }
0x41: {  	_ =	shalt  }
0x42: {  	_ =	shalt  }
0x43: {  	_ =	shalt  }
0x44: {  	_ =	shalt  }
0x45: {  	_ =	shalt  }
0x46: {  	_ =	shalt  }
0x47: {  	_ =	shalt  }
0x48: {  	_ =	shalt  }
0x49: {  	_ =	shalt  }
0x4a: {  	_ =	shalt  }
0x4b: {  	_ =	shalt  }
0x4c: {  	_ =	shalt  }
0x4d: {  	_ =	shalt  }
0x4e: {  	_ =	shalt  }
0x4f: {  	_ =	shalt  }
0x50: {  	_ =	shalt  }
0x51: {  	_ =	shalt  }
0x52: {  	_ =	shalt  }
0x53: {  	_ =	shalt  }
0x54: {  	_ =	shalt  }
0x55: {  	_ =	shalt  }
0x56: {  	_ =	shalt  }
0x57: {  	_ =	shalt  }
0x58: {  	_ =	shalt  }
0x59: {  	_ =	shalt  }
0x5a: {  	_ =	shalt  }
0x5b: {  	_ =	shalt  }
0x5c: {  	_ =	shalt  }
0x5d: {  	_ =	shalt  }
0x5e: {  	_ =	shalt  }
0x5f: {  	_ =	shalt  }
0x60: {  	_ =	shalt  }
0x61: {  	_ =	shalt  }
0x62: {  	_ =	shalt  }
0x63: {  	_ =	shalt  }
0x64: {  	_ =	shalt  }
0x65: {  	_ =	shalt  }
0x66: {  	_ =	shalt  }
0x67: {  	_ =	shalt  }
0x68: {  	_ =	shalt  }
0x69: {  	_ =	shalt  }
0x6a: {  	_ =	shalt  }
0x6b: {  	_ =	shalt  }
0x6c: {  	_ =	shalt  }
0x6d: {  	_ =	shalt  }
0x6e: {  	_ =	shalt  }
0x6f: {  	_ =	shalt  }
0x70: {  	_ =	shalt  }
0x71: {  	_ =	shalt  }
0x72: {  	_ =	shalt  }
0x73: {  	_ =	shalt  }
0x74: {  	_ =	shalt  }
0x75: {  	_ =	shalt  }
0x76: {  	_ =	shalt  }
0x77: {  	_ =	shalt  }
0x78: {  	_ =	shalt  }
0x79: {  	_ =	shalt  }
0x7a: {  	_ =	shalt  }
0x7b: {  	_ =	shalt  }
0x7c: {  	_ =	shalt  }
0x7d: {  	_ =	shalt  }
0x7e: {  	_ =	shalt  }
0x7f: {  	_ =	shalt  }
0x80: {  	_ =	shalt  }
0x81: {  	_ =	shalt  }
0x82: {  	_ =	shalt  }
0x83: {  	_ =	shalt  }
0x84: {  	_ =	shalt  }
0x85: {  	_ =	shalt  }
0x86: {  	_ =	shalt  }
0x87: {  	_ =	shalt  }
.Lfunc_end0:
.L_simem_size_0:
called_computation.2_lowered:
.L_overlay_start_0:
0x88: {  	s2 =	sld [smem:$0x3FD9]  }
0x89: {  	s3 =	sld [smem:$0x3FFE];
	_ =	sdelay $0x1  }
0x8a: {  	s1 =	srdreg.scid  }
0x8b: {  	s0 =	sand.u32 $0x1, s1  }
0x8c: {  	s16 =	sshll.u32 s0, $0xA;
	s2 =	sadd.s32 s3, s2  }
0x8d: {  	s2 =	sadd.s32 s2, s16  }
0x8e: {  	[smem:$0x3FB9] =	sst s2  }
0x8f: {  	_ = 	snop  }
0x90: {  	(tm) =	ssettm $0x1  }
0x91: {  	s17 =	sld [smem:$0x3FFB];
	_ =	sdelay $0x3  }
0x92: {  	_ =	strace s17  }
0x93: {  	s2 =	sld [smem:$0x3FFC];
	_ =	sdelay $0x3  }
0x94: {  	_ =	strace s2  }
0x95: {  	s2 =	sld [smem:$0x3FFD];
	_ =	sdelay $0x3  }
0x96: {  	_ =	strace s2  }
0x97: {  	_ =	strace $0x8FFFFFFF  }
0x98: {  	s18 =	sld [smem:$0x3FDB];
	_ =	sdelay $0x1  }
0x99: {  	s19 =	simm.s32 $_scs_section_size  }
0x9a: {  	s4 =	simm.s32 $_size__tile_overlayer_lowered;
	s5 =	simm.s32 $_tile_overlayer_lowered  }
0x9b: {  	s22 =	simm.s32 $0x1BFF;
	s21 =	sshll.u32 s5, $0x1;
	s2 =	sadd.s32 s19, s18  }
0x9c: {  	s6 =	simm.s32 $0x0;
	s20 =	sshll.u32 s4, $0x1;
	s4 =	sadd.s32 s21, s2  }
0x9d: {  	[timem:s6], [sflag:s22] =	dma.local [hbm:s4], s20  }
0x9e: {  	_ =	swait.ge [sflag:s22], s20  }
0x9f: {  	s3 =	ssub.s32 $0x0, s20;
	[sflag:s22] =	ssyncset.done $0x0  }
0xa0: {  	[sflag:s22] =	ssyncadd.s32 s3;
	_ =	sdelay $0x1  }
0xa1: {  	s23 =	simm.s32 $0x1B8B  }
0xa2: {  	_ =	swait.ge [sflag:s23], $0x1  }
0xa3: {  	[sflag:s23] =	ssyncset.done $0x0  }
0xa4: {  	s25 =	simm.s32 $0x1B8E;
	s24 =	sld [smem:$0x3FFE];
	[sflag:s23] =	ssyncadd.s32 $0xFFFFFFFF  }
0xa5: {  	s26 =	simm.s32 $execute0_lowered;
	[smem:$0x3FD2] =	sst s25  }
0xa6: {  	s4 =	sshll.u32 s26, $0x1;
	_ =	strace $0x8000004C;
	[dreg:$0x1] =	wrdreg $0xFFFFFFFF  }
0xa7: {  	s28 =	simm.s32 $_size_execute0_lowered;
	s2 =	sadd.s32 s2, s4;
	[dreg:$0x0] =	wrdreg $0x0  }
0xa8: {  	s4 =	sshll.u32 s28, $0x1;
	[dreg:$0x2] =	wrdreg s2  }
0xa9: {  	[dreg:$0x3] =	wrdreg s4  }
0xaa: {  	[dreg:$0x4] =	wrdreg $0xC0  }
0xab: {  	_ =	task [dreg:s6], $0x5FFFF  }
0xac: {  	[dreg:$0x1] =	wrdreg $0xFFFFFFFF  }
0xad: {  	[dreg:$0x0] =	wrdreg $0x60  }
0xae: {  	[dreg:$0x2] =	wrdreg s24  }
0xaf: {  	[dreg:$0x3] =	wrdreg $0x9  }
0xb0: {  	_ =	task.clear_ibuf [dreg:s6], $0x4FFFF;
	_ =	strace $0x9000004C  }
0xb1: {  	s29 =	simm.s32 $0x9;
	_ =	strace $0x8000004E  }
0xb2: {  	_ =	swait.ge [sflag:s29], $0x1  }
0xb3: {  	[sflag:s29] =	ssyncadd.s32 $0xFFFFFFFF  }
0xb4: {  	_ =	strace $0x9000004E  }
0xb5: {  	_ =	sfence  }
0xb6: {  	s30 =	sld [smem:$0x0];
	_ =	sdelay $0x2  }
0xb7: {  	s31 =	sshll.u32 s1, $0xD;
	s1 =	sshrl.u32 s1, $0x2  }
0xb8: {  	s3 =	sand.u32 $0x4000, s31;
	s1 =	sadd.s32 s1, s30  }
0xb9: {  	s0 =	sor.u32 s3, s0;
	s1 =	sshll.u32 s1, $0x11  }
0xba: {  	s0 =	sor.u32 s1, s0  }
0xbb: {  	s0 =	sadd.s32 $0x8F2B, s0  }
0xbc: {  	[sflag:s0] =	ssyncadd.remote.s32 $0x1  }
0xbd: {  	_ =	sfence.sel $0xFFFF  }
0xbe: {  	[dreg:$0x0] =	wrdreg $0xFFFFFFFF;
	(pc) =	sbr.abs _section_cstart, $3  }
0xbf: {  	[dreg:$0x1] =	wrdreg $0xFFFFFFFF  }
0xc0: {  	_ =	task.clear_ibuf [dreg:s6], $0x2FFFF;
	_ =	strace $0x9FFFFFFF  }
0xc1: {  	(tm) =	ssettm $0x7FFFFFFF  }
tec
execute0_lowered:
.L_overlay_start_1:
0x0: {  	(tag) =	ssettag $0x1  }
0x1: {  	s4 =	rddreg [dreg:$0x0]  }
0x2: {  	s0 =	rddreg [dreg:$0x1];
	s3 =	srdreg.scid  }
0x3: {  	s1 =	stileid.u32;
	s2 =	simm.s32 $0x0;
	s12 =	simm.s32 $0x9000  }
0x4: {  	s13 =	simm.s32 $0xB800;
	s14 =	simm.s32 $0x1;
	s15 =	simm.s32 $0x2  }
0x5: {  	s16 =	simm.s32 $0x3;
	s17 =	simm.s32 $0x4;
	s18 =	simm.s32 $0x3E00  }
0x6: {  	s19 =	simm.s32 $0x0;
	s5 =	sand.u32 $0x1, s3;
	s28 =	sshll.u32 s1, $0x1  }
0x7: {  	[smem:$0x7FF] =	sst s2;
	s3 =	sadd.s32 $0x3EE00, s4;
	s9 =	sadd.s32 $0x12D200, s4  }
0x8: {  	s10 =	smul.u32 $0x4E200, s1;
	s6 =	sor.u32 s5, s28;
	_ =	strace $0x8000004D  }
0x9: {  	s8 =	ssub.s32 $0x2, s5;
	s11 =	smul.u32 $0x27100, s5;
	s7 =	sshll.u32 s6, $0xB  }
0xa: {  	s6 =	smul.u32 $0x138800, s6;
	s29 =	sshrl.u32 s8, $0x1;
	s31 =	sadd.s32 s10, s9  }
0xb: {  	s10 =	simm.s32 $0x4000;
	s7 =	sadd.s32 s7, s4;
	s8 =	ssub.s32 s8, s29  }
0xc: {  	s6 =	sshrl.u32 s6, $0x3;
	s4 =	sadd.s32 $0x6E00, s7;
	s7 =	sadd.s32 s11, s31  }
0xd: {  	s11 =	simm.s32 $0x6800;
	s30 =	sadd.s32 s9, s6;
	s6 =	smax.u32 s8, $0x1  }
0xe: {  	s8 =	simm.s32 $0x5;
	s9 =	simm.s32 $0x50;
	s5 =	sadd.s32 $0x26C00, s30  }
.LBB2_1:
0xf: {  	[tilespmem:s2], [sflag:$0x5] =	stream.linear.gather [hbm4b:s4+s2], $0x3E80, $0x38;
	[tilespmem:$0xE000] =	vst v63  }
0x10: {  	_ =	swait.ge [sflag:s8], $0x3E80  }
0x11: {  	[sflag:s8] =	ssyncset.done $0x0  }
0x12: {  	[sflag:s8] =	ssyncadd.s32 $0xFFFFC180  }
0x13: {  	[tilespmem:s10], [sflag:$0x1] =	stream.indirect.gather [hbm4b:s3+s9], $0x80, s2, s9, $0xb8;
	[tilespmem:$0xE000] =	vst v63  }
0x14: {  	s20 =	simm.s32 $0x80  }
0x15: {  	[tilespmem:s11], [sflag:$0x2] =	stream.indirect.gather [hbm4b:s3+s9], $0x80, s20, s9, $0xb8;
	[tilespmem:$0xE000] =	vst v63  }
0x16: {  	s28 =	simm.s32 $0x100  }
0x17: {  	[tilespmem:s12], [sflag:$0x3] =	stream.indirect.gather [hbm4b:s3+s9], $0x80, s28, s9, $0xb8;
	[tilespmem:$0xE000] =	vst v63  }
0x18: {  	s29 =	simm.s32 $0x180  }
0x19: {  	[tilespmem:s13], [sflag:$0x4] =	stream.indirect.gather [hbm4b:s3+s9], $0x80, s29, s9, $0xb8;
	[tilespmem:$0xE000] =	vst v63  }
0x1a: {  	_ =	swait.ge [sflag:s14], $0x2800  }
0x1b: {  	[sflag:s14] =	ssyncset.done $0x0  }
0x1c: {  	s30 =	sadd.s32 $0x0, s7;
	[sflag:s14] =	ssyncadd.s32 $0xFFFFD800  }
0x1d: {  	[hbm4b:s30+s2] =	stream.linear.scatter [tilespmem:s10], [sflag:$0x5], $0x2800, $0x38;
	[tilespmem:$0xE000] =	vst v63  }
0x1e: {  	_ =	swait.ge [sflag:s8], $0x2800  }
0x1f: {  	[sflag:s8] =	ssyncset.done $0x0  }
0x20: {  	[sflag:s8] =	ssyncadd.s32 $0xFFFFD800  }
0x21: {  	_ =	swait.ge [sflag:s15], $0x2800  }
0x22: {  	[sflag:s15] =	ssyncset.done $0x0  }
0x23: {  	s21 =	sadd.s32 $0x500, s30;
	[sflag:s15] =	ssyncadd.s32 $0xFFFFD800  }
0x24: {  	[hbm4b:s21+s2] =	stream.linear.scatter [tilespmem:s11], [sflag:$0x5], $0x2800, $0x38;
	[tilespmem:$0xE000] =	vst v63  }
0x25: {  	_ =	swait.ge [sflag:s8], $0x2800  }
0x26: {  	[sflag:s8] =	ssyncset.done $0x0  }
0x27: {  	[sflag:s8] =	ssyncadd.s32 $0xFFFFD800  }
0x28: {  	_ =	swait.ge [sflag:s16], $0x2800  }
0x29: {  	[sflag:s16] =	ssyncset.done $0x0  }
0x2a: {  	s31 =	sadd.s32 $0xA00, s30;
	[sflag:s16] =	ssyncadd.s32 $0xFFFFD800  }
0x2b: {  	[hbm4b:s31+s2] =	stream.linear.scatter [tilespmem:s12], [sflag:$0x5], $0x2800, $0x38;
	[tilespmem:$0xE000] =	vst v63  }
0x2c: {  	_ =	swait.ge [sflag:s8], $0x2800  }
0x2d: {  	[sflag:s8] =	ssyncset.done $0x0  }
0x2e: {  	[sflag:s8] =	ssyncadd.s32 $0xFFFFD800  }
0x2f: {  	_ =	swait.ge [sflag:s17], $0x2800  }
0x30: {  	[sflag:s17] =	ssyncset.done $0x0  }
0x31: {  	s20 =	sadd.s32 $0xF00, s30;
	[sflag:s17] =	ssyncadd.s32 $0xFFFFD800  }
0x32: {  	[hbm4b:s20+s2] =	stream.linear.scatter [tilespmem:s13], [sflag:$0x5], $0x2800, $0x38;
	[tilespmem:$0xE000] =	vst v63  }
0x33: {  	_ =	swait.ge [sflag:s8], $0x2800  }
0x34: {  	s21 =	simm.s32 $0x0;
	s20 =	simm.s32 $0x1400;
	[sflag:s8] =	ssyncset.done $0x0  }
.LBB2_2:
0x35: {  	p0 =	sne.s32 s20, $0x25800;
	[sflag:s8] =	ssyncadd.s32 $0xFFFFD800;
	s21 =	sadd.s32 $0x200, s21  }
0x36: {  	[tilespmem:s10], [sflag:$0x1] =	stream.indirect.gather [hbm4b:s3+s9], $0x80, s21, s9, $0xb8;
	[tilespmem:$0xE000] =	vst v63  }
0x37: {  	s23 =	smov.u32 s20;
	s20 =	sadd.s32 $0x1400, s20;
	s22 =	sadd.s32 $0x80, s21  }
0x38: {  	[tilespmem:s11], [sflag:$0x2] =	stream.indirect.gather [hbm4b:s3+s9], $0x80, s22, s9, $0xb8;
	[tilespmem:$0xE000] =	vst v63  }
0x39: {  	s22 =	sadd.s32 $0x100, s21  }
0x3a: {  	[tilespmem:s12], [sflag:$0x3] =	stream.indirect.gather [hbm4b:s3+s9], $0x80, s22, s9, $0xb8;
	[tilespmem:$0xE000] =	vst v63  }
0x3b: {  	s22 =	sadd.s32 $0x180, s21  }
0x3c: {  	[tilespmem:s13], [sflag:$0x4] =	stream.indirect.gather [hbm4b:s3+s9], $0x80, s22, s9, $0xb8;
	[tilespmem:$0xE000] =	vst v63  }
0x3d: {  	_ =	swait.ge [sflag:s14], $0x2800  }
0x3e: {  	[sflag:s14] =	ssyncset.done $0x0  }
0x3f: {  	s22 =	sadd.s32 s23, s7;
	[sflag:s14] =	ssyncadd.s32 $0xFFFFD800  }
0x40: {  	[hbm4b:s22+s2] =	stream.linear.scatter [tilespmem:s10], [sflag:$0x5], $0x2800, $0x38;
	[tilespmem:$0xE000] =	vst v63  }
0x41: {  	_ =	swait.ge [sflag:s8], $0x2800  }
0x42: {  	[sflag:s8] =	ssyncset.done $0x0  }
0x43: {  	[sflag:s8] =	ssyncadd.s32 $0xFFFFD800  }
0x44: {  	_ =	swait.ge [sflag:s15], $0x2800  }
0x45: {  	[sflag:s15] =	ssyncset.done $0x0  }
0x46: {  	s23 =	sadd.s32 $0x500, s22;
	[sflag:s15] =	ssyncadd.s32 $0xFFFFD800  }
0x47: {  	[hbm4b:s23+s2] =	stream.linear.scatter [tilespmem:s11], [sflag:$0x5], $0x2800, $0x38;
	[tilespmem:$0xE000] =	vst v63  }
0x48: {  	_ =	swait.ge [sflag:s8], $0x2800  }
0x49: {  	[sflag:s8] =	ssyncset.done $0x0  }
0x4a: {  	[sflag:s8] =	ssyncadd.s32 $0xFFFFD800  }
0x4b: {  	_ =	swait.ge [sflag:s16], $0x2800  }
0x4c: {  	[sflag:s16] =	ssyncset.done $0x0  }
0x4d: {  	s23 =	sadd.s32 $0xA00, s22;
	[sflag:s16] =	ssyncadd.s32 $0xFFFFD800  }
0x4e: {  	[hbm4b:s23+s2] =	stream.linear.scatter [tilespmem:s12], [sflag:$0x5], $0x2800, $0x38;
	[tilespmem:$0xE000] =	vst v63  }
0x4f: {  	_ =	swait.ge [sflag:s8], $0x2800  }
0x50: {  	[sflag:s8] =	ssyncset.done $0x0  }
0x51: {  	[sflag:s8] =	ssyncadd.s32 $0xFFFFD800  }
0x52: {  	_ =	swait.ge [sflag:s17], $0x2800  }
.Ltmp0:
0x53: {  	[sflag:s17] =	ssyncset.done $0x0;
	(pc) =	sbr.rel @p0 .LBB2_2-.Ltmp0, $4  }
0x54: {  	s22 =	sadd.s32 $0xF00, s22;
	[sflag:s17] =	ssyncadd.s32 $0xFFFFD800  }
0x55: {  	[hbm4b:s22+s2] =	stream.linear.scatter [tilespmem:s13], [sflag:$0x5], $0x2800, $0x38;
	[tilespmem:$0xE000] =	vst v63  }
0x56: {  	_ =	swait.ge [sflag:s8], $0x2800  }
0x57: {  	[sflag:s8] =	ssyncset.done $0x0  }
0x58: {  	[sflag:s8] =	ssyncadd.s32 $0xFFFFD800  }
0x59: {  	[tilespmem:s10], [sflag:$0x1] =	stream.indirect.gather [hbm4b:s3+s9], $0x80, s18, s9, $0xb8;
	[tilespmem:$0xE000] =	vst v63  }
0x5a: {  	s19 =	sadd.s32 $0x1, s19;
	_ =	swait.ge [sflag:s14], $0x2800  }
0x5b: {  	p0 =	sne.s32 s19, s6;
	[sflag:s14] =	ssyncset.done $0x0  }
.Ltmp1:
0x5c: {  	[sflag:s14] =	ssyncadd.s32 $0xFFFFD800;
	(pc) =	sbr.rel @p0 .LBB2_1-.Ltmp1, $4  }
0x5d: {  	[hbm4b:s5+s2] =	stream.linear.scatter [tilespmem:s10], [sflag:$0x5], $0x2800, $0x38;
	[tilespmem:$0xE000] =	vst v63  }
0x5e: {  	_ =	swait.ge [sflag:s8], $0x2800  }
0x5f: {  	[sflag:s8] =	ssyncset.done $0x0  }
0x60: {  	[sflag:s8] =	ssyncadd.s32 $0xFFFFD800  }
0x61: {  	_ =	sfence.sel $0x180000  }
0x62: {  	[bflag:$0x0] =	sbarrier.arrive $0xFFFF  }
0x63: {  	p0 =	sne.s32 s1, $0x0;
	_ =	strace $0x9000004D  }
0x64: {  	s0 =	sadd.s32 @!p0 $0x100000, s0;
	[bflag:$0x2] =	sbarrier.arrive $0xFFFF  }
0x65: {  	[sflag:s0] =	ssyncadd.tile.s32 @!p0 $0x1;
	_ =	shalt  }
.Lfunc_end2:
_tile_overlayer_lowered:
.L_overlay_start_2:
0x66: {  	(tag) =	ssettag $0x2  }
0x67: {  	s0 =	rddreg [dreg:$0x0];
	s2 =	stileid.u32  }
0x68: {  	s1 =	rddreg [dreg:$0x1];
	p0 =	sne.s32 s2, $0x0  }
0x69: {  	s3 =	rddreg [dreg:$0x2];
	[bflag:$0x3] =	sbarrier.arrive $0xFFFF;
	s2 =	simm.s32 @!p0 $0x1C05  }
0x6a: {  	[timem:s3], [sflag:s2] =	dma.local @!p0 [hbm:s0], s1  }
0x6b: {  	s0 =	simm.s32 @!p0 $0x5  }
0x6c: {  	_ =	swait.ge @!p0 [sflag:s0], s1  }
0x6d: {  	s1 =	ssub.s32 @!p0 $0x0, s1;
	[sflag:s0] =	ssyncset.done @!p0 $0x0  }
0x6e: {  	[sflag:s0] =	ssyncadd.s32 @!p0 s1  }
0x6f: {  	[bflag:$0x3] =	sbarrier.arrive $0xFFFF  }
0x70: {  	_ =	shalt  }

// kernel: kernel.24.cloned.1.call-start
scs
__scs_entry_jumppad:
0x0: {  	(pc) =	sbr.rel $0x88, $3  }
0x1: {  	(tag) =	ssettag $0x0;
	lr =	simm.s32 $0x1  }
0x2: {  	[smem:$0x3F92] =	sst lr;
	_ =	strace $0xD0000000  }
0x3: {  	_ = 	snop  }
0x4: {  	_ = 	snop  }
0x5: {  	_ = 	snop  }
0x6: {  	_ = 	snop  }
0x7: {  	_ = 	snop  }
__scs_overlays_trampoline_lowered:
0x8: {  	[smem:$0x3FA1] =	sst s0  }
0x9: {  	[smem:$0x3FA2] =	sst s1  }
0xa: {  	[smem:$0x3FA3] =	sst s2  }
0xb: {  	[smem:$0x3FA4] =	sst s3  }
0xc: {  	[smem:$0x3FA5] =	sst s4  }
0xd: {  	[smem:$0x3FA6] =	sst s5  }
0xe: {  	[smem:$0x3FA7] =	sst s6  }
0xf: {  	[smem:$0x3FA8] =	sst s7  }
0x10: {  	[smem:$0x3FA9] =	sst s8  }
0x11: {  	[smem:$0x3FAA] =	sst s9;
	s0 =	simm.s32 @!p0 $0x0  }
0x12: {  	s1 =	sld [smem:$0x3F90];
	s0 =	simm.s32 @p0 $0x1  }
0x13: {  	[smem:$0x3FAB] =	sst s0;
	s0 =	simm.s32 @!p1 $0x0  }
0x14: {  	s2 =	sld [smem:$0x3F8F];
	s0 =	simm.s32 @p1 $0x1  }
0x15: {  	[smem:$0x3FAC] =	sst s0;
	s0 =	simm.s32 @!p2 $0x0  }
0x16: {  	s3 =	sld [smem:$0x3FDB];
	s0 =	simm.s32 @p2 $0x1  }
0x17: {  	s4 =	simm.s32 $0x1BF5;
	[smem:$0x3FAE] =	sst s0  }
0x18: {  	s0 =	sld [smem:$0x3F91];
	_ =	swait.ge [sflag:s4], $0x0  }
0x19: {  	s7 =	sld [smem:$0x3F92]  }
0x1a: {  	s8 =	sadd.s32 $0xFFFFE003, lr  }
0x1b: {  	s9 =	sadd.s32 $0xFFFFFEF7, lr;
	s5 =	simm.s32 $0xFFFFFFFF;
	p2 =	slt.u32 s8, $0xFFFFF086  }
0x1c: {  	p1 =	slt.u32 s9, $0xF7A;
	s5 =	simm.s32 @!p2 $0x0  }
0x1d: {  	s5 =	simm.s32 @p1 $0x1;
	p0 =	seq.s32 s7, s2  }
0x1e: {  	s7 =	smul.u32 @!p0 $0xF7A, s2;
	p2 =	seq.s32 @!p0 s5, $0x0  }
0x1f: {  	s9 =	smul.u32 $0xF7A, s1;
	s8 =	simm.s32 @!p0 $0x1BF5;
	p2 =	por !p2, p0  }
0x20: {  	[sflag:s8] =	ssyncset.s32 @!p0 $0xFFFFF086;
	s6 =	sadd.s32 @!p0 s3, s7;
	s7 =	simm.s32 @!p0 $0x108  }
0x21: {  	s3 =	sadd.s32 s3, s9;
	s6 =	sadd.s32 @!p0 $0x88, s6;
	s7 =	simm.s32 @p2 $0x1082  }
0x22: {  	[simem:s7], [sflag:s8] =	dma.local @!p0 [hbm:s6], $0xF7A  }
0x23: {  	s9 =	sor.u32 $0xD0000000, s2;
	s6 =	simm.s32 $0x108;
	_ =	swait.ge @!p0 [sflag:s8], $0x0  }
0x24: {  	s3 =	sadd.s32 $0x88, s3;
	s6 =	simm.s32 @!p1 $0x1082;
	[sflag:s4] =	ssyncset.s32 $0xFFFFF086  }
0x25: {  	[simem:s6], [sflag:s4] =	dma.local [hbm:s3], $0xF7A  }
0x26: {  	[smem:$0x3F92] =	sst s1;
	(tag) =	ssettag s2;
	_ =	strace s9  }
0x27: {  	s1 =	sld [smem:$0x3FA2]  }
0x28: {  	s2 =	sld [smem:$0x3FA3]  }
0x29: {  	s4 =	sld [smem:$0x3FA5]  }
0x2a: {  	p0 =	seq.s32 s5, $0x0;
	s5 =	sld [smem:$0x3FA6]  }
0x2b: {  	s6 =	sld [smem:$0x3FA7]  }
0x2c: {  	s7 =	sld [smem:$0x3FA8]  }
0x2d: {  	s3 =	simm.s32 $0x108;
	s8 =	sld [smem:$0x3FA9]  }
0x2e: {  	s3 =	simm.s32 @!p0 $0x1082;
	s9 =	sld [smem:$0x3FAA]  }
0x2f: {  	lr =	sadd.s32 s0, s3;
	s0 =	sld [smem:$0x3FA1]  }
0x30: {  	s3 =	sld [smem:$0x3FA4]  }
0x31: {  	[smem:$0x3FAD] =	sst s10  }
0x32: {  	s10 =	sld [smem:$0x3FAB];
	_ =	sdelay $0x3  }
0x33: {  	p0 =	seq.s32 s10, $0x1;
	s10 =	sld [smem:$0x3FAD];
	_ =	sdelay $0x3  }
0x34: {  	[smem:$0x3FAD] =	sst s10  }
0x35: {  	s10 =	sld [smem:$0x3FAC];
	_ =	sdelay $0x3  }
0x36: {  	p1 =	seq.s32 s10, $0x1;
	s10 =	sld [smem:$0x3FAD];
	_ =	sdelay $0x3  }
0x37: {  	[smem:$0x3FAD] =	sst s10  }
0x38: {  	s10 =	sld [smem:$0x3FAE]  }
0x39: {  	_ = 	snop;
	(pc) =	sbr.ind lr, $3  }
0x3a: {  	_ = 	snop  }
0x3b: {  	_ = 	snop  }
0x3c: {  	p2 =	seq.s32 s10, $0x1;
	s10 =	sld [smem:$0x3FAD]  }
0x3d: {  	_ =	shalt  }
0x3e: {  	_ =	shalt  }
0x3f: {  	_ =	shalt  }
0x40: {  	_ =	shalt  }
0x41: {  	_ =	shalt  }
0x42: {  	_ =	shalt  }
0x43: {  	_ =	shalt  }
0x44: {  	_ =	shalt  }
0x45: {  	_ =	shalt  }
0x46: {  	_ =	shalt  }
0x47: {  	_ =	shalt  }
0x48: {  	_ =	shalt  }
0x49: {  	_ =	shalt  }
0x4a: {  	_ =	shalt  }
0x4b: {  	_ =	shalt  }
0x4c: {  	_ =	shalt  }
0x4d: {  	_ =	shalt  }
0x4e: {  	_ =	shalt  }
0x4f: {  	_ =	shalt  }
0x50: {  	_ =	shalt  }
0x51: {  	_ =	shalt  }
0x52: {  	_ =	shalt  }
0x53: {  	_ =	shalt  }
0x54: {  	_ =	shalt  }
0x55: {  	_ =	shalt  }
0x56: {  	_ =	shalt  }
0x57: {  	_ =	shalt  }
0x58: {  	_ =	shalt  }
0x59: {  	_ =	shalt  }
0x5a: {  	_ =	shalt  }
0x5b: {  	_ =	shalt  }
0x5c: {  	_ =	shalt  }
0x5d: {  	_ =	shalt  }
0x5e: {  	_ =	shalt  }
0x5f: {  	_ =	shalt  }
0x60: {  	_ =	shalt  }
0x61: {  	_ =	shalt  }
0x62: {  	_ =	shalt  }
0x63: {  	_ =	shalt  }
0x64: {  	_ =	shalt  }
0x65: {  	_ =	shalt  }
0x66: {  	_ =	shalt  }
0x67: {  	_ =	shalt  }
0x68: {  	_ =	shalt  }
0x69: {  	_ =	shalt  }
0x6a: {  	_ =	shalt  }
0x6b: {  	_ =	shalt  }
0x6c: {  	_ =	shalt  }
0x6d: {  	_ =	shalt  }
0x6e: {  	_ =	shalt  }
0x6f: {  	_ =	shalt  }
0x70: {  	_ =	shalt  }
0x71: {  	_ =	shalt  }
0x72: {  	_ =	shalt  }
0x73: {  	_ =	shalt  }
0x74: {  	_ =	shalt  }
0x75: {  	_ =	shalt  }
0x76: {  	_ =	shalt  }
0x77: {  	_ =	shalt  }
0x78: {  	_ =	shalt  }
0x79: {  	_ =	shalt  }
0x7a: {  	_ =	shalt  }
0x7b: {  	_ =	shalt  }
0x7c: {  	_ =	shalt  }
0x7d: {  	_ =	shalt  }
0x7e: {  	_ =	shalt  }
0x7f: {  	_ =	shalt  }
0x80: {  	_ =	shalt  }
0x81: {  	_ =	shalt  }
0x82: {  	_ =	shalt  }
0x83: {  	_ =	shalt  }
0x84: {  	_ =	shalt  }
0x85: {  	_ =	shalt  }
0x86: {  	_ =	shalt  }
0x87: {  	_ =	shalt  }
.Lfunc_end0:
.L_simem_size_0:
called_computation.3_lowered:
.L_overlay_start_0:
0x88: {  	s2 =	sld [smem:$0x3FD9]  }
0x89: {  	s3 =	sld [smem:$0x3FFE];
	_ =	sdelay $0x1  }
0x8a: {  	s1 =	srdreg.scid  }
0x8b: {  	s0 =	sand.u32 $0x1, s1  }
0x8c: {  	s16 =	sshll.u32 s0, $0xA;
	s2 =	sadd.s32 s3, s2  }
0x8d: {  	s2 =	sadd.s32 s2, s16  }
0x8e: {  	[smem:$0x3FB9] =	sst s2  }
0x8f: {  	_ = 	snop  }
0x90: {  	(tm) =	ssettm $0x1  }
0x91: {  	s17 =	sld [smem:$0x3FFB];
	_ =	sdelay $0x3  }
0x92: {  	_ =	strace s17  }
0x93: {  	s2 =	sld [smem:$0x3FFC];
	_ =	sdelay $0x3  }
0x94: {  	_ =	strace s2  }
0x95: {  	s2 =	sld [smem:$0x3FFD];
	_ =	sdelay $0x3  }
0x96: {  	_ =	strace s2  }
0x97: {  	_ =	strace $0x8FFFFFFF  }
0x98: {  	s18 =	sld [smem:$0x3FDB];
	_ =	sdelay $0x1  }
0x99: {  	s19 =	simm.s32 $_scs_section_size  }
0x9a: {  	s4 =	simm.s32 $_size__tile_overlayer_lowered;
	s5 =	simm.s32 $_tile_overlayer_lowered  }
0x9b: {  	s22 =	simm.s32 $0x1BFF;
	s21 =	sshll.u32 s5, $0x1;
	s2 =	sadd.s32 s19, s18  }
0x9c: {  	s6 =	simm.s32 $0x0;
	s20 =	sshll.u32 s4, $0x1;
	s4 =	sadd.s32 s21, s2  }
0x9d: {  	[timem:s6], [sflag:s22] =	dma.local [hbm:s4], s20  }
0x9e: {  	_ =	swait.ge [sflag:s22], s20  }
0x9f: {  	s3 =	ssub.s32 $0x0, s20;
	[sflag:s22] =	ssyncset.done $0x0  }
0xa0: {  	[sflag:s22] =	ssyncadd.s32 s3;
	_ =	sdelay $0x1  }
0xa1: {  	s23 =	simm.s32 $0x1B8B  }
0xa2: {  	_ =	swait.ge [sflag:s23], $0x1  }
0xa3: {  	[sflag:s23] =	ssyncset.done $0x0  }
0xa4: {  	s25 =	simm.s32 $0x1B8E;
	s24 =	sld [smem:$0x3FFE];
	[sflag:s23] =	ssyncadd.s32 $0xFFFFFFFF  }
0xa5: {  	s26 =	simm.s32 $execute0_lowered;
	[smem:$0x3FD2] =	sst s25  }
0xa6: {  	s4 =	sshll.u32 s26, $0x1;
	_ =	strace $0x8000004F;
	[dreg:$0x1] =	wrdreg $0xFFFFFFFF  }
0xa7: {  	s28 =	simm.s32 $_size_execute0_lowered;
	s2 =	sadd.s32 s2, s4;
	[dreg:$0x0] =	wrdreg $0x0  }
0xa8: {  	s4 =	sshll.u32 s28, $0x1;
	[dreg:$0x2] =	wrdreg s2  }
0xa9: {  	[dreg:$0x3] =	wrdreg s4  }
0xaa: {  	[dreg:$0x4] =	wrdreg $0xC0  }
0xab: {  	_ =	task [dreg:s6], $0x5FFFF  }
0xac: {  	[dreg:$0x1] =	wrdreg $0xFFFFFFFF  }
0xad: {  	[dreg:$0x0] =	wrdreg $0x60  }
0xae: {  	[dreg:$0x2] =	wrdreg s24  }
0xaf: {  	[dreg:$0x3] =	wrdreg $0x90000  }
0xb0: {  	[dreg:$0x4] =	wrdreg $0x9  }
0xb1: {  	_ =	task.clear_ibuf [dreg:s6], $0x5FFFF;
	_ =	strace $0x9000004F  }
0xb2: {  	s29 =	simm.s32 $0x9;
	_ =	strace $0x80000051  }
0xb3: {  	_ =	swait.ge [sflag:s29], $0x1  }
0xb4: {  	[sflag:s29] =	ssyncadd.s32 $0xFFFFFFFF  }
0xb5: {  	_ =	strace $0x90000051  }
0xb6: {  	_ =	sfence  }
0xb7: {  	s30 =	sld [smem:$0x0];
	_ =	sdelay $0x2  }
0xb8: {  	s31 =	sshll.u32 s1, $0xD;
	s1 =	sshrl.u32 s1, $0x2  }
0xb9: {  	s3 =	sand.u32 $0x4000, s31;
	s1 =	sadd.s32 s1, s30  }
0xba: {  	s0 =	sor.u32 s3, s0;
	s1 =	sshll.u32 s1, $0x11  }
0xbb: {  	s0 =	sor.u32 s1, s0  }
0xbc: {  	s0 =	sadd.s32 $0x8F2B, s0  }
0xbd: {  	[sflag:s0] =	ssyncadd.remote.s32 $0x1  }
0xbe: {  	_ =	sfence.sel $0xFFFF  }
0xbf: {  	[dreg:$0x0] =	wrdreg $0xFFFFFFFF;
	(pc) =	sbr.abs _section_cstart, $3  }
0xc0: {  	[dreg:$0x1] =	wrdreg $0xFFFFFFFF  }
0xc1: {  	_ =	task.clear_ibuf [dreg:s6], $0x2FFFF;
	_ =	strace $0x9FFFFFFF  }
0xc2: {  	(tm) =	ssettm $0x7FFFFFFF  }
0xc3: {  	_ =	shalt  }
tec
execute0_lowered:
.L_overlay_start_1:
0x0: {  	(tag) =	ssettag $0x1  }
0x1: {  	s4 =	rddreg [dreg:$0x0]  }
0x2: {  	s2 =	rddreg [dreg:$0x1]  }
0x3: {  	s0 =	rddreg [dreg:$0x2];
	s3 =	simm.s32 $0x0;
	s5 =	srdreg.scid  }
0x4: {  	s1 =	stileid.u32;
	s15 =	simm.s32 $0x1;
	s16 =	simm.s32 $0x50  }
0x5: {  	s17 =	simm.s32 $0x2;
	s18 =	simm.s32 $0x3E00;
	s19 =	simm.s32 $0x0  }
0x6: {  	s6 =	sand.u32 $0x1, s5;
	s26 =	sshll.u32 s1, $0x1;
	s7 =	smul.u32 $0x14000, s1  }
0x7: {  	[smem:$0x7FF] =	sst s3;
	s10 =	sadd.s32 $0x60F200, s4;
	s11 =	smul.u32 $0x50000, s1  }
0x8: {  	s29 =	sshll.u32 s1, $0x6;
	s14 =	smul.u32 $0x4E200, s1;
	s5 =	sor.u32 s6, s26  }
0x9: {  	s8 =	smul.u32 $0x140000, s6;
	_ =	strace $0x80000050;
	s28 =	ssub.s32 $0x2, s6  }
0xa: {  	s31 =	smul.u32 $0x27100, s6;
	s9 =	sshll.u32 s5, $0xB;
	s12 =	sshrl.u32 s28, $0x1  }
0xb: {  	s11 =	sshrl.u32 s11, $0x2;
	s5 =	smul.u32 $0x138800, s5;
	s9 =	sadd.s32 s9, s4  }
0xc: {  	s8 =	sadd.s32 s7, s8;
	s7 =	sshrl.u32 s7, $0x3;
	s12 =	ssub.s32 s28, s12  }
0xd: {  	s11 =	sadd.s32 s11, s2;
	s8 =	sshrl.u32 s8, $0x3;
	s7 =	sadd.s32 s7, s4  }
0xe: {  	s13 =	sshrl.u32 s5, $0x3;
	s5 =	sor.u32 $0x1C03, s29;
	s6 =	sadd.s32 $0x6E00, s9  }
0xf: {  	s9 =	smax.u32 s12, $0x1;
	s11 =	sshrl.u32 s11, $0x3;
	s12 =	simm.s32 $0x3  }
0x10: {  	s8 =	sadd.s32 s8, s4;
	s4 =	sadd.s32 $0x16E00, s7;
	s30 =	sadd.s32 s10, s13  }
0x11: {  	s10 =	sadd.s32 s14, s10;
	s13 =	simm.s32 $0x4000;
	s14 =	simm.s32 $0x6800  }
0x12: {  	s7 =	sadd.s32 $0x26C00, s30;
	s8 =	sadd.s32 $0x66800, s8;
	s10 =	sadd.s32 s31, s10  }
.LBB2_1:
0x13: {  	[spmem:s11], [sflag:s5] =	dma.local [hbm:s4], $0x2800  }
0x14: {  	_ =	swait.ge [sflag:s12], $0x2800  }
0x15: {  	[sflag:s12] =	ssyncset.done $0x0  }
0x16: {  	[sflag:s12] =	ssyncadd.s32 $0xFFFFD800  }
0x17: {  	[tilespmem:s3], [sflag:$0x3] =	stream.linear.gather [hbm4b:s6+s3], $0x3E80, $0x38;
	[tilespmem:$0x1D000] =	vst v63  }
0x18: {  	_ =	swait.ge [sflag:s12], $0x3E80  }
0x19: {  	[sflag:s12] =	ssyncset.done $0x0  }
0x1a: {  	[sflag:s12] =	ssyncadd.s32 $0xFFFFC180  }
0x1b: {  	[bflag:$0x0] =	sbarrier.arrive $0xFFFF  }
0x1c: {  	[tilespmem:s13], [sflag:$0x1] =	stream.linear.gather [hbm4b:s10+s3], $0x2800, $0x38;
	[tilespmem:$0x1D000] =	vst v63  }
0x1d: {  	s20 =	sadd.s32 $0x500, s10  }
0x1e: {  	[tilespmem:s14], [sflag:$0x2] =	stream.linear.gather [hbm4b:s20+s3], $0x2800, $0x38;
	[tilespmem:$0x1D000] =	vst v63  }
0x1f: {  	_ =	swait.ge [sflag:s15], $0x2800  }
0x20: {  	[sflag:s15] =	ssyncset.done $0x0  }
0x21: {  	s30 =	simm.s32 $0x0;
	[sflag:s15] =	ssyncadd.s32 $0xFFFFD800  }
0x22: {  	[spmem:s2] =	stream.indirect.scatter.add.f32 [tilespmem:s13], [sflag:$0x3], $0x80, s30, s16, $0xb8;
	[tilespmem:$0x1D000] =	vst v63  }
0x23: {  	_ =	swait.ge [sflag:s12], $0x2800  }
0x24: {  	[sflag:s12] =	ssyncset.done $0x0  }
0x25: {  	[sflag:s12] =	ssyncadd.s32 $0xFFFFD800  }
0x26: {  	_ =	swait.ge [sflag:s17], $0x2800  }
0x27: {  	[sflag:s17] =	ssyncset.done $0x0  }
0x28: {  	s31 =	simm.s32 $0x80;
	[sflag:s17] =	ssyncadd.s32 $0xFFFFD800  }
0x29: {  	[spmem:s2] =	stream.indirect.scatter.add.f32 [tilespmem:s14], [sflag:$0x3], $0x80, s31, s16, $0xb8;
	[tilespmem:$0x1D000] =	vst v63  }
0x2a: {  	_ =	swait.ge [sflag:s12], $0x2800  }
0x2b: {  	s21 =	smov.u32 s10;
	s20 =	simm.s32 $0x400;
	[sflag:s12] =	ssyncset.done $0x0  }
.LBB2_2:
0x2c: {  	p0 =	sne.s32 s20, $0xF400;
	[sflag:s12] =	ssyncadd.s32 $0xFFFFD800;
	s21 =	sadd.s32 $0xA00, s21  }
0x2d: {  	[tilespmem:s13], [sflag:$0x1] =	stream.linear.gather [hbm4b:s21+s3], $0x2800, $0x38;
	[tilespmem:$0x1D000] =	vst v63  }
0x2e: {  	s23 =	smov.u32 s20;
	s20 =	sadd.s32 $0x400, s20;
	s22 =	sadd.s32 $0x500, s21  }
0x2f: {  	[tilespmem:s14], [sflag:$0x2] =	stream.linear.gather [hbm4b:s22+s3], $0x2800, $0x38;
	[tilespmem:$0x1D000] =	vst v63  }
0x30: {  	_ =	swait.ge [sflag:s15], $0x2800  }
0x31: {  	[sflag:s15] =	ssyncset.done $0x0  }
0x32: {  	s22 =	sshra.s32 s23, $0x2;
	[sflag:s15] =	ssyncadd.s32 $0xFFFFD800  }
0x33: {  	[spmem:s2] =	stream.indirect.scatter.add.f32 [tilespmem:s13], [sflag:$0x3], $0x80, s22, s16, $0xb8;
	[tilespmem:$0x1D000] =	vst v63  }
0x34: {  	_ =	swait.ge [sflag:s12], $0x2800  }
0x35: {  	[sflag:s12] =	ssyncset.done $0x0  }
0x36: {  	[sflag:s12] =	ssyncadd.s32 $0xFFFFD800  }
0x37: {  	_ =	swait.ge [sflag:s17], $0x2800  }
.Ltmp0:
0x38: {  	[sflag:s17] =	ssyncset.done $0x0;
	(pc) =	sbr.rel @p0 .LBB2_2-.Ltmp0, $4  }
0x39: {  	s22 =	sadd.s32 $0x80, s22;
	[sflag:s17] =	ssyncadd.s32 $0xFFFFD800  }
0x3a: {  	[spmem:s2] =	stream.indirect.scatter.add.f32 [tilespmem:s14], [sflag:$0x3], $0x80, s22, s16, $0xb8;
	[tilespmem:$0x1D000] =	vst v63  }
0x3b: {  	_ =	swait.ge [sflag:s12], $0x2800  }
0x3c: {  	[sflag:s12] =	ssyncset.done $0x0  }
0x3d: {  	[sflag:s12] =	ssyncadd.s32 $0xFFFFD800  }
0x3e: {  	[tilespmem:s13], [sflag:$0x1] =	stream.linear.gather [hbm4b:s7+s3], $0x2800, $0x38;
	[tilespmem:$0x1D000] =	vst v63  }
0x3f: {  	_ =	swait.ge [sflag:s15], $0x2800  }
0x40: {  	[sflag:s15] =	ssyncset.done $0x0  }
0x41: {  	[sflag:s15] =	ssyncadd.s32 $0xFFFFD800  }
0x42: {  	[spmem:s2] =	stream.indirect.scatter.add.f32 [tilespmem:s13], [sflag:$0x3], $0x80, s18, s16, $0xb8;
	[tilespmem:$0x1D000] =	vst v63  }
0x43: {  	_ =	swait.ge [sflag:s12], $0x2800  }
0x44: {  	s19 =	sadd.s32 $0x1, s19;
	[sflag:s12] =	ssyncset.done $0x0  }
0x45: {  	p0 =	sne.s32 s19, s9;
	[sflag:s12] =	ssyncadd.s32 $0xFFFFD800  }
.Ltmp1:
0x46: {  	[bflag:$0x0] =	sbarrier.arrive $0xFFFF;
	(pc) =	sbr.rel @p0 .LBB2_1-.Ltmp1, $4  }
0x47: {  	[hbm:s8], [sflag:s5] =	dma.local [spmem:s11], $0x2800  }
0x48: {  	_ =	swait.ge [sflag:s12], $0x2800  }
0x49: {  	[sflag:s12] =	ssyncset.done $0x0  }
0x4a: {  	[sflag:s12] =	ssyncadd.s32 $0xFFFFD800  }
0x4b: {  	_ =	sfence.sel $0x180000  }
0x4c: {  	[bflag:$0x0] =	sbarrier.arrive $0xFFFF  }
0x4d: {  	p0 =	sne.s32 s1, $0x0;
	_ =	strace $0x90000050  }
0x4e: {  	s0 =	sadd.s32 @!p0 $0x100000, s0;
	[bflag:$0x2] =	sbarrier.arrive $0xFFFF  }
0x4f: {  	[sflag:s0] =	ssyncadd.tile.s32 @!p0 $0x1;
	_ =	shalt  }
.Lfunc_end2:
_tile_overlayer_lowered:
.L_overlay_start_2:
0x50: {  	(tag) =	ssettag $0x2  }
0x51: {  	s0 =	rddreg [dreg:$0x0];
	s2 =	stileid.u32  }
0x52: {  	s1 =	rddreg [dreg:$0x1];
	p0 =	sne.s32 s2, $0x0  }
0x53: {  	s3 =	rddreg [dreg:$0x2];
	[bflag:$0x3] =	sbarrier.arrive $0xFFFF;
	s2 =	simm.s32 @!p0 $0x1C03  }
0x54: {  	[timem:s3], [sflag:s2] =	dma.local @!p0 [hbm:s0], s1  }
0x55: {  	s0 =	simm.s32 @!p0 $0x3  }
0x56: {  	_ =	swait.ge @!p0 [sflag:s0], s1  }
0x57: {  	s1 =	ssub.s32 @!p0 $0x0, s1;
	[sflag:s0] =	ssyncset.done @!p0 $0x0  }
0x58: {  	[sflag:s0] =	ssyncadd.s32 @!p0 s1  }
0x59: {  	[bflag:$0x3] =	sbarrier.arrive $0xFFFF  }
0x5a: {  	_ =	shalt  }

// kernel: kernel.27.cloned.1.call-start
scs
__scs_entry_jumppad:
0x0: {  	(pc) =	sbr.rel $0x88, $3  }
0x1: {  	(tag) =	ssettag $0x0;
	lr =	simm.s32 $0x1  }
0x2: {  	[smem:$0x3F92] =	sst lr;
	_ =	strace $0xD0000000  }
0x3: {  	_ = 	snop  }
0x4: {  	_ = 	snop  }
0x5: {  	_ = 	snop  }
0x6: {  	_ = 	snop  }
0x7: {  	_ = 	snop  }
__scs_overlays_trampoline_lowered:
0x8: {  	[smem:$0x3FA1] =	sst s0  }
0x9: {  	[smem:$0x3FA2] =	sst s1  }
0xa: {  	[smem:$0x3FA3] =	sst s2  }
0xb: {  	[smem:$0x3FA4] =	sst s3  }
0xc: {  	[smem:$0x3FA5] =	sst s4  }
0xd: {  	[smem:$0x3FA6] =	sst s5  }
0xe: {  	[smem:$0x3FA7] =	sst s6  }
0xf: {  	[smem:$0x3FA8] =	sst s7  }
0x10: {  	[smem:$0x3FA9] =	sst s8  }
0x11: {  	[smem:$0x3FAA] =	sst s9;
	s0 =	simm.s32 @!p0 $0x0  }
0x12: {  	s1 =	sld [smem:$0x3F90];
	s0 =	simm.s32 @p0 $0x1  }
0x13: {  	[smem:$0x3FAB] =	sst s0;
	s0 =	simm.s32 @!p1 $0x0  }
0x14: {  	s2 =	sld [smem:$0x3F8F];
	s0 =	simm.s32 @p1 $0x1  }
0x15: {  	[smem:$0x3FAC] =	sst s0;
	s0 =	simm.s32 @!p2 $0x0  }
0x16: {  	s3 =	sld [smem:$0x3FDB];
	s0 =	simm.s32 @p2 $0x1  }
0x17: {  	s4 =	simm.s32 $0x1BF5;
	[smem:$0x3FAE] =	sst s0  }
0x18: {  	s0 =	sld [smem:$0x3F91];
	_ =	swait.ge [sflag:s4], $0x0  }
0x19: {  	s7 =	sld [smem:$0x3F92]  }
0x1a: {  	s8 =	sadd.s32 $0xFFFFE003, lr  }
0x1b: {  	s9 =	sadd.s32 $0xFFFFFEF7, lr;
	s5 =	simm.s32 $0xFFFFFFFF;
	p2 =	slt.u32 s8, $0xFFFFF086  }
0x1c: {  	p1 =	slt.u32 s9, $0xF7A;
	s5 =	simm.s32 @!p2 $0x0  }
0x1d: {  	s5 =	simm.s32 @p1 $0x1;
	p0 =	seq.s32 s7, s2  }
0x1e: {  	s7 =	smul.u32 @!p0 $0xF7A, s2;
	p2 =	seq.s32 @!p0 s5, $0x0  }
0x1f: {  	s9 =	smul.u32 $0xF7A, s1;
	s8 =	simm.s32 @!p0 $0x1BF5;
	p2 =	por !p2, p0  }
0x20: {  	[sflag:s8] =	ssyncset.s32 @!p0 $0xFFFFF086;
	s6 =	sadd.s32 @!p0 s3, s7;
	s7 =	simm.s32 @!p0 $0x108  }
0x21: {  	s3 =	sadd.s32 s3, s9;
	s6 =	sadd.s32 @!p0 $0x88, s6;
	s7 =	simm.s32 @p2 $0x1082  }
0x22: {  	[simem:s7], [sflag:s8] =	dma.local @!p0 [hbm:s6], $0xF7A  }
0x23: {  	s9 =	sor.u32 $0xD0000000, s2;
	s6 =	simm.s32 $0x108;
	_ =	swait.ge @!p0 [sflag:s8], $0x0  }
0x24: {  	s3 =	sadd.s32 $0x88, s3;
	s6 =	simm.s32 @!p1 $0x1082;
	[sflag:s4] =	ssyncset.s32 $0xFFFFF086  }
0x25: {  	[simem:s6], [sflag:s4] =	dma.local [hbm:s3], $0xF7A  }
0x26: {  	[smem:$0x3F92] =	sst s1;
	(tag) =	ssettag s2;
	_ =	strace s9  }
0x27: {  	s1 =	sld [smem:$0x3FA2]  }
0x28: {  	s2 =	sld [smem:$0x3FA3]  }
0x29: {  	s4 =	sld [smem:$0x3FA5]  }
0x2a: {  	p0 =	seq.s32 s5, $0x0;
	s5 =	sld [smem:$0x3FA6]  }
0x2b: {  	s6 =	sld [smem:$0x3FA7]  }
0x2c: {  	s7 =	sld [smem:$0x3FA8]  }
0x2d: {  	s3 =	simm.s32 $0x108;
	s8 =	sld [smem:$0x3FA9]  }
0x2e: {  	s3 =	simm.s32 @!p0 $0x1082;
	s9 =	sld [smem:$0x3FAA]  }
0x2f: {  	lr =	sadd.s32 s0, s3;
	s0 =	sld [smem:$0x3FA1]  }
0x30: {  	s3 =	sld [smem:$0x3FA4]  }
0x31: {  	[smem:$0x3FAD] =	sst s10  }
0x32: {  	s10 =	sld [smem:$0x3FAB];
	_ =	sdelay $0x3  }
0x33: {  	p0 =	seq.s32 s10, $0x1;
	s10 =	sld [smem:$0x3FAD];
	_ =	sdelay $0x3  }
0x34: {  	[smem:$0x3FAD] =	sst s10  }
0x35: {  	s10 =	sld [smem:$0x3FAC];
	_ =	sdelay $0x3  }
0x36: {  	p1 =	seq.s32 s10, $0x1;
	s10 =	sld [smem:$0x3FAD];
	_ =	sdelay $0x3  }
0x37: {  	[smem:$0x3FAD] =	sst s10  }
0x38: {  	s10 =	sld [smem:$0x3FAE]  }
0x39: {  	_ = 	snop;
	(pc) =	sbr.ind lr, $3  }
0x3a: {  	_ = 	snop  }
0x3b: {  	_ = 	snop  }
0x3c: {  	p2 =	seq.s32 s10, $0x1;
	s10 =	sld [smem:$0x3FAD]  }
0x3d: {  	_ =	shalt  }
0x3e: {  	_ =	shalt  }
0x3f: {  	_ =	shalt  }
0x40: {  	_ =	shalt  }
0x41: {  	_ =	shalt  }
0x42: {  	_ =	shalt  }
0x43: {  	_ =	shalt  }
0x44: {  	_ =	shalt  }
0x45: {  	_ =	shalt  }
0x46: {  	_ =	shalt  }
0x47: {  	_ =	shalt  }
0x48: {  	_ =	shalt  }
0x49: {  	_ =	shalt  }
0x4a: {  	_ =	shalt  }
0x4b: {  	_ =	shalt  }
0x4c: {  	_ =	shalt  }
0x4d: {  	_ =	shalt  }
0x4e: {  	_ =	shalt  }
0x4f: {  	_ =	shalt  }
0x50: {  	_ =	shalt  }
0x51: {  	_ =	shalt  }
0x52: {  	_ =	shalt  }
0x53: {  	_ =	shalt  }
0x54: {  	_ =	shalt  }
0x55: {  	_ =	shalt  }
0x56: {  	_ =	shalt  }
0x57: {  	_ =	shalt  }
0x58: {  	_ =	shalt  }
0x59: {  	_ =	shalt  }
0x5a: {  	_ =	shalt  }
0x5b: {  	_ =	shalt  }
0x5c: {  	_ =	shalt  }
0x5d: {  	_ =	shalt  }
0x5e: {  	_ =	shalt  }
0x5f: {  	_ =	shalt  }
0x60: {  	_ =	shalt  }
0x61: {  	_ =	shalt  }
0x62: {  	_ =	shalt  }
0x63: {  	_ =	shalt  }
0x64: {  	_ =	shalt  }
0x65: {  	_ =	shalt  }
0x66: {  	_ =	shalt  }
0x67: {  	_ =	shalt  }
0x68: {  	_ =	shalt  }
0x69: {  	_ =	shalt  }
0x6a: {  	_ =	shalt  }
0x6b: {  	_ =	shalt  }
0x6c: {  	_ =	shalt  }
0x6d: {  	_ =	shalt  }
0x6e: {  	_ =	shalt  }
0x6f: {  	_ =	shalt  }
0x70: {  	_ =	shalt  }
0x71: {  	_ =	shalt  }
0x72: {  	_ =	shalt  }
0x73: {  	_ =	shalt  }
0x74: {  	_ =	shalt  }
0x75: {  	_ =	shalt  }
0x76: {  	_ =	shalt  }
0x77: {  	_ =	shalt  }
0x78: {  	_ =	shalt  }
0x79: {  	_ =	shalt  }
0x7a: {  	_ =	shalt  }
0x7b: {  	_ =	shalt  }
0x7c: {  	_ =	shalt  }
0x7d: {  	_ =	shalt  }
0x7e: {  	_ =	shalt  }
0x7f: {  	_ =	shalt  }
0x80: {  	_ =	shalt  }
0x81: {  	_ =	shalt  }
0x82: {  	_ =	shalt  }
0x83: {  	_ =	shalt  }
0x84: {  	_ =	shalt  }
0x85: {  	_ =	shalt  }
0x86: {  	_ =	shalt  }
0x87: {  	_ =	shalt  }
.Lfunc_end0:
.L_simem_size_0:
called_computation.4_lowered:
.L_overlay_start_0:
0x88: {  	s2 =	sld [smem:$0x3FD9]  }
0x89: {  	s3 =	sld [smem:$0x3FFE];
	_ =	sdelay $0x1  }
0x8a: {  	s1 =	srdreg.scid  }
0x8b: {  	s0 =	sand.u32 $0x1, s1  }
0x8c: {  	s16 =	sshll.u32 s0, $0xA;
	s2 =	sadd.s32 s3, s2  }
0x8d: {  	s2 =	sadd.s32 s2, s16  }
0x8e: {  	[smem:$0x3FB9] =	sst s2  }
0x8f: {  	_ = 	snop  }
0x90: {  	(tm) =	ssettm $0x1  }
0x91: {  	s17 =	sld [smem:$0x3FFB];
	_ =	sdelay $0x3  }
0x92: {  	_ =	strace s17  }
0x93: {  	s2 =	sld [smem:$0x3FFC];
	_ =	sdelay $0x3  }
0x94: {  	_ =	strace s2  }
0x95: {  	s2 =	sld [smem:$0x3FFD];
	_ =	sdelay $0x3  }
0x96: {  	_ =	strace s2  }
0x97: {  	_ =	strace $0x8FFFFFFF  }
0x98: {  	s18 =	sld [smem:$0x3FDB];
	_ =	sdelay $0x1  }
0x99: {  	s19 =	simm.s32 $_scs_section_size  }
0x9a: {  	s4 =	simm.s32 $_size__tile_overlayer_lowered;
	s5 =	simm.s32 $_tile_overlayer_lowered  }
0x9b: {  	s22 =	simm.s32 $0x1BFF;
	s21 =	sshll.u32 s5, $0x1;
	s2 =	sadd.s32 s19, s18  }
0x9c: {  	s6 =	simm.s32 $0x0;
	s20 =	sshll.u32 s4, $0x1;
	s4 =	sadd.s32 s21, s2  }
0x9d: {  	[timem:s6], [sflag:s22] =	dma.local [hbm:s4], s20  }
0x9e: {  	_ =	swait.ge [sflag:s22], s20  }
0x9f: {  	s3 =	ssub.s32 $0x0, s20;
	[sflag:s22] =	ssyncset.done $0x0  }
0xa0: {  	[sflag:s22] =	ssyncadd.s32 s3;
	_ =	sdelay $0x1  }
0xa1: {  	s23 =	simm.s32 $0x1B8B  }
0xa2: {  	_ =	swait.ge [sflag:s23], $0x1  }
0xa3: {  	[sflag:s23] =	ssyncset.done $0x0  }
0xa4: {  	s25 =	simm.s32 $0x1B8E;
	s24 =	sld [smem:$0x3FFE];
	[sflag:s23] =	ssyncadd.s32 $0xFFFFFFFF  }
0xa5: {  	s26 =	simm.s32 $execute0_lowered;
	[smem:$0x3FD2] =	sst s25  }
0xa6: {  	s4 =	sshll.u32 s26, $0x1;
	_ =	strace $0x80000052;
	[dreg:$0x1] =	wrdreg $0xFFFFFFFF  }
0xa7: {  	s28 =	simm.s32 $_size_execute0_lowered;
	s2 =	sadd.s32 s2, s4;
	[dreg:$0x0] =	wrdreg $0x0  }
0xa8: {  	s4 =	sshll.u32 s28, $0x1;
	[dreg:$0x2] =	wrdreg s2  }
0xa9: {  	[dreg:$0x3] =	wrdreg s4  }
0xaa: {  	[dreg:$0x4] =	wrdreg $0xC0  }
0xab: {  	_ =	task [dreg:s6], $0x5FFFF  }
0xac: {  	[dreg:$0x1] =	wrdreg $0xFFFFFFFF  }
0xad: {  	[dreg:$0x0] =	wrdreg $0x60  }
0xae: {  	[dreg:$0x2] =	wrdreg s24  }
0xaf: {  	[dreg:$0x3] =	wrdreg $0x9  }
0xb0: {  	_ =	task.clear_ibuf [dreg:s6], $0x4FFFF;
	_ =	strace $0x90000052  }
0xb1: {  	s29 =	simm.s32 $0x9;
	_ =	strace $0x80000054  }
0xb2: {  	_ =	swait.ge [sflag:s29], $0x1  }
0xb3: {  	[sflag:s29] =	ssyncadd.s32 $0xFFFFFFFF  }
0xb4: {  	_ =	strace $0x90000054  }
0xb5: {  	_ =	sfence  }
0xb6: {  	s30 =	sld [smem:$0x0];
	_ =	sdelay $0x2  }
0xb7: {  	s31 =	sshll.u32 s1, $0xD;
	s1 =	sshrl.u32 s1, $0x2  }
0xb8: {  	s3 =	sand.u32 $0x4000, s31;
	s1 =	sadd.s32 s1, s30  }
0xb9: {  	s0 =	sor.u32 s3, s0;
	s1 =	sshll.u32 s1, $0x11  }
0xba: {  	s0 =	sor.u32 s1, s0  }
0xbb: {  	s0 =	sadd.s32 $0x8F2B, s0  }
0xbc: {  	[sflag:s0] =	ssyncadd.remote.s32 $0x1  }
0xbd: {  	_ =	sfence.sel $0xFFFF  }
0xbe: {  	[dreg:$0x0] =	wrdreg $0xFFFFFFFF;
	(pc) =	sbr.abs _section_cstart, $3  }
0xbf: {  	[dreg:$0x1] =	wrdreg $0xFFFFFFFF  }
0xc0: {  	_ =	task.clear_ibuf [dreg:s6], $0x2FFFF;
	_ =	strace $0x9FFFFFFF  }
0xc1: {  	(tm) =	ssettm $0x7FFFFFFF  }
tec
execute0_lowered:
.L_overlay_start_1:
0x0: {  	(tag) =	ssettag $0x1  }
0x1: {  	s4 =	rddreg [dreg:$0x0]  }
0x2: {  	s0 =	rddreg [dreg:$0x1];
	s3 =	srdreg.scid  }
0x3: {  	s1 =	stileid.u32;
	s2 =	simm.s32 $0x0;
	s12 =	simm.s32 $0x9000  }
0x4: {  	s13 =	simm.s32 $0xB800;
	s14 =	simm.s32 $0x1;
	s15 =	simm.s32 $0x2  }
0x5: {  	s16 =	simm.s32 $0x3;
	s17 =	simm.s32 $0x4;
	s18 =	simm.s32 $0x3E00  }
0x6: {  	s19 =	simm.s32 $0x0;
	s5 =	sand.u32 $0x1, s3;
	s28 =	sshll.u32 s1, $0x1  }
0x7: {  	[smem:$0x7FF] =	sst s2;
	s3 =	sadd.s32 $0x3EE00, s4;
	s9 =	sadd.s32 $0x12D200, s4  }
0x8: {  	s10 =	smul.u32 $0x4E200, s1;
	s6 =	sor.u32 s5, s28;
	_ =	strace $0x80000053  }
0x9: {  	s8 =	ssub.s32 $0x2, s5;
	s11 =	smul.u32 $0x27100, s5;
	s7 =	sshll.u32 s6, $0xB  }
0xa: {  	s6 =	smul.u32 $0x138800, s6;
	s29 =	sshrl.u32 s8, $0x1;
	s31 =	sadd.s32 s10, s9  }
0xb: {  	s10 =	simm.s32 $0x4000;
	s7 =	sadd.s32 s7, s4;
	s8 =	ssub.s32 s8, s29  }
0xc: {  	s6 =	sshrl.u32 s6, $0x3;
	s4 =	sadd.s32 $0x6E00, s7;
	s7 =	sadd.s32 s11, s31  }
0xd: {  	s11 =	simm.s32 $0x6800;
	s30 =	sadd.s32 s9, s6;
	s6 =	smax.u32 s8, $0x1  }
0xe: {  	s8 =	simm.s32 $0x5;
	s9 =	simm.s32 $0x50;
	s5 =	sadd.s32 $0x26C00, s30  }
.LBB2_1:
0xf: {  	[tilespmem:s2], [sflag:$0x5] =	stream.linear.gather [hbm4b:s4+s2], $0x3E80, $0x38;
	[tilespmem:$0xE000] =	vst v63  }
0x10: {  	_ =	swait.ge [sflag:s8], $0x3E80  }
0x11: {  	[sflag:s8] =	ssyncset.done $0x0  }
0x12: {  	[sflag:s8] =	ssyncadd.s32 $0xFFFFC180  }
0x13: {  	[tilespmem:s10], [sflag:$0x1] =	stream.indirect.gather [hbm4b:s3+s9], $0x80, s2, s9, $0xb8;
	[tilespmem:$0xE000] =	vst v63  }
0x14: {  	s20 =	simm.s32 $0x80  }
0x15: {  	[tilespmem:s11], [sflag:$0x2] =	stream.indirect.gather [hbm4b:s3+s9], $0x80, s20, s9, $0xb8;
	[tilespmem:$0xE000] =	vst v63  }
0x16: {  	s28 =	simm.s32 $0x100  }
0x17: {  	[tilespmem:s12], [sflag:$0x3] =	stream.indirect.gather [hbm4b:s3+s9], $0x80, s28, s9, $0xb8;
	[tilespmem:$0xE000] =	vst v63  }
0x18: {  	s29 =	simm.s32 $0x180  }
0x19: {  	[tilespmem:s13], [sflag:$0x4] =	stream.indirect.gather [hbm4b:s3+s9], $0x80, s29, s9, $0xb8;
	[tilespmem:$0xE000] =	vst v63  }
0x1a: {  	_ =	swait.ge [sflag:s14], $0x2800  }
0x1b: {  	[sflag:s14] =	ssyncset.done $0x0  }
0x1c: {  	s30 =	sadd.s32 $0x0, s7;
	[sflag:s14] =	ssyncadd.s32 $0xFFFFD800  }
0x1d: {  	[hbm4b:s30+s2] =	stream.linear.scatter [tilespmem:s10], [sflag:$0x5], $0x2800, $0x38;
	[tilespmem:$0xE000] =	vst v63  }
0x1e: {  	_ =	swait.ge [sflag:s8], $0x2800  }
0x1f: {  	[sflag:s8] =	ssyncset.done $0x0  }
0x20: {  	[sflag:s8] =	ssyncadd.s32 $0xFFFFD800  }
0x21: {  	_ =	swait.ge [sflag:s15], $0x2800  }
0x22: {  	[sflag:s15] =	ssyncset.done $0x0  }
0x23: {  	s21 =	sadd.s32 $0x500, s30;
	[sflag:s15] =	ssyncadd.s32 $0xFFFFD800  }
0x24: {  	[hbm4b:s21+s2] =	stream.linear.scatter [tilespmem:s11], [sflag:$0x5], $0x2800, $0x38;
	[tilespmem:$0xE000] =	vst v63  }
0x25: {  	_ =	swait.ge [sflag:s8], $0x2800  }
0x26: {  	[sflag:s8] =	ssyncset.done $0x0  }
0x27: {  	[sflag:s8] =	ssyncadd.s32 $0xFFFFD800  }
0x28: {  	_ =	swait.ge [sflag:s16], $0x2800  }
0x29: {  	[sflag:s16] =	ssyncset.done $0x0  }
0x2a: {  	s31 =	sadd.s32 $0xA00, s30;
	[sflag:s16] =	ssyncadd.s32 $0xFFFFD800  }
0x2b: {  	[hbm4b:s31+s2] =	stream.linear.scatter [tilespmem:s12], [sflag:$0x5], $0x2800, $0x38;
	[tilespmem:$0xE000] =	vst v63  }
0x2c: {  	_ =	swait.ge [sflag:s8], $0x2800  }
0x2d: {  	[sflag:s8] =	ssyncset.done $0x0  }
0x2e: {  	[sflag:s8] =	ssyncadd.s32 $0xFFFFD800  }
0x2f: {  	_ =	swait.ge [sflag:s17], $0x2800  }
0x30: {  	[sflag:s17] =	ssyncset.done $0x0  }
0x31: {  	s20 =	sadd.s32 $0xF00, s30;
	[sflag:s17] =	ssyncadd.s32 $0xFFFFD800  }
0x32: {  	[hbm4b:s20+s2] =	stream.linear.scatter [tilespmem:s13], [sflag:$0x5], $0x2800, $0x38;
	[tilespmem:$0xE000] =	vst v63  }
0x33: {  	_ =	swait.ge [sflag:s8], $0x2800  }
0x34: {  	s21 =	simm.s32 $0x0;
	s20 =	simm.s32 $0x1400;
	[sflag:s8] =	ssyncset.done $0x0  }
.LBB2_2:
0x35: {  	p0 =	sne.s32 s20, $0x25800;
	[sflag:s8] =	ssyncadd.s32 $0xFFFFD800;
	s21 =	sadd.s32 $0x200, s21  }
0x36: {  	[tilespmem:s10], [sflag:$0x1] =	stream.indirect.gather [hbm4b:s3+s9], $0x80, s21, s9, $0xb8;
	[tilespmem:$0xE000] =	vst v63  }
0x37: {  	s23 =	smov.u32 s20;
	s20 =	sadd.s32 $0x1400, s20;
	s22 =	sadd.s32 $0x80, s21  }
0x38: {  	[tilespmem:s11], [sflag:$0x2] =	stream.indirect.gather [hbm4b:s3+s9], $0x80, s22, s9, $0xb8;
	[tilespmem:$0xE000] =	vst v63  }
0x39: {  	s22 =	sadd.s32 $0x100, s21  }
0x3a: {  	[tilespmem:s12], [sflag:$0x3] =	stream.indirect.gather [hbm4b:s3+s9], $0x80, s22, s9, $0xb8;
	[tilespmem:$0xE000] =	vst v63  }
0x3b: {  	s22 =	sadd.s32 $0x180, s21  }
0x3c: {  	[tilespmem:s13], [sflag:$0x4] =	stream.indirect.gather [hbm4b:s3+s9], $0x80, s22, s9, $0xb8;
	[tilespmem:$0xE000] =	vst v63  }
0x3d: {  	_ =	swait.ge [sflag:s14], $0x2800  }
0x3e: {  	[sflag:s14] =	ssyncset.done $0x0  }
0x3f: {  	s22 =	sadd.s32 s23, s7;
	[sflag:s14] =	ssyncadd.s32 $0xFFFFD800  }
0x40: {  	[hbm4b:s22+s2] =	stream.linear.scatter [tilespmem:s10], [sflag:$0x5], $0x2800, $0x38;
	[tilespmem:$0xE000] =	vst v63  }
0x41: {  	_ =	swait.ge [sflag:s8], $0x2800  }
0x42: {  	[sflag:s8] =	ssyncset.done $0x0  }
0x43: {  	[sflag:s8] =	ssyncadd.s32 $0xFFFFD800  }
0x44: {  	_ =	swait.ge [sflag:s15], $0x2800  }
0x45: {  	[sflag:s15] =	ssyncset.done $0x0  }
0x46: {  	s23 =	sadd.s32 $0x500, s22;
	[sflag:s15] =	ssyncadd.s32 $0xFFFFD800  }
0x47: {  	[hbm4b:s23+s2] =	stream.linear.scatter [tilespmem:s11], [sflag:$0x5], $0x2800, $0x38;
	[tilespmem:$0xE000] =	vst v63  }
0x48: {  	_ =	swait.ge [sflag:s8], $0x2800  }
0x49: {  	[sflag:s8] =	ssyncset.done $0x0  }
0x4a: {  	[sflag:s8] =	ssyncadd.s32 $0xFFFFD800  }
0x4b: {  	_ =	swait.ge [sflag:s16], $0x2800  }
0x4c: {  	[sflag:s16] =	ssyncset.done $0x0  }
0x4d: {  	s23 =	sadd.s32 $0xA00, s22;
	[sflag:s16] =	ssyncadd.s32 $0xFFFFD800  }
0x4e: {  	[hbm4b:s23+s2] =	stream.linear.scatter [tilespmem:s12], [sflag:$0x5], $0x2800, $0x38;
	[tilespmem:$0xE000] =	vst v63  }
0x4f: {  	_ =	swait.ge [sflag:s8], $0x2800  }
0x50: {  	[sflag:s8] =	ssyncset.done $0x0  }
0x51: {  	[sflag:s8] =	ssyncadd.s32 $0xFFFFD800  }
0x52: {  	_ =	swait.ge [sflag:s17], $0x2800  }
.Ltmp0:
0x53: {  	[sflag:s17] =	ssyncset.done $0x0;
	(pc) =	sbr.rel @p0 .LBB2_2-.Ltmp0, $4  }
0x54: {  	s22 =	sadd.s32 $0xF00, s22;
	[sflag:s17] =	ssyncadd.s32 $0xFFFFD800  }
0x55: {  	[hbm4b:s22+s2] =	stream.linear.scatter [tilespmem:s13], [sflag:$0x5], $0x2800, $0x38;
	[tilespmem:$0xE000] =	vst v63  }
0x56: {  	_ =	swait.ge [sflag:s8], $0x2800  }
0x57: {  	[sflag:s8] =	ssyncset.done $0x0  }
0x58: {  	[sflag:s8] =	ssyncadd.s32 $0xFFFFD800  }
0x59: {  	[tilespmem:s10], [sflag:$0x1] =	stream.indirect.gather [hbm4b:s3+s9], $0x80, s18, s9, $0xb8;
	[tilespmem:$0xE000] =	vst v63  }
0x5a: {  	s19 =	sadd.s32 $0x1, s19;
	_ =	swait.ge [sflag:s14], $0x2800  }
0x5b: {  	p0 =	sne.s32 s19, s6;
	[sflag:s14] =	ssyncset.done $0x0  }
.Ltmp1:
0x5c: {  	[sflag:s14] =	ssyncadd.s32 $0xFFFFD800;
	(pc) =	sbr.rel @p0 .LBB2_1-.Ltmp1, $4  }
0x5d: {  	[hbm4b:s5+s2] =	stream.linear.scatter [tilespmem:s10], [sflag:$0x5], $0x2800, $0x38;
	[tilespmem:$0xE000] =	vst v63  }
0x5e: {  	_ =	swait.ge [sflag:s8], $0x2800  }
0x5f: {  	[sflag:s8] =	ssyncset.done $0x0  }
0x60: {  	[sflag:s8] =	ssyncadd.s32 $0xFFFFD800  }
0x61: {  	_ =	sfence.sel $0x180000  }
0x62: {  	[bflag:$0x0] =	sbarrier.arrive $0xFFFF  }
0x63: {  	p0 =	sne.s32 s1, $0x0;
	_ =	strace $0x90000053  }
0x64: {  	s0 =	sadd.s32 @!p0 $0x100000, s0;
	[bflag:$0x2] =	sbarrier.arrive $0xFFFF  }
0x65: {  	[sflag:s0] =	ssyncadd.tile.s32 @!p0 $0x1;
	_ =	shalt  }
.Lfunc_end2:
_tile_overlayer_lowered:
.L_overlay_start_2:
0x66: {  	(tag) =	ssettag $0x2  }
0x67: {  	s0 =	rddreg [dreg:$0x0];
	s2 =	stileid.u32  }
0x68: {  	s1 =	rddreg [dreg:$0x1];
	p0 =	sne.s32 s2, $0x0  }
0x69: {  	s3 =	rddreg [dreg:$0x2];
	[bflag:$0x3] =	sbarrier.arrive $0xFFFF;
	s2 =	simm.s32 @!p0 $0x1C05  }
0x6a: {  	[timem:s3], [sflag:s2] =	dma.local @!p0 [hbm:s0], s1  }
0x6b: {  	s0 =	simm.s32 @!p0 $0x5  }
0x6c: {  	_ =	swait.ge @!p0 [sflag:s0], s1  }
0x6d: {  	s1 =	ssub.s32 @!p0 $0x0, s1;
	[sflag:s0] =	ssyncset.done @!p0 $0x0  }
0x6e: {  	[sflag:s0] =	ssyncadd.s32 @!p0 s1  }
0x6f: {  	[bflag:$0x3] =	sbarrier.arrive $0xFFFF  }
0x70: {  	_ =	shalt  }

// kernel: kernel.30.cloned.1.call-start
scs
__scs_entry_jumppad:
0x0: {  	(pc) =	sbr.rel $0x88, $3  }
0x1: {  	(tag) =	ssettag $0x0;
	lr =	simm.s32 $0x1  }
0x2: {  	[smem:$0x3F92] =	sst lr;
	_ =	strace $0xD0000000  }
0x3: {  	_ = 	snop  }
0x4: {  	_ = 	snop  }
0x5: {  	_ = 	snop  }
0x6: {  	_ = 	snop  }
0x7: {  	_ = 	snop  }
__scs_overlays_trampoline_lowered:
0x8: {  	[smem:$0x3FA1] =	sst s0  }
0x9: {  	[smem:$0x3FA2] =	sst s1  }
0xa: {  	[smem:$0x3FA3] =	sst s2  }
0xb: {  	[smem:$0x3FA4] =	sst s3  }
0xc: {  	[smem:$0x3FA5] =	sst s4  }
0xd: {  	[smem:$0x3FA6] =	sst s5  }
0xe: {  	[smem:$0x3FA7] =	sst s6  }
0xf: {  	[smem:$0x3FA8] =	sst s7  }
0x10: {  	[smem:$0x3FA9] =	sst s8  }
0x11: {  	[smem:$0x3FAA] =	sst s9;
	s0 =	simm.s32 @!p0 $0x0  }
0x12: {  	s1 =	sld [smem:$0x3F90];
	s0 =	simm.s32 @p0 $0x1  }
0x13: {  	[smem:$0x3FAB] =	sst s0;
	s0 =	simm.s32 @!p1 $0x0  }
0x14: {  	s2 =	sld [smem:$0x3F8F];
	s0 =	simm.s32 @p1 $0x1  }
0x15: {  	[smem:$0x3FAC] =	sst s0;
	s0 =	simm.s32 @!p2 $0x0  }
0x16: {  	s3 =	sld [smem:$0x3FDB];
	s0 =	simm.s32 @p2 $0x1  }
0x17: {  	s4 =	simm.s32 $0x1BF5;
	[smem:$0x3FAE] =	sst s0  }
0x18: {  	s0 =	sld [smem:$0x3F91];
	_ =	swait.ge [sflag:s4], $0x0  }
0x19: {  	s7 =	sld [smem:$0x3F92]  }
0x1a: {  	s8 =	sadd.s32 $0xFFFFE003, lr  }
0x1b: {  	s9 =	sadd.s32 $0xFFFFFEF7, lr;
	s5 =	simm.s32 $0xFFFFFFFF;
	p2 =	slt.u32 s8, $0xFFFFF086  }
0x1c: {  	p1 =	slt.u32 s9, $0xF7A;
	s5 =	simm.s32 @!p2 $0x0  }
0x1d: {  	s5 =	simm.s32 @p1 $0x1;
	p0 =	seq.s32 s7, s2  }
0x1e: {  	s7 =	smul.u32 @!p0 $0xF7A, s2;
	p2 =	seq.s32 @!p0 s5, $0x0  }
0x1f: {  	s9 =	smul.u32 $0xF7A, s1;
	s8 =	simm.s32 @!p0 $0x1BF5;
	p2 =	por !p2, p0  }
0x20: {  	[sflag:s8] =	ssyncset.s32 @!p0 $0xFFFFF086;
	s6 =	sadd.s32 @!p0 s3, s7;
	s7 =	simm.s32 @!p0 $0x108  }
0x21: {  	s3 =	sadd.s32 s3, s9;
	s6 =	sadd.s32 @!p0 $0x88, s6;
	s7 =	simm.s32 @p2 $0x1082  }
0x22: {  	[simem:s7], [sflag:s8] =	dma.local @!p0 [hbm:s6], $0xF7A  }
0x23: {  	s9 =	sor.u32 $0xD0000000, s2;
	s6 =	simm.s32 $0x108;
	_ =	swait.ge @!p0 [sflag:s8], $0x0  }
0x24: {  	s3 =	sadd.s32 $0x88, s3;
	s6 =	simm.s32 @!p1 $0x1082;
	[sflag:s4] =	ssyncset.s32 $0xFFFFF086  }
0x25: {  	[simem:s6], [sflag:s4] =	dma.local [hbm:s3], $0xF7A  }
0x26: {  	[smem:$0x3F92] =	sst s1;
	(tag) =	ssettag s2;
	_ =	strace s9  }
0x27: {  	s1 =	sld [smem:$0x3FA2]  }
0x28: {  	s2 =	sld [smem:$0x3FA3]  }
0x29: {  	s4 =	sld [smem:$0x3FA5]  }
0x2a: {  	p0 =	seq.s32 s5, $0x0;
	s5 =	sld [smem:$0x3FA6]  }
0x2b: {  	s6 =	sld [smem:$0x3FA7]  }
0x2c: {  	s7 =	sld [smem:$0x3FA8]  }
0x2d: {  	s3 =	simm.s32 $0x108;
	s8 =	sld [smem:$0x3FA9]  }
0x2e: {  	s3 =	simm.s32 @!p0 $0x1082;
	s9 =	sld [smem:$0x3FAA]  }
0x2f: {  	lr =	sadd.s32 s0, s3;
	s0 =	sld [smem:$0x3FA1]  }
0x30: {  	s3 =	sld [smem:$0x3FA4]  }
0x31: {  	[smem:$0x3FAD] =	sst s10  }
0x32: {  	s10 =	sld [smem:$0x3FAB];
	_ =	sdelay $0x3  }
0x33: {  	p0 =	seq.s32 s10, $0x1;
	s10 =	sld [smem:$0x3FAD];
	_ =	sdelay $0x3  }
0x34: {  	[smem:$0x3FAD] =	sst s10  }
0x35: {  	s10 =	sld [smem:$0x3FAC];
	_ =	sdelay $0x3  }
0x36: {  	p1 =	seq.s32 s10, $0x1;
	s10 =	sld [smem:$0x3FAD];
	_ =	sdelay $0x3  }
0x37: {  	[smem:$0x3FAD] =	sst s10  }
0x38: {  	s10 =	sld [smem:$0x3FAE]  }
0x39: {  	_ = 	snop;
	(pc) =	sbr.ind lr, $3  }
0x3a: {  	_ = 	snop  }
0x3b: {  	_ = 	snop  }
0x3c: {  	p2 =	seq.s32 s10, $0x1;
	s10 =	sld [smem:$0x3FAD]  }
0x3d: {  	_ =	shalt  }
0x3e: {  	_ =	shalt  }
0x3f: {  	_ =	shalt  }
0x40: {  	_ =	shalt  }
0x41: {  	_ =	shalt  }
0x42: {  	_ =	shalt  }
0x43: {  	_ =	shalt  }
0x44: {  	_ =	shalt  }
0x45: {  	_ =	shalt  }
0x46: {  	_ =	shalt  }
0x47: {  	_ =	shalt  }
0x48: {  	_ =	shalt  }
0x49: {  	_ =	shalt  }
0x4a: {  	_ =	shalt  }
0x4b: {  	_ =	shalt  }
0x4c: {  	_ =	shalt  }
0x4d: {  	_ =	shalt  }
0x4e: {  	_ =	shalt  }
0x4f: {  	_ =	shalt  }
0x50: {  	_ =	shalt  }
0x51: {  	_ =	shalt  }
0x52: {  	_ =	shalt  }
0x53: {  	_ =	shalt  }
0x54: {  	_ =	shalt  }
0x55: {  	_ =	shalt  }
0x56: {  	_ =	shalt  }
0x57: {  	_ =	shalt  }
0x58: {  	_ =	shalt  }
0x59: {  	_ =	shalt  }
0x5a: {  	_ =	shalt  }
0x5b: {  	_ =	shalt  }
0x5c: {  	_ =	shalt  }
0x5d: {  	_ =	shalt  }
0x5e: {  	_ =	shalt  }
0x5f: {  	_ =	shalt  }
0x60: {  	_ =	shalt  }
0x61: {  	_ =	shalt  }
0x62: {  	_ =	shalt  }
0x63: {  	_ =	shalt  }
0x64: {  	_ =	shalt  }
0x65: {  	_ =	shalt  }
0x66: {  	_ =	shalt  }
0x67: {  	_ =	shalt  }
0x68: {  	_ =	shalt  }
0x69: {  	_ =	shalt  }
0x6a: {  	_ =	shalt  }
0x6b: {  	_ =	shalt  }
0x6c: {  	_ =	shalt  }
0x6d: {  	_ =	shalt  }
0x6e: {  	_ =	shalt  }
0x6f: {  	_ =	shalt  }
0x70: {  	_ =	shalt  }
0x71: {  	_ =	shalt  }
0x72: {  	_ =	shalt  }
0x73: {  	_ =	shalt  }
0x74: {  	_ =	shalt  }
0x75: {  	_ =	shalt  }
0x76: {  	_ =	shalt  }
0x77: {  	_ =	shalt  }
0x78: {  	_ =	shalt  }
0x79: {  	_ =	shalt  }
0x7a: {  	_ =	shalt  }
0x7b: {  	_ =	shalt  }
0x7c: {  	_ =	shalt  }
0x7d: {  	_ =	shalt  }
0x7e: {  	_ =	shalt  }
0x7f: {  	_ =	shalt  }
0x80: {  	_ =	shalt  }
0x81: {  	_ =	shalt  }
0x82: {  	_ =	shalt  }
0x83: {  	_ =	shalt  }
0x84: {  	_ =	shalt  }
0x85: {  	_ =	shalt  }
0x86: {  	_ =	shalt  }
0x87: {  	_ =	shalt  }
.Lfunc_end0:
.L_simem_size_0:
called_computation.5_lowered:
.L_overlay_start_0:
0x88: {  	s2 =	sld [smem:$0x3FD9]  }
0x89: {  	s3 =	sld [smem:$0x3FFE];
	_ =	sdelay $0x1  }
0x8a: {  	s1 =	srdreg.scid  }
0x8b: {  	s0 =	sand.u32 $0x1, s1  }
0x8c: {  	s16 =	sshll.u32 s0, $0xA;
	s2 =	sadd.s32 s3, s2  }
0x8d: {  	s2 =	sadd.s32 s2, s16  }
0x8e: {  	[smem:$0x3FB9] =	sst s2  }
0x8f: {  	_ = 	snop  }
0x90: {  	(tm) =	ssettm $0x1  }
0x91: {  	s17 =	sld [smem:$0x3FFB];
	_ =	sdelay $0x3  }
0x92: {  	_ =	strace s17  }
0x93: {  	s2 =	sld [smem:$0x3FFC];
	_ =	sdelay $0x3  }
0x94: {  	_ =	strace s2  }
0x95: {  	s2 =	sld [smem:$0x3FFD];
	_ =	sdelay $0x3  }
0x96: {  	_ =	strace s2  }
0x97: {  	_ =	strace $0x8FFFFFFF  }
0x98: {  	s18 =	sld [smem:$0x3FDB];
	_ =	sdelay $0x1  }
0x99: {  	s19 =	simm.s32 $_scs_section_size  }
0x9a: {  	s4 =	simm.s32 $_size__tile_overlayer_lowered;
	s5 =	simm.s32 $_tile_overlayer_lowered  }
0x9b: {  	s22 =	simm.s32 $0x1BFF;
	s21 =	sshll.u32 s5, $0x1;
	s2 =	sadd.s32 s19, s18  }
0x9c: {  	s6 =	simm.s32 $0x0;
	s20 =	sshll.u32 s4, $0x1;
	s4 =	sadd.s32 s21, s2  }
0x9d: {  	[timem:s6], [sflag:s22] =	dma.local [hbm:s4], s20  }
0x9e: {  	_ =	swait.ge [sflag:s22], s20  }
0x9f: {  	s3 =	ssub.s32 $0x0, s20;
	[sflag:s22] =	ssyncset.done $0x0  }
0xa0: {  	[sflag:s22] =	ssyncadd.s32 s3;
	_ =	sdelay $0x1  }
0xa1: {  	s23 =	simm.s32 $0x1B8B  }
0xa2: {  	_ =	swait.ge [sflag:s23], $0x1  }
0xa3: {  	[sflag:s23] =	ssyncset.done $0x0  }
0xa4: {  	s25 =	simm.s32 $0x1B8E;
	s24 =	sld [smem:$0x3FFE];
	[sflag:s23] =	ssyncadd.s32 $0xFFFFFFFF  }
0xa5: {  	s26 =	simm.s32 $execute0_lowered;
	[smem:$0x3FD2] =	sst s25  }
0xa6: {  	s4 =	sshll.u32 s26, $0x1;
	_ =	strace $0x80000055;
	[dreg:$0x1] =	wrdreg $0xFFFFFFFF  }
0xa7: {  	s28 =	simm.s32 $_size_execute0_lowered;
	s2 =	sadd.s32 s2, s4;
	[dreg:$0x0] =	wrdreg $0x0  }
0xa8: {  	s4 =	sshll.u32 s28, $0x1;
	[dreg:$0x2] =	wrdreg s2  }
0xa9: {  	[dreg:$0x3] =	wrdreg s4  }
0xaa: {  	[dreg:$0x4] =	wrdreg $0xC0  }
0xab: {  	_ =	task [dreg:s6], $0x5FFFF  }
0xac: {  	[dreg:$0x1] =	wrdreg $0xFFFFFFFF  }
0xad: {  	[dreg:$0x0] =	wrdreg $0x60  }
0xae: {  	[dreg:$0x2] =	wrdreg s24  }
0xaf: {  	[dreg:$0x3] =	wrdreg $0x90000  }
0xb0: {  	[dreg:$0x4] =	wrdreg $0x9  }
0xb1: {  	_ =	task.clear_ibuf [dreg:s6], $0x5FFFF;
	_ =	strace $0x90000055  }
0xb2: {  	s29 =	simm.s32 $0x9;
	_ =	strace $0x80000057  }
0xb3: {  	_ =	swait.ge [sflag:s29], $0x1  }
0xb4: {  	[sflag:s29] =	ssyncadd.s32 $0xFFFFFFFF  }
0xb5: {  	_ =	strace $0x90000057  }
0xb6: {  	_ =	sfence  }
0xb7: {  	s30 =	sld [smem:$0x0];
	_ =	sdelay $0x2  }
0xb8: {  	s31 =	sshll.u32 s1, $0xD;
	s1 =	sshrl.u32 s1, $0x2  }
0xb9: {  	s3 =	sand.u32 $0x4000, s31;
	s1 =	sadd.s32 s1, s30  }
0xba: {  	s0 =	sor.u32 s3, s0;
	s1 =	sshll.u32 s1, $0x11  }
0xbb: {  	s0 =	sor.u32 s1, s0  }
0xbc: {  	s0 =	sadd.s32 $0x8F2B, s0  }
0xbd: {  	[sflag:s0] =	ssyncadd.remote.s32 $0x1  }
0xbe: {  	_ =	sfence.sel $0xFFFF  }
0xbf: {  	[dreg:$0x0] =	wrdreg $0xFFFFFFFF;
	(pc) =	sbr.abs _section_cstart, $3  }
0xc0: {  	[dreg:$0x1] =	wrdreg $0xFFFFFFFF  }
0xc1: {  	_ =	task.clear_ibuf [dreg:s6], $0x2FFFF;
	_ =	strace $0x9FFFFFFF  }
0xc2: {  	(tm) =	ssettm $0x7FFFFFFF  }
0xc3: {  	_ =	shalt  }
tec
execute0_lowered:
.L_overlay_start_1:
0x0: {  	(tag) =	ssettag $0x1  }
0x1: {  	s4 =	rddreg [dreg:$0x0]  }
0x2: {  	s2 =	rddreg [dreg:$0x1]  }
0x3: {  	s0 =	rddreg [dreg:$0x2];
	s3 =	simm.s32 $0x0;
	s5 =	srdreg.scid  }
0x4: {  	s1 =	stileid.u32;
	s15 =	simm.s32 $0x1;
	s16 =	simm.s32 $0x50  }
0x5: {  	s17 =	simm.s32 $0x2;
	s18 =	simm.s32 $0x3E00;
	s19 =	simm.s32 $0x0  }
0x6: {  	s6 =	sand.u32 $0x1, s5;
	s26 =	sshll.u32 s1, $0x1;
	s7 =	smul.u32 $0x14000, s1  }
0x7: {  	[smem:$0x7FF] =	sst s3;
	s10 =	sadd.s32 $0xAF1200, s4;
	s11 =	smul.u32 $0x50000, s1  }
0x8: {  	s29 =	sshll.u32 s1, $0x6;
	s14 =	smul.u32 $0x4E200, s1;
	s5 =	sor.u32 s6, s26  }
0x9: {  	s8 =	smul.u32 $0x140000, s6;
	_ =	strace $0x80000056;
	s28 =	ssub.s32 $0x2, s6  }
0xa: {  	s31 =	smul.u32 $0x27100, s6;
	s9 =	sshll.u32 s5, $0xB;
	s12 =	sshrl.u32 s28, $0x1  }
0xb: {  	s11 =	sshrl.u32 s11, $0x2;
	s5 =	smul.u32 $0x138800, s5;
	s9 =	sadd.s32 s9, s4  }
0xc: {  	s8 =	sadd.s32 s7, s8;
	s7 =	sshrl.u32 s7, $0x3;
	s12 =	ssub.s32 s28, s12  }
0xd: {  	s11 =	sadd.s32 s11, s2;
	s8 =	sshrl.u32 s8, $0x3;
	s7 =	sadd.s32 s7, s4  }
0xe: {  	s13 =	sshrl.u32 s5, $0x3;
	s5 =	sor.u32 $0x1C03, s29;
	s6 =	sadd.s32 $0x6E00, s9  }
0xf: {  	s9 =	smax.u32 s12, $0x1;
	s11 =	sshrl.u32 s11, $0x3;
	s12 =	simm.s32 $0x3  }
0x10: {  	s8 =	sadd.s32 s8, s4;
	s4 =	sadd.s32 $0x16E00, s7;
	s30 =	sadd.s32 s10, s13  }
0x11: {  	s10 =	sadd.s32 s14, s10;
	s13 =	simm.s32 $0x4000;
	s14 =	simm.s32 $0x6800  }
0x12: {  	s7 =	sadd.s32 $0x26C00, s30;
	s8 =	sadd.s32 $0x3EE00, s8;
	s10 =	sadd.s32 s31, s10  }
.LBB2_1:
0x13: {  	[spmem:s11], [sflag:s5] =	dma.local [hbm:s4], $0x2800  }
0x14: {  	_ =	swait.ge [sflag:s12], $0x2800  }
0x15: {  	[sflag:s12] =	ssyncset.done $0x0  }
0x16: {  	[sflag:s12] =	ssyncadd.s32 $0xFFFFD800  }
0x17: {  	[tilespmem:s3], [sflag:$0x3] =	stream.linear.gather [hbm4b:s6+s3], $0x3E80, $0x38;
	[tilespmem:$0x1D000] =	vst v63  }
0x18: {  	_ =	swait.ge [sflag:s12], $0x3E80  }
0x19: {  	[sflag:s12] =	ssyncset.done $0x0  }
0x1a: {  	[sflag:s12] =	ssyncadd.s32 $0xFFFFC180  }
0x1b: {  	[bflag:$0x0] =	sbarrier.arrive $0xFFFF  }
0x1c: {  	[tilespmem:s13], [sflag:$0x1] =	stream.linear.gather [hbm4b:s10+s3], $0x2800, $0x38;
	[tilespmem:$0x1D000] =	vst v63  }
0x1d: {  	s20 =	sadd.s32 $0x500, s10  }
0x1e: {  	[tilespmem:s14], [sflag:$0x2] =	stream.linear.gather [hbm4b:s20+s3], $0x2800, $0x38;
	[tilespmem:$0x1D000] =	vst v63  }
0x1f: {  	_ =	swait.ge [sflag:s15], $0x2800  }
0x20: {  	[sflag:s15] =	ssyncset.done $0x0  }
0x21: {  	s30 =	simm.s32 $0x0;
	[sflag:s15] =	ssyncadd.s32 $0xFFFFD800  }
0x22: {  	[spmem:s2] =	stream.indirect.scatter.add.f32 [tilespmem:s13], [sflag:$0x3], $0x80, s30, s16, $0xb8;
	[tilespmem:$0x1D000] =	vst v63  }
0x23: {  	_ =	swait.ge [sflag:s12], $0x2800  }
0x24: {  	[sflag:s12] =	ssyncset.done $0x0  }
0x25: {  	[sflag:s12] =	ssyncadd.s32 $0xFFFFD800  }
0x26: {  	_ =	swait.ge [sflag:s17], $0x2800  }
0x27: {  	[sflag:s17] =	ssyncset.done $0x0  }
0x28: {  	s31 =	simm.s32 $0x80;
	[sflag:s17] =	ssyncadd.s32 $0xFFFFD800  }
0x29: {  	[spmem:s2] =	stream.indirect.scatter.add.f32 [tilespmem:s14], [sflag:$0x3], $0x80, s31, s16, $0xb8;
	[tilespmem:$0x1D000] =	vst v63  }
0x2a: {  	_ =	swait.ge [sflag:s12], $0x2800  }
0x2b: {  	s21 =	smov.u32 s10;
	s20 =	simm.s32 $0x400;
	[sflag:s12] =	ssyncset.done $0x0  }
.LBB2_2:
0x2c: {  	p0 =	sne.s32 s20, $0xF400;
	[sflag:s12] =	ssyncadd.s32 $0xFFFFD800;
	s21 =	sadd.s32 $0xA00, s21  }
0x2d: {  	[tilespmem:s13], [sflag:$0x1] =	stream.linear.gather [hbm4b:s21+s3], $0x2800, $0x38;
	[tilespmem:$0x1D000] =	vst v63  }
0x2e: {  	s23 =	smov.u32 s20;
	s20 =	sadd.s32 $0x400, s20;
	s22 =	sadd.s32 $0x500, s21  }
0x2f: {  	[tilespmem:s14], [sflag:$0x2] =	stream.linear.gather [hbm4b:s22+s3], $0x2800, $0x38;
	[tilespmem:$0x1D000] =	vst v63  }
0x30: {  	_ =	swait.ge [sflag:s15], $0x2800  }
0x31: {  	[sflag:s15] =	ssyncset.done $0x0  }
0x32: {  	s22 =	sshra.s32 s23, $0x2;
	[sflag:s15] =	ssyncadd.s32 $0xFFFFD800  }
0x33: {  	[spmem:s2] =	stream.indirect.scatter.add.f32 [tilespmem:s13], [sflag:$0x3], $0x80, s22, s16, $0xb8;
	[tilespmem:$0x1D000] =	vst v63  }
0x34: {  	_ =	swait.ge [sflag:s12], $0x2800  }
0x35: {  	[sflag:s12] =	ssyncset.done $0x0  }
0x36: {  	[sflag:s12] =	ssyncadd.s32 $0xFFFFD800  }
0x37: {  	_ =	swait.ge [sflag:s17], $0x2800  }
.Ltmp0:
0x38: {  	[sflag:s17] =	ssyncset.done $0x0;
	(pc) =	sbr.rel @p0 .LBB2_2-.Ltmp0, $4  }
0x39: {  	s22 =	sadd.s32 $0x80, s22;
	[sflag:s17] =	ssyncadd.s32 $0xFFFFD800  }
0x3a: {  	[spmem:s2] =	stream.indirect.scatter.add.f32 [tilespmem:s14], [sflag:$0x3], $0x80, s22, s16, $0xb8;
	[tilespmem:$0x1D000] =	vst v63  }
0x3b: {  	_ =	swait.ge [sflag:s12], $0x2800  }
0x3c: {  	[sflag:s12] =	ssyncset.done $0x0  }
0x3d: {  	[sflag:s12] =	ssyncadd.s32 $0xFFFFD800  }
0x3e: {  	[tilespmem:s13], [sflag:$0x1] =	stream.linear.gather [hbm4b:s7+s3], $0x2800, $0x38;
	[tilespmem:$0x1D000] =	vst v63  }
0x3f: {  	_ =	swait.ge [sflag:s15], $0x2800  }
0x40: {  	[sflag:s15] =	ssyncset.done $0x0  }
0x41: {  	[sflag:s15] =	ssyncadd.s32 $0xFFFFD800  }
0x42: {  	[spmem:s2] =	stream.indirect.scatter.add.f32 [tilespmem:s13], [sflag:$0x3], $0x80, s18, s16, $0xb8;
	[tilespmem:$0x1D000] =	vst v63  }
0x43: {  	_ =	swait.ge [sflag:s12], $0x2800  }
0x44: {  	s19 =	sadd.s32 $0x1, s19;
	[sflag:s12] =	ssyncset.done $0x0  }
0x45: {  	p0 =	sne.s32 s19, s9;
	[sflag:s12] =	ssyncadd.s32 $0xFFFFD800  }
.Ltmp1:
0x46: {  	[bflag:$0x0] =	sbarrier.arrive $0xFFFF;
	(pc) =	sbr.rel @p0 .LBB2_1-.Ltmp1, $4  }
0x47: {  	[hbm:s8], [sflag:s5] =	dma.local [spmem:s11], $0x2800  }
0x48: {  	_ =	swait.ge [sflag:s12], $0x2800  }
0x49: {  	[sflag:s12] =	ssyncset.done $0x0  }
0x4a: {  	[sflag:s12] =	ssyncadd.s32 $0xFFFFD800  }
0x4b: {  	_ =	sfence.sel $0x180000  }
0x4c: {  	[bflag:$0x0] =	sbarrier.arrive $0xFFFF  }
0x4d: {  	p0 =	sne.s32 s1, $0x0;
	_ =	strace $0x90000056  }
0x4e: {  	s0 =	sadd.s32 @!p0 $0x100000, s0;
	[bflag:$0x2] =	sbarrier.arrive $0xFFFF  }
0x4f: {  	[sflag:s0] =	ssyncadd.tile.s32 @!p0 $0x1;
	_ =	shalt  }
.Lfunc_end2:
_tile_overlayer_lowered:
.L_overlay_start_2:
0x50: {  	(tag) =	ssettag $0x2  }
0x51: {  	s0 =	rddreg [dreg:$0x0];
	s2 =	stileid.u32  }
0x52: {  	s1 =	rddreg [dreg:$0x1];
	p0 =	sne.s32 s2, $0x0  }
0x53: {  	s3 =	rddreg [dreg:$0x2];
	[bflag:$0x3] =	sbarrier.arrive $0xFFFF;
	s2 =	simm.s32 @!p0 $0x1C03  }
0x54: {  	[timem:s3], [sflag:s2] =	dma.local @!p0 [hbm:s0], s1  }
0x55: {  	s0 =	simm.s32 @!p0 $0x3  }
0x56: {  	_ =	swait.ge @!p0 [sflag:s0], s1  }
0x57: {  	s1 =	ssub.s32 @!p0 $0x0, s1;
	[sflag:s0] =	ssyncset.done @!p0 $0x0  }
0x58: {  	[sflag:s0] =	ssyncadd.s32 @!p0 s1  }
0x59: {  	[bflag:$0x3] =	sbarrier.arrive $0xFFFF  }
0x5a: {  	_ =	shalt  }

// kernel: kernel.33.cloned.1.call-start
scs
__scs_entry_jumppad:
0x0: {  	(pc) =	sbr.rel $0x88, $3  }
0x1: {  	(tag) =	ssettag $0x0;
	lr =	simm.s32 $0x1  }
0x2: {  	[smem:$0x3F92] =	sst lr;
	_ =	strace $0xD0000000  }
0x3: {  	_ = 	snop  }
0x4: {  	_ = 	snop  }
0x5: {  	_ = 	snop  }
0x6: {  	_ = 	snop  }
0x7: {  	_ = 	snop  }
__scs_overlays_trampoline_lowered:
0x8: {  	[smem:$0x3FA1] =	sst s0  }
0x9: {  	[smem:$0x3FA2] =	sst s1  }
0xa: {  	[smem:$0x3FA3] =	sst s2  }
0xb: {  	[smem:$0x3FA4] =	sst s3  }
0xc: {  	[smem:$0x3FA5] =	sst s4  }
0xd: {  	[smem:$0x3FA6] =	sst s5  }
0xe: {  	[smem:$0x3FA7] =	sst s6  }
0xf: {  	[smem:$0x3FA8] =	sst s7  }
0x10: {  	[smem:$0x3FA9] =	sst s8  }
0x11: {  	[smem:$0x3FAA] =	sst s9;
	s0 =	simm.s32 @!p0 $0x0  }
0x12: {  	s1 =	sld [smem:$0x3F90];
	s0 =	simm.s32 @p0 $0x1  }
0x13: {  	[smem:$0x3FAB] =	sst s0;
	s0 =	simm.s32 @!p1 $0x0  }
0x14: {  	s2 =	sld [smem:$0x3F8F];
	s0 =	simm.s32 @p1 $0x1  }
0x15: {  	[smem:$0x3FAC] =	sst s0;
	s0 =	simm.s32 @!p2 $0x0  }
0x16: {  	s3 =	sld [smem:$0x3FDB];
	s0 =	simm.s32 @p2 $0x1  }
0x17: {  	s4 =	simm.s32 $0x1BF5;
	[smem:$0x3FAE] =	sst s0  }
0x18: {  	s0 =	sld [smem:$0x3F91];
	_ =	swait.ge [sflag:s4], $0x0  }
0x19: {  	s7 =	sld [smem:$0x3F92]  }
0x1a: {  	s8 =	sadd.s32 $0xFFFFE003, lr  }
0x1b: {  	s9 =	sadd.s32 $0xFFFFFEF7, lr;
	s5 =	simm.s32 $0xFFFFFFFF;
	p2 =	slt.u32 s8, $0xFFFFF086  }
0x1c: {  	p1 =	slt.u32 s9, $0xF7A;
	s5 =	simm.s32 @!p2 $0x0  }
0x1d: {  	s5 =	simm.s32 @p1 $0x1;
	p0 =	seq.s32 s7, s2  }
0x1e: {  	s7 =	smul.u32 @!p0 $0xF7A, s2;
	p2 =	seq.s32 @!p0 s5, $0x0  }
0x1f: {  	s9 =	smul.u32 $0xF7A, s1;
	s8 =	simm.s32 @!p0 $0x1BF5;
	p2 =	por !p2, p0  }
0x20: {  	[sflag:s8] =	ssyncset.s32 @!p0 $0xFFFFF086;
	s6 =	sadd.s32 @!p0 s3, s7;
	s7 =	simm.s32 @!p0 $0x108  }
0x21: {  	s3 =	sadd.s32 s3, s9;
	s6 =	sadd.s32 @!p0 $0x88, s6;
	s7 =	simm.s32 @p2 $0x1082  }
0x22: {  	[simem:s7], [sflag:s8] =	dma.local @!p0 [hbm:s6], $0xF7A  }
0x23: {  	s9 =	sor.u32 $0xD0000000, s2;
	s6 =	simm.s32 $0x108;
	_ =	swait.ge @!p0 [sflag:s8], $0x0  }
0x24: {  	s3 =	sadd.s32 $0x88, s3;
	s6 =	simm.s32 @!p1 $0x1082;
	[sflag:s4] =	ssyncset.s32 $0xFFFFF086  }
0x25: {  	[simem:s6], [sflag:s4] =	dma.local [hbm:s3], $0xF7A  }
0x26: {  	[smem:$0x3F92] =	sst s1;
	(tag) =	ssettag s2;
	_ =	strace s9  }
0x27: {  	s1 =	sld [smem:$0x3FA2]  }
0x28: {  	s2 =	sld [smem:$0x3FA3]  }
0x29: {  	s4 =	sld [smem:$0x3FA5]  }
0x2a: {  	p0 =	seq.s32 s5, $0x0;
	s5 =	sld [smem:$0x3FA6]  }
0x2b: {  	s6 =	sld [smem:$0x3FA7]  }
0x2c: {  	s7 =	sld [smem:$0x3FA8]  }
0x2d: {  	s3 =	simm.s32 $0x108;
	s8 =	sld [smem:$0x3FA9]  }
0x2e: {  	s3 =	simm.s32 @!p0 $0x1082;
	s9 =	sld [smem:$0x3FAA]  }
0x2f: {  	lr =	sadd.s32 s0, s3;
	s0 =	sld [smem:$0x3FA1]  }
0x30: {  	s3 =	sld [smem:$0x3FA4]  }
0x31: {  	[smem:$0x3FAD] =	sst s10  }
0x32: {  	s10 =	sld [smem:$0x3FAB];
	_ =	sdelay $0x3  }
0x33: {  	p0 =	seq.s32 s10, $0x1;
	s10 =	sld [smem:$0x3FAD];
	_ =	sdelay $0x3  }
0x34: {  	[smem:$0x3FAD] =	sst s10  }
0x35: {  	s10 =	sld [smem:$0x3FAC];
	_ =	sdelay $0x3  }
0x36: {  	p1 =	seq.s32 s10, $0x1;
	s10 =	sld [smem:$0x3FAD];
	_ =	sdelay $0x3  }
0x37: {  	[smem:$0x3FAD] =	sst s10  }
0x38: {  	s10 =	sld [smem:$0x3FAE]  }
0x39: {  	_ = 	snop;
	(pc) =	sbr.ind lr, $3  }
0x3a: {  	_ = 	snop  }
0x3b: {  	_ = 	snop  }
0x3c: {  	p2 =	seq.s32 s10, $0x1;
	s10 =	sld [smem:$0x3FAD]  }
0x3d: {  	_ =	shalt  }
0x3e: {  	_ =	shalt  }
0x3f: {  	_ =	shalt  }
0x40: {  	_ =	shalt  }
0x41: {  	_ =	shalt  }
0x42: {  	_ =	shalt  }
0x43: {  	_ =	shalt  }
0x44: {  	_ =	shalt  }
0x45: {  	_ =	shalt  }
0x46: {  	_ =	shalt  }
0x47: {  	_ =	shalt  }
0x48: {  	_ =	shalt  }
0x49: {  	_ =	shalt  }
0x4a: {  	_ =	shalt  }
0x4b: {  	_ =	shalt  }
0x4c: {  	_ =	shalt  }
0x4d: {  	_ =	shalt  }
0x4e: {  	_ =	shalt  }
0x4f: {  	_ =	shalt  }
0x50: {  	_ =	shalt  }
0x51: {  	_ =	shalt  }
0x52: {  	_ =	shalt  }
0x53: {  	_ =	shalt  }
0x54: {  	_ =	shalt  }
0x55: {  	_ =	shalt  }
0x56: {  	_ =	shalt  }
0x57: {  	_ =	shalt  }
0x58: {  	_ =	shalt  }
0x59: {  	_ =	shalt  }
0x5a: {  	_ =	shalt  }
0x5b: {  	_ =	shalt  }
0x5c: {  	_ =	shalt  }
0x5d: {  	_ =	shalt  }
0x5e: {  	_ =	shalt  }
0x5f: {  	_ =	shalt  }
0x60: {  	_ =	shalt  }
0x61: {  	_ =	shalt  }
0x62: {  	_ =	shalt  }
0x63: {  	_ =	shalt  }
0x64: {  	_ =	shalt  }
0x65: {  	_ =	shalt  }
0x66: {  	_ =	shalt  }
0x67: {  	_ =	shalt  }
0x68: {  	_ =	shalt  }
0x69: {  	_ =	shalt  }
0x6a: {  	_ =	shalt  }
0x6b: {  	_ =	shalt  }
0x6c: {  	_ =	shalt  }
0x6d: {  	_ =	shalt  }
0x6e: {  	_ =	shalt  }
0x6f: {  	_ =	shalt  }
0x70: {  	_ =	shalt  }
0x71: {  	_ =	shalt  }
0x72: {  	_ =	shalt  }
0x73: {  	_ =	shalt  }
0x74: {  	_ =	shalt  }
0x75: {  	_ =	shalt  }
0x76: {  	_ =	shalt  }
0x77: {  	_ =	shalt  }
0x78: {  	_ =	shalt  }
0x79: {  	_ =	shalt  }
0x7a: {  	_ =	shalt  }
0x7b: {  	_ =	shalt  }
0x7c: {  	_ =	shalt  }
0x7d: {  	_ =	shalt  }
0x7e: {  	_ =	shalt  }
0x7f: {  	_ =	shalt  }
0x80: {  	_ =	shalt  }
0x81: {  	_ =	shalt  }
0x82: {  	_ =	shalt  }
0x83: {  	_ =	shalt  }
0x84: {  	_ =	shalt  }
0x85: {  	_ =	shalt  }
0x86: {  	_ =	shalt  }
0x87: {  	_ =	shalt  }
.Lfunc_end0:
.L_simem_size_0:
called_computation.6_lowered:
.L_overlay_start_0:
0x88: {  	s2 =	sld [smem:$0x3FD9]  }
0x89: {  	s3 =	sld [smem:$0x3FFE];
	_ =	sdelay $0x1  }
0x8a: {  	s1 =	srdreg.scid  }
0x8b: {  	s0 =	sand.u32 $0x1, s1  }
0x8c: {  	s16 =	sshll.u32 s0, $0xA;
	s2 =	sadd.s32 s3, s2  }
0x8d: {  	s2 =	sadd.s32 s2, s16  }
0x8e: {  	[smem:$0x3FB9] =	sst s2  }
0x8f: {  	_ = 	snop  }
0x90: {  	(tm) =	ssettm $0x1  }
0x91: {  	s17 =	sld [smem:$0x3FFB];
	_ =	sdelay $0x3  }
0x92: {  	_ =	strace s17  }
0x93: {  	s2 =	sld [smem:$0x3FFC];
	_ =	sdelay $0x3  }
0x94: {  	_ =	strace s2  }
0x95: {  	s2 =	sld [smem:$0x3FFD];
	_ =	sdelay $0x3  }
0x96: {  	_ =	strace s2  }
0x97: {  	_ =	strace $0x8FFFFFFF  }
0x98: {  	s18 =	sld [smem:$0x3FDB];
	_ =	sdelay $0x1  }
0x99: {  	s19 =	simm.s32 $_scs_section_size  }
0x9a: {  	s4 =	simm.s32 $_size__tile_overlayer_lowered;
	s5 =	simm.s32 $_tile_overlayer_lowered  }
0x9b: {  	s22 =	simm.s32 $0x1BFF;
	s21 =	sshll.u32 s5, $0x1;
	s2 =	sadd.s32 s19, s18  }
0x9c: {  	s6 =	simm.s32 $0x0;
	s20 =	sshll.u32 s4, $0x1;
	s4 =	sadd.s32 s21, s2  }
0x9d: {  	[timem:s6], [sflag:s22] =	dma.local [hbm:s4], s20  }
0x9e: {  	_ =	swait.ge [sflag:s22], s20  }
0x9f: {  	s3 =	ssub.s32 $0x0, s20;
	[sflag:s22] =	ssyncset.done $0x0  }
0xa0: {  	[sflag:s22] =	ssyncadd.s32 s3;
	_ =	sdelay $0x1  }
0xa1: {  	s23 =	simm.s32 $0x1B8B  }
0xa2: {  	_ =	swait.ge [sflag:s23], $0x1  }
0xa3: {  	[sflag:s23] =	ssyncset.done $0x0  }
0xa4: {  	s25 =	simm.s32 $0x1B8E;
	s24 =	sld [smem:$0x3FFE];
	[sflag:s23] =	ssyncadd.s32 $0xFFFFFFFF  }
0xa5: {  	s26 =	simm.s32 $execute0_lowered;
	[smem:$0x3FD2] =	sst s25  }
0xa6: {  	s4 =	sshll.u32 s26, $0x1;
	_ =	strace $0x80000058;
	[dreg:$0x1] =	wrdreg $0xFFFFFFFF  }
0xa7: {  	s28 =	simm.s32 $_size_execute0_lowered;
	s2 =	sadd.s32 s2, s4;
	[dreg:$0x0] =	wrdreg $0x0  }
0xa8: {  	s4 =	sshll.u32 s28, $0x1;
	[dreg:$0x2] =	wrdreg s2  }
0xa9: {  	[dreg:$0x3] =	wrdreg s4  }
0xaa: {  	[dreg:$0x4] =	wrdreg $0xC0  }
0xab: {  	_ =	task [dreg:s6], $0x5FFFF  }
0xac: {  	[dreg:$0x1] =	wrdreg $0xFFFFFFFF  }
0xad: {  	[dreg:$0x0] =	wrdreg $0x60  }
0xae: {  	[dreg:$0x2] =	wrdreg s24  }
0xaf: {  	[dreg:$0x3] =	wrdreg $0x9  }
0xb0: {  	_ =	task.clear_ibuf [dreg:s6], $0x4FFFF;
	_ =	strace $0x90000058  }
0xb1: {  	s29 =	simm.s32 $0x9;
	_ =	strace $0x8000005A  }
0xb2: {  	_ =	swait.ge [sflag:s29], $0x1  }
0xb3: {  	[sflag:s29] =	ssyncadd.s32 $0xFFFFFFFF  }
0xb4: {  	_ =	strace $0x9000005A  }
0xb5: {  	_ =	sfence  }
0xb6: {  	s30 =	sld [smem:$0x0];
	_ =	sdelay $0x2  }
0xb7: {  	s31 =	sshll.u32 s1, $0xD;
	s1 =	sshrl.u32 s1, $0x2  }
0xb8: {  	s3 =	sand.u32 $0x4000, s31;
	s1 =	sadd.s32 s1, s30  }
0xb9: {  	s0 =	sor.u32 s3, s0;
	s1 =	sshll.u32 s1, $0x11  }
0xba: {  	s0 =	sor.u32 s1, s0  }
0xbb: {  	s0 =	sadd.s32 $0x8F2B, s0  }
0xbc: {  	[sflag:s0] =	ssyncadd.remote.s32 $0x1  }
0xbd: {  	_ =	sfence.sel $0xFFFF  }
0xbe: {  	[dreg:$0x0] =	wrdreg $0xFFFFFFFF;
	(pc) =	sbr.abs _section_cstart, $3  }
0xbf: {  	[dreg:$0x1] =	wrdreg $0xFFFFFFFF  }
0xc0: {  	_ =	task.clear_ibuf [dreg:s6], $0x2FFFF;
	_ =	strace $0x9FFFFFFF  }
0xc1: {  	(tm) =	ssettm $0x7FFFFFFF  }
tec
execute0_lowered:
.L_overlay_start_1:
0x0: {  	(tag) =	ssettag $0x1  }
0x1: {  	s4 =	rddreg [dreg:$0x0]  }
0x2: {  	s0 =	rddreg [dreg:$0x1];
	s3 =	srdreg.scid  }
0x3: {  	s1 =	stileid.u32;
	s2 =	simm.s32 $0x0;
	s12 =	simm.s32 $0x9000  }
0x4: {  	s13 =	simm.s32 $0xB800;
	s14 =	simm.s32 $0x1;
	s15 =	simm.s32 $0x2  }
0x5: {  	s16 =	simm.s32 $0x3;
	s17 =	simm.s32 $0x4;
	s18 =	simm.s32 $0x3E00  }
0x6: {  	s19 =	simm.s32 $0x0;
	s5 =	sand.u32 $0x1, s3;
	s28 =	sshll.u32 s1, $0x1  }
0x7: {  	[smem:$0x7FF] =	sst s2;
	s3 =	sadd.s32 $0x16E00, s4;
	s9 =	sadd.s32 $0x3E000, s4  }
0x8: {  	s10 =	smul.u32 $0x4E200, s1;
	s6 =	sor.u32 s5, s28;
	_ =	strace $0x80000059  }
0x9: {  	s8 =	ssub.s32 $0x2, s5;
	s11 =	smul.u32 $0x27100, s5;
	s7 =	sshll.u32 s6, $0xB  }
0xa: {  	s6 =	smul.u32 $0x138800, s6;
	s29 =	sshrl.u32 s8, $0x1;
	s31 =	sadd.s32 s10, s9  }
0xb: {  	s10 =	simm.s32 $0x4000;
	s7 =	sadd.s32 s7, s4;
	s8 =	ssub.s32 s8, s29  }
0xc: {  	s6 =	sshrl.u32 s6, $0x3;
	s4 =	sadd.s32 $0x6E00, s7;
	s7 =	sadd.s32 s11, s31  }
0xd: {  	s11 =	simm.s32 $0x6800;
	s30 =	sadd.s32 s9, s6;
	s6 =	smax.u32 s8, $0x1  }
0xe: {  	s8 =	simm.s32 $0x5;
	s9 =	simm.s32 $0x50;
	s5 =	sadd.s32 $0x26C00, s30  }
.LBB2_1:
0xf: {  	[tilespmem:s2], [sflag:$0x5] =	stream.linear.gather [hbm4b:s4+s2], $0x3E80, $0x38;
	[tilespmem:$0xE000] =	vst v63  }
0x10: {  	_ =	swait.ge [sflag:s8], $0x3E80  }
0x11: {  	[sflag:s8] =	ssyncset.done $0x0  }
0x12: {  	[sflag:s8] =	ssyncadd.s32 $0xFFFFC180  }
0x13: {  	[tilespmem:s10], [sflag:$0x1] =	stream.indirect.gather [hbm4b:s3+s9], $0x80, s2, s9, $0xb8;
	[tilespmem:$0xE000] =	vst v63  }
0x14: {  	s20 =	simm.s32 $0x80  }
0x15: {  	[tilespmem:s11], [sflag:$0x2] =	stream.indirect.gather [hbm4b:s3+s9], $0x80, s20, s9, $0xb8;
	[tilespmem:$0xE000] =	vst v63  }
0x16: {  	s28 =	simm.s32 $0x100  }
0x17: {  	[tilespmem:s12], [sflag:$0x3] =	stream.indirect.gather [hbm4b:s3+s9], $0x80, s28, s9, $0xb8;
	[tilespmem:$0xE000] =	vst v63  }
0x18: {  	s29 =	simm.s32 $0x180  }
0x19: {  	[tilespmem:s13], [sflag:$0x4] =	stream.indirect.gather [hbm4b:s3+s9], $0x80, s29, s9, $0xb8;
	[tilespmem:$0xE000] =	vst v63  }
0x1a: {  	_ =	swait.ge [sflag:s14], $0x2800  }
0x1b: {  	[sflag:s14] =	ssyncset.done $0x0  }
0x1c: {  	s30 =	sadd.s32 $0x0, s7;
	[sflag:s14] =	ssyncadd.s32 $0xFFFFD800  }
0x1d: {  	[hbm4b:s30+s2] =	stream.linear.scatter [tilespmem:s10], [sflag:$0x5], $0x2800, $0x38;
	[tilespmem:$0xE000] =	vst v63  }
0x1e: {  	_ =	swait.ge [sflag:s8], $0x2800  }
0x1f: {  	[sflag:s8] =	ssyncset.done $0x0  }
0x20: {  	[sflag:s8] =	ssyncadd.s32 $0xFFFFD800  }
0x21: {  	_ =	swait.ge [sflag:s15], $0x2800  }
0x22: {  	[sflag:s15] =	ssyncset.done $0x0  }
0x23: {  	s21 =	sadd.s32 $0x500, s30;
	[sflag:s15] =	ssyncadd.s32 $0xFFFFD800  }
0x24: {  	[hbm4b:s21+s2] =	stream.linear.scatter [tilespmem:s11], [sflag:$0x5], $0x2800, $0x38;
	[tilespmem:$0xE000] =	vst v63  }
0x25: {  	_ =	swait.ge [sflag:s8], $0x2800  }
0x26: {  	[sflag:s8] =	ssyncset.done $0x0  }
0x27: {  	[sflag:s8] =	ssyncadd.s32 $0xFFFFD800  }
0x28: {  	_ =	swait.ge [sflag:s16], $0x2800  }
0x29: {  	[sflag:s16] =	ssyncset.done $0x0  }
0x2a: {  	s31 =	sadd.s32 $0xA00, s30;
	[sflag:s16] =	ssyncadd.s32 $0xFFFFD800  }
0x2b: {  	[hbm4b:s31+s2] =	stream.linear.scatter [tilespmem:s12], [sflag:$0x5], $0x2800, $0x38;
	[tilespmem:$0xE000] =	vst v63  }
0x2c: {  	_ =	swait.ge [sflag:s8], $0x2800  }
0x2d: {  	[sflag:s8] =	ssyncset.done $0x0  }
0x2e: {  	[sflag:s8] =	ssyncadd.s32 $0xFFFFD800  }
0x2f: {  	_ =	swait.ge [sflag:s17], $0x2800  }
0x30: {  	[sflag:s17] =	ssyncset.done $0x0  }
0x31: {  	s20 =	sadd.s32 $0xF00, s30;
	[sflag:s17] =	ssyncadd.s32 $0xFFFFD800  }
0x32: {  	[hbm4b:s20+s2] =	stream.linear.scatter [tilespmem:s13], [sflag:$0x5], $0x2800, $0x38;
	[tilespmem:$0xE000] =	vst v63  }
0x33: {  	_ =	swait.ge [sflag:s8], $0x2800  }
0x34: {  	s21 =	simm.s32 $0x0;
	s20 =	simm.s32 $0x1400;
	[sflag:s8] =	ssyncset.done $0x0  }
.LBB2_2:
0x35: {  	p0 =	sne.s32 s20, $0x25800;
	[sflag:s8] =	ssyncadd.s32 $0xFFFFD800;
	s21 =	sadd.s32 $0x200, s21  }
0x36: {  	[tilespmem:s10], [sflag:$0x1] =	stream.indirect.gather [hbm4b:s3+s9], $0x80, s21, s9, $0xb8;
	[tilespmem:$0xE000] =	vst v63  }
0x37: {  	s23 =	smov.u32 s20;
	s20 =	sadd.s32 $0x1400, s20;
	s22 =	sadd.s32 $0x80, s21  }
0x38: {  	[tilespmem:s11], [sflag:$0x2] =	stream.indirect.gather [hbm4b:s3+s9], $0x80, s22, s9, $0xb8;
	[tilespmem:$0xE000] =	vst v63  }
0x39: {  	s22 =	sadd.s32 $0x100, s21  }
0x3a: {  	[tilespmem:s12], [sflag:$0x3] =	stream.indirect.gather [hbm4b:s3+s9], $0x80, s22, s9, $0xb8;
	[tilespmem:$0xE000] =	vst v63  }
0x3b: {  	s22 =	sadd.s32 $0x180, s21  }
0x3c: {  	[tilespmem:s13], [sflag:$0x4] =	stream.indirect.gather [hbm4b:s3+s9], $0x80, s22, s9, $0xb8;
	[tilespmem:$0xE000] =	vst v63  }
0x3d: {  	_ =	swait.ge [sflag:s14], $0x2800  }
0x3e: {  	[sflag:s14] =	ssyncset.done $0x0  }
0x3f: {  	s22 =	sadd.s32 s23, s7;
	[sflag:s14] =	ssyncadd.s32 $0xFFFFD800  }
0x40: {  	[hbm4b:s22+s2] =	stream.linear.scatter [tilespmem:s10], [sflag:$0x5], $0x2800, $0x38;
	[tilespmem:$0xE000] =	vst v63  }
0x41: {  	_ =	swait.ge [sflag:s8], $0x2800  }
0x42: {  	[sflag:s8] =	ssyncset.done $0x0  }
0x43: {  	[sflag:s8] =	ssyncadd.s32 $0xFFFFD800  }
0x44: {  	_ =	swait.ge [sflag:s15], $0x2800  }
0x45: {  	[sflag:s15] =	ssyncset.done $0x0  }
0x46: {  	s23 =	sadd.s32 $0x500, s22;
	[sflag:s15] =	ssyncadd.s32 $0xFFFFD800  }
0x47: {  	[hbm4b:s23+s2] =	stream.linear.scatter [tilespmem:s11], [sflag:$0x5], $0x2800, $0x38;
	[tilespmem:$0xE000] =	vst v63  }
0x48: {  	_ =	swait.ge [sflag:s8], $0x2800  }
0x49: {  	[sflag:s8] =	ssyncset.done $0x0  }
0x4a: {  	[sflag:s8] =	ssyncadd.s32 $0xFFFFD800  }
0x4b: {  	_ =	swait.ge [sflag:s16], $0x2800  }
0x4c: {  	[sflag:s16] =	ssyncset.done $0x0  }
0x4d: {  	s23 =	sadd.s32 $0xA00, s22;
	[sflag:s16] =	ssyncadd.s32 $0xFFFFD800  }
0x4e: {  	[hbm4b:s23+s2] =	stream.linear.scatter [tilespmem:s12], [sflag:$0x5], $0x2800, $0x38;
	[tilespmem:$0xE000] =	vst v63  }
0x4f: {  	_ =	swait.ge [sflag:s8], $0x2800  }
0x50: {  	[sflag:s8] =	ssyncset.done $0x0  }
0x51: {  	[sflag:s8] =	ssyncadd.s32 $0xFFFFD800  }
0x52: {  	_ =	swait.ge [sflag:s17], $0x2800  }
.Ltmp0:
0x53: {  	[sflag:s17] =	ssyncset.done $0x0;
	(pc) =	sbr.rel @p0 .LBB2_2-.Ltmp0, $4  }
0x54: {  	s22 =	sadd.s32 $0xF00, s22;
	[sflag:s17] =	ssyncadd.s32 $0xFFFFD800  }
0x55: {  	[hbm4b:s22+s2] =	stream.linear.scatter [tilespmem:s13], [sflag:$0x5], $0x2800, $0x38;
	[tilespmem:$0xE000] =	vst v63  }
0x56: {  	_ =	swait.ge [sflag:s8], $0x2800  }
0x57: {  	[sflag:s8] =	ssyncset.done $0x0  }
0x58: {  	[sflag:s8] =	ssyncadd.s32 $0xFFFFD800  }
0x59: {  	[tilespmem:s10], [sflag:$0x1] =	stream.indirect.gather [hbm4b:s3+s9], $0x80, s18, s9, $0xb8;
	[tilespmem:$0xE000] =	vst v63  }
0x5a: {  	s19 =	sadd.s32 $0x1, s19;
	_ =	swait.ge [sflag:s14], $0x2800  }
0x5b: {  	p0 =	sne.s32 s19, s6;
	[sflag:s14] =	ssyncset.done $0x0  }
.Ltmp1:
0x5c: {  	[sflag:s14] =	ssyncadd.s32 $0xFFFFD800;
	(pc) =	sbr.rel @p0 .LBB2_1-.Ltmp1, $4  }
0x5d: {  	[hbm4b:s5+s2] =	stream.linear.scatter [tilespmem:s10], [sflag:$0x5], $0x2800, $0x38;
	[tilespmem:$0xE000] =	vst v63  }
0x5e: {  	_ =	swait.ge [sflag:s8], $0x2800  }
0x5f: {  	[sflag:s8] =	ssyncset.done $0x0  }
0x60: {  	[sflag:s8] =	ssyncadd.s32 $0xFFFFD800  }
0x61: {  	_ =	sfence.sel $0x180000  }
0x62: {  	[bflag:$0x0] =	sbarrier.arrive $0xFFFF  }
0x63: {  	p0 =	sne.s32 s1, $0x0;
	_ =	strace $0x90000059  }
0x64: {  	s0 =	sadd.s32 @!p0 $0x100000, s0;
	[bflag:$0x2] =	sbarrier.arrive $0xFFFF  }
0x65: {  	[sflag:s0] =	ssyncadd.tile.s32 @!p0 $0x1;
	_ =	shalt  }
.Lfunc_end2:
_tile_overlayer_lowered:
.L_overlay_start_2:
0x66: {  	(tag) =	ssettag $0x2  }
0x67: {  	s0 =	rddreg [dreg:$0x0];
	s2 =	stileid.u32  }
0x68: {  	s1 =	rddreg [dreg:$0x1];
	p0 =	sne.s32 s2, $0x0  }
0x69: {  	s3 =	rddreg [dreg:$0x2];
	[bflag:$0x3] =	sbarrier.arrive $0xFFFF;
	s2 =	simm.s32 @!p0 $0x1C05  }
0x6a: {  	[timem:s3], [sflag:s2] =	dma.local @!p0 [hbm:s0], s1  }
0x6b: {  	s0 =	simm.s32 @!p0 $0x5  }
0x6c: {  	_ =	swait.ge @!p0 [sflag:s0], s1  }
0x6d: {  	s1 =	ssub.s32 @!p0 $0x0, s1;
	[sflag:s0] =	ssyncset.done @!p0 $0x0  }
0x6e: {  	[sflag:s0] =	ssyncadd.s32 @!p0 s1  }
0x6f: {  	[bflag:$0x3] =	sbarrier.arrive $0xFFFF  }
0x70: {  	_ =	shalt  }

</sc_bundles>
